<compile_context>
chip_gen: v7x
topology: tpu7x:2x2x1
jax: 0.10.2.dev20260603
libtpu: 0.0.44.dev20260713+nightly
codegen_flags: <defaults>
</compile_context>

<pallas_src>
import functools

import jax
import jax.numpy as jnp
from jax import lax
from jax.experimental import pallas as pl
from jax.experimental.pallas import tpu as pltpu
from jax.experimental.pallas import tpu_sc as plsc

V = 1000000
D = 64
NUM_CORES = 2
NUM_SUBCORES = 16
NUM_WORKERS = NUM_CORES * NUM_SUBCORES

TROWS = 2048
TGRID = (V + 2 * TROWS - 1) // (2 * TROWS)
TPAIR = TGRID * TROWS


def _table_mlp_body(xt_ref, w1_ref, b1_ref, w2_ref, b2_ref, o_ref):
    xt = xt_ref[...]
    h = lax.dot_general(
        xt, w1_ref[...], (((0,), (1,)), ((), ())),
        preferred_element_type=jnp.float32,
    )
    h = jnp.maximum(h + b1_ref[...], 0.0)
    o = lax.dot_general(
        h, w2_ref[...], (((1,), (1,)), ((), ())),
        preferred_element_type=jnp.float32,
    )
    o = o + b2_ref[...]
    o_ref[...] = jnp.concatenate([o[:TROWS], o[TROWS:]], axis=1)


def _table_mlp(table_t, W1, b1, W2, b2):
    return pl.pallas_call(
        _table_mlp_body,
        grid=(TGRID,),
        in_specs=[
            pl.BlockSpec((D, 2 * TROWS), lambda i: (0, i)),
            pl.BlockSpec((D, D), lambda i: (0, 0)),
            pl.BlockSpec((1, D), lambda i: (0, 0)),
            pl.BlockSpec((D, D), lambda i: (0, 0)),
            pl.BlockSpec((1, D), lambda i: (0, 0)),
        ],
        out_specs=pl.BlockSpec((TROWS, 2 * D), lambda i: (i, 0)),
        out_shape=jax.ShapeDtypeStruct((TPAIR, 2 * D), jnp.float32),
    )(table_t, W1, b1, W2, b2)


L_SEQ = 50
CROWS = 16
CHUNK = CROWS * L_SEQ
GATHER_SPANS = [(0, 128), (128, 128), (256, 128), (384, 128), (512, 128),
                (640, 128), (768, 32)]


L_PAD = 56


def _gather_body(tab_hbm, idx_hbm, out_hbm, idx_v, qidx_v, rows_v, sem,
                 osem, *, rows_per_w):
    wid = lax.axis_index("s") * NUM_CORES + lax.axis_index("c")
    base = wid * rows_per_w
    num_chunks = rows_per_w // CHUNK

    def chunk_body(c, carry):
        cbase = pl.multiple_of(base + c * CHUNK, CHUNK)
        pltpu.sync_copy(idx_hbm.at[pl.ds(cbase, CHUNK)], idx_v)
        for k in range(CHUNK // 16):
            v = idx_v[pl.ds(k * 16, 16)]
            q = ((v >> 12) << 12) | ((v & 2047) << 1) | ((v >> 11) & 1)
            qidx_v[pl.ds(k * 16, 16)] = q
        copies = [
            pltpu.async_copy(
                tab_hbm.at[qidx_v.at[pl.ds(off, sz)]],
                rows_v.at[pl.ds(off, sz)],
                sem,
            )
            for off, sz in GATHER_SPANS
        ]
        for cp in copies:
            cp.wait()
        brow0 = cbase // L_SEQ
        outs = [
            pltpu.async_copy(
                rows_v.at[pl.ds(j * L_SEQ, L_SEQ)],
                out_hbm.at[brow0 + j, pl.ds(0, L_SEQ), pl.ds(0, D)],
                osem,
            )
            for j in range(CROWS)
        ]
        for cp in outs:
            cp.wait()
        return carry

    lax.fori_loop(0, num_chunks, chunk_body, 0)


def _make_gather(n_rows, batch):
    rows_per_w = n_rows // NUM_WORKERS
    body = functools.partial(_gather_body, rows_per_w=rows_per_w)
    return pl.kernel(
        body,
        mesh=plsc.VectorSubcoreMesh(core_axis_name="c", subcore_axis_name="s"),
        compiler_params=pltpu.CompilerParams(
            use_tc_tiling_on_sc=False, needs_layout_passes=False
        ),
        out_type=jax.ShapeDtypeStruct((batch, L_PAD, 2 * D), jnp.float32),
        scratch_types=[
            pltpu.VMEM((CHUNK,), jnp.int32),
            pltpu.VMEM((CHUNK,), jnp.int32),
            pltpu.VMEM((CHUNK, D), jnp.float32),
            pltpu.SemaphoreType.DMA,
            pltpu.SemaphoreType.DMA,
        ],
    )


def kernel(tampering_codes, table, W1, b1, W2, b2):
    B, L = tampering_codes.shape
    n = B * L
    t2p = _table_mlp(table.T, W1, b1.reshape(1, D), W2, b2.reshape(1, D))
    t2 = t2p.reshape(2 * TPAIR, D)
    idx = tampering_codes.reshape(n).astype(jnp.int32)
    out_pad = _make_gather(n, B)(t2, idx)
    return out_pad[:, :L, :D]

# --- scband reference (transcript-rebuilt; emitter-appended) ---
"""Pipeline reference for scband-tampering-conditioning-encoder-40535901339943 (READ-ONLY COPY).

The authoritative reference and input builder live on the scoring server;
editing this copy changes nothing except your own understanding.
"""

import jax, jax.numpy as jnp
import numpy as np

V = 1000000
D = 64
B = 16384
L = 50

def setup_inputs(seed: int = 0) -> dict:
    key = jax.random.key(seed)
    k0, k1, k2, k3, k4, k5 = jax.random.split(key, 6)
    tampering_codes = jax.random.randint(k0, (B, L), 0, V, dtype=jnp.int64) if jax.config.jax_enable_x64 else jax.random.randint(k0, (B, L), 0, V, dtype=jnp.int32)
    table = jax.random.normal(k1, (V, D), dtype=jnp.float32)
    bound = 1.0 / np.sqrt(D)
    W1 = jax.random.uniform(k2, (D, D), minval=-bound, maxval=bound, dtype=jnp.float32)
    b1 = jax.random.uniform(k3, (D,), minval=-bound, maxval=bound, dtype=jnp.float32)
    W2 = jax.random.uniform(k4, (D, D), minval=-bound, maxval=bound, dtype=jnp.float32)
    b2 = jax.random.uniform(k5, (D,), minval=-bound, maxval=bound, dtype=jnp.float32)
    return {"tampering_codes": tampering_codes, "table": table, "W1": W1, "b1": b1, "W2": W2, "b2": b2}

def reference(tampering_codes, table, W1, b1, W2, b2):
    # nn.Embedding: gather rows
    embeddings = jnp.take(table, tampering_codes, axis=0)
    # nn.Linear(D, D) -> x @ W.T + b, then ReLU, then second Linear
    h = jnp.maximum(embeddings @ W1.T + b1, 0.0)
    out = h @ W2.T + b2
    return out

if __name__ == "__main__":
    import jax
    _d = setup_inputs()
    print(jax.jit(kernel)(*tuple(_d.values())))

</pallas_src>

<mosaic_0001>
#map = affine_map<(d0, d1) -> (0, 0)>
#map1 = affine_map<(d0, d1) -> (0)>
#map2 = affine_map<(d0, d1) -> (0, 0, 0)>
module attributes {stable_mosaic.version = 14 : i64} {
  func.func @_gather_body(%arg0: i32, %arg1: i32, %arg2: memref<1003520x64xf32, #tpu.memory_space<hbm>>, %arg3: memref<819200xi32, #tpu.memory_space<hbm>>, %arg4: memref<16384x56x128xf32, #tpu.memory_space<hbm>>, %arg5: memref<800xi32, #tpu.memory_space<vmem>>, %arg6: memref<800xi32, #tpu.memory_space<vmem>>, %arg7: memref<800x64xf32, #tpu.memory_space<vmem>>, %arg8: memref<!tpu.dma_semaphore, #tpu.memory_space<semaphore_mem>>, %arg9: memref<!tpu.dma_semaphore, #tpu.memory_space<semaphore_mem>>) attributes {dimension_semantics = [#tpu.dimension_semantics<core_parallel>, #tpu.dimension_semantics<subcore_parallel>], iteration_bounds = array<i64: 2, 16>, scalar_prefetch = 0 : i64, scratch_operands = 5 : i64, tpu.core_type = #tpu.core_type<sc_vector_subcore>, window_params = [{transform_indices = #map}, {transform_indices = #map1}, {transform_indices = #map2}]} {
    %mul3A = arith.constant 2 : i32
    %mul3A_0 = arith.muli %arg1, %mul3A : i32
    %add3A = arith.addi %mul3A_0, %arg0 : i32
    %mul3A_1 = arith.constant 25600 : i32
    %mul3A_2 = arith.muli %add3A, %mul3A_1 : i32
    %scan3A = arith.constant 0 : i32
    %scan3A_3 = arith.constant 0 : i32
    %scan3A_4 = arith.constant 32 : i32
    %scan3A_5 = arith.addi %scan3A_3, %scan3A_4 : i32
    %scan3A_6 = arith.constant 1 : i32
    scf.for %scan3A_8 = %scan3A_3 to %scan3A_5 step %scan3A_6  : i32 {
      %mul3A_9 = arith.constant 800 : i32
      %mul3A_10 = arith.muli %scan3A_8, %mul3A_9 : i32
      %add3A_11 = arith.addi %mul3A_2, %mul3A_10 : i32
      %multiple_of3A = tpu.assume_multiple %add3A_11, 800 : i32
      "tpu.region"() ({
        %run_scoped3A = tpu.sem_alloc : memref<!tpu.dma_semaphore, #tpu.memory_space<semaphore_mem>>
        %dma_start3A_1813 = tpu.memref_slice %arg3[%multiple_of3A] : memref<819200xi32, #tpu.memory_space<hbm>> -> memref<800xi32, #tpu.memory_space<hbm>>
        %dma_start3A_1814 = tpu.memref_slice %arg3[%multiple_of3A] : memref<819200xi32, #tpu.memory_space<hbm>> -> memref<800xi32, #tpu.memory_space<hbm>>
        tpu.enqueue_dma source(%dma_start3A_1814 : memref<800xi32, #tpu.memory_space<hbm>>) target(%arg5 : memref<800xi32, #tpu.memory_space<vmem>>) target_semaphore(%run_scoped3A : memref<!tpu.dma_semaphore, #tpu.memory_space<semaphore_mem>>)
        %dma_wait3A_1815 = tpu.memref_slice %arg3[%multiple_of3A] : memref<819200xi32, #tpu.memory_space<hbm>> -> memref<800xi32, #tpu.memory_space<hbm>>
        %dma_wait3A_1816 = tpu.memref_slice %arg3[%multiple_of3A] : memref<819200xi32, #tpu.memory_space<hbm>> -> memref<800xi32, #tpu.memory_space<hbm>>
        tpu.wait_dma2 semaphore(%run_scoped3A : memref<!tpu.dma_semaphore, #tpu.memory_space<semaphore_mem>>) src(%dma_wait3A_1816 : memref<800xi32, #tpu.memory_space<hbm>>) dst(%arg5 : memref<800xi32, #tpu.memory_space<vmem>>)
        tpu.yield
      }) : () -> ()
      %get3A = arith.constant 0 : index
      %get3A_12 = tpu.vector_load %arg5[%get3A] {strides = array<i32>} : memref<800xi32, #tpu.memory_space<vmem>>, vector<16xi32>,
      %shift_right_arithmetic3A = arith.constant 12 : i32
      %shift_right_arithmetic3A_13 = vector.broadcast %shift_right_arithmetic3A : i32 to vector<16xi32>
      %shift_right_arithmetic3A_14 = arith.shrsi %get3A_12, %shift_right_arithmetic3A_13 : vector<16xi32>
      %shift_left3A = arith.constant 12 : i32
      %shift_left3A_15 = vector.broadcast %shift_left3A : i32 to vector<16xi32>
      %shift_left3A_16 = arith.shli %shift_right_arithmetic3A_14, %shift_left3A_15 : vector<16xi32>
      %and3A = arith.constant 2047 : i32
      %and3A_17 = vector.broadcast %and3A : i32 to vector<16xi32>
      %and3A_18 = arith.andi %get3A_12, %and3A_17 : vector<16xi32>
      %shift_left3A_19 = arith.constant 1 : i32
      %shift_left3A_20 = vector.broadcast %shift_left3A_19 : i32 to vector<16xi32>
      %shift_left3A_21 = arith.shli %and3A_18, %shift_left3A_20 : vector<16xi32>
      %or3A = arith.ori %shift_left3A_16, %shift_left3A_21 : vector<16xi32>
      %shift_right_arithmetic3A_22 = arith.constant 11 : i32
      %shift_right_arithmetic3A_23 = vector.broadcast %shift_right_arithmetic3A_22 : i32 to vector<16xi32>
      %shift_right_arithmetic3A_24 = arith.shrsi %get3A_12, %shift_right_arithmetic3A_23 : vector<16xi32>
      %and3A_25 = arith.constant 1 : i32
      %and3A_26 = vector.broadcast %and3A_25 : i32 to vector<16xi32>
      %and3A_27 = arith.andi %shift_right_arithmetic3A_24, %and3A_26 : vector<16xi32>
      %or3A_28 = arith.ori %or3A, %and3A_27 : vector<16xi32>
      %swap3A = arith.constant 0 : index
      %swap3A_29 = tpu.vector_load %arg6[%swap3A] {strides = array<i32>} : memref<800xi32, #tpu.memory_space<vmem>>, vector<16xi32>,
      tpu.vector_store %arg6[%swap3A], %or3A_28 {strides = array<i32>} : memref<800xi32, #tpu.memory_space<vmem>>, vector<16xi32>,
      %get3A_30 = arith.constant 16 : index
      %get3A_31 = tpu.vector_load %arg5[%get3A_30] {strides = array<i32>} : memref<800xi32, #tpu.memory_space<vmem>>, vector<16xi32>,
      %shift_right_arithmetic3A_32 = arith.constant 12 : i32
      %shift_right_arithmetic3A_33 = vector.broadcast %shift_right_arithmetic3A_32 : i32 to vector<16xi32>
      %shift_right_arithmetic3A_34 = arith.shrsi %get3A_31, %shift_right_arithmetic3A_33 : vector<16xi32>
      %shift_left3A_35 = arith.constant 12 : i32
      %shift_left3A_36 = vector.broadcast %shift_left3A_35 : i32 to vector<16xi32>
      %shift_left3A_37 = arith.shli %shift_right_arithmetic3A_34, %shift_left3A_36 : vector<16xi32>
      %and3A_38 = arith.constant 2047 : i32
      %and3A_39 = vector.broadcast %and3A_38 : i32 to vector<16xi32>
      %and3A_40 = arith.andi %get3A_31, %and3A_39 : vector<16xi32>
      %shift_left3A_41 = arith.constant 1 : i32
      %shift_left3A_42 = vector.broadcast %shift_left3A_41 : i32 to vector<16xi32>
      %shift_left3A_43 = arith.shli %and3A_40, %shift_left3A_42 : vector<16xi32>
      %or3A_44 = arith.ori %shift_left3A_37, %shift_left3A_43 : vector<16xi32>
      %shift_right_arithmetic3A_45 = arith.constant 11 : i32
      %shift_right_arithmetic3A_46 = vector.broadcast %shift_right_arithmetic3A_45 : i32 to vector<16xi32>
      %shift_right_arithmetic3A_47 = arith.shrsi %get3A_31, %shift_right_arithmetic3A_46 : vector<16xi32>
      %and3A_48 = arith.constant 1 : i32
      %and3A_49 = vector.broadcast %and3A_48 : i32 to vector<16xi32>
      %and3A_50 = arith.andi %shift_right_arithmetic3A_47, %and3A_49 : vector<16xi32>
      %or3A_51 = arith.ori %or3A_44, %and3A_50 : vector<16xi32>
      %swap3A_52 = arith.constant 16 : index
      %swap3A_53 = tpu.vector_load %arg6[%swap3A_52] {strides = array<i32>} : memref<800xi32, #tpu.memory_space<vmem>>, vector<16xi32>,
      tpu.vector_store %arg6[%swap3A_52], %or3A_51 {strides = array<i32>} : memref<800xi32, #tpu.memory_space<vmem>>, vector<16xi32>,
      %get3A_54 = arith.constant 32 : index
      %get3A_55 = tpu.vector_load %arg5[%get3A_54] {strides = array<i32>} : memref<800xi32, #tpu.memory_space<vmem>>, vector<16xi32>,
      %shift_right_arithmetic3A_56 = arith.constant 12 : i32
      %shift_right_arithmetic3A_57 = vector.broadcast %shift_right_arithmetic3A_56 : i32 to vector<16xi32>
      %shift_right_arithmetic3A_58 = arith.shrsi %get3A_55, %shift_right_arithmetic3A_57 : vector<16xi32>
      %shift_left3A_59 = arith.constant 12 : i32
      %shift_left3A_60 = vector.broadcast %shift_left3A_59 : i32 to vector<16xi32>
      %shift_left3A_61 = arith.shli %shift_right_arithmetic3A_58, %shift_left3A_60 : vector<16xi32>
      %and3A_62 = arith.constant 2047 : i32
      %and3A_63 = vector.broadcast %and3A_62 : i32 to vector<16xi32>
      %and3A_64 = arith.andi %get3A_55, %and3A_63 : vector<16xi32>
      %shift_left3A_65 = arith.constant 1 : i32
      %shift_left3A_66 = vector.broadcast %shift_left3A_65 : i32 to vector<16xi32>
      %shift_left3A_67 = arith.shli %and3A_64, %shift_left3A_66 : vector<16xi32>
      %or3A_68 = arith.ori %shift_left3A_61, %shift_left3A_67 : vector<16xi32>
      %shift_right_arithmetic3A_69 = arith.constant 11 : i32
      %shift_right_arithmetic3A_70 = vector.broadcast %shift_right_arithmetic3A_69 : i32 to vector<16xi32>
      %shift_right_arithmetic3A_71 = arith.shrsi %get3A_55, %shift_right_arithmetic3A_70 : vector<16xi32>
      %and3A_72 = arith.constant 1 : i32
      %and3A_73 = vector.broadcast %and3A_72 : i32 to vector<16xi32>
      %and3A_74 = arith.andi %shift_right_arithmetic3A_71, %and3A_73 : vector<16xi32>
      %or3A_75 = arith.ori %or3A_68, %and3A_74 : vector<16xi32>
      %swap3A_76 = arith.constant 32 : index
      %swap3A_77 = tpu.vector_load %arg6[%swap3A_76] {strides = array<i32>} : memref<800xi32, #tpu.memory_space<vmem>>, vector<16xi32>,
      tpu.vector_store %arg6[%swap3A_76], %or3A_75 {strides = array<i32>} : memref<800xi32, #tpu.memory_space<vmem>>, vector<16xi32>,
      %get3A_78 = arith.constant 48 : index
      %get3A_79 = tpu.vector_load %arg5[%get3A_78] {strides = array<i32>} : memref<800xi32, #tpu.memory_space<vmem>>, vector<16xi32>,
      %shift_right_arithmetic3A_80 = arith.constant 12 : i32
      %shift_right_arithmetic3A_81 = vector.broadcast %shift_right_arithmetic3A_80 : i32 to vector<16xi32>
      %shift_right_arithmetic3A_82 = arith.shrsi %get3A_79, %shift_right_arithmetic3A_81 : vector<16xi32>
      %shift_left3A_83 = arith.constant 12 : i32
      %shift_left3A_84 = vector.broadcast %shift_left3A_83 : i32 to vector<16xi32>
      %shift_left3A_85 = arith.shli %shift_right_arithmetic3A_82, %shift_left3A_84 : vector<16xi32>
      %and3A_86 = arith.constant 2047 : i32
      %and3A_87 = vector.broadcast %and3A_86 : i32 to vector<16xi32>
      %and3A_88 = arith.andi %get3A_79, %and3A_87 : vector<16xi32>
      %shift_left3A_89 = arith.constant 1 : i32
      %shift_left3A_90 = vector.broadcast %shift_left3A_89 : i32 to vector<16xi32>
      %shift_left3A_91 = arith.shli %and3A_88, %shift_left3A_90 : vector<16xi32>
      %or3A_92 = arith.ori %shift_left3A_85, %shift_left3A_91 : vector<16xi32>
      %shift_right_arithmetic3A_93 = arith.constant 11 : i32
      %shift_right_arithmetic3A_94 = vector.broadcast %shift_right_arithmetic3A_93 : i32 to vector<16xi32>
      %shift_right_arithmetic3A_95 = arith.shrsi %get3A_79, %shift_right_arithmetic3A_94 : vector<16xi32>
      %and3A_96 = arith.constant 1 : i32
      %and3A_97 = vector.broadcast %and3A_96 : i32 to vector<16xi32>
      %and3A_98 = arith.andi %shift_right_arithmetic3A_95, %and3A_97 : vector<16xi32>
      %or3A_99 = arith.ori %or3A_92, %and3A_98 : vector<16xi32>
      %swap3A_100 = arith.constant 48 : index
      %swap3A_101 = tpu.vector_load %arg6[%swap3A_100] {strides = array<i32>} : memref<800xi32, #tpu.memory_space<vmem>>, vector<16xi32>,
      tpu.vector_store %arg6[%swap3A_100], %or3A_99 {strides = array<i32>} : memref<800xi32, #tpu.memory_space<vmem>>, vector<16xi32>,
      %get3A_102 = arith.constant 64 : index
      %get3A_103 = tpu.vector_load %arg5[%get3A_102] {strides = array<i32>} : memref<800xi32, #tpu.memory_space<vmem>>, vector<16xi32>,
      %shift_right_arithmetic3A_104 = arith.constant 12 : i32
      %shift_right_arithmetic3A_105 = vector.broadcast %shift_right_arithmetic3A_104 : i32 to vector<16xi32>
      %shift_right_arithmetic3A_106 = arith.shrsi %get3A_103, %shift_right_arithmetic3A_105 : vector<16xi32>
      %shift_left3A_107 = arith.constant 12 : i32
      %shift_left3A_108 = vector.broadcast %shift_left3A_107 : i32 to vector<16xi32>
      %shift_left3A_109 = arith.shli %shift_right_arithmetic3A_106, %shift_left3A_108 : vector<16xi32>
      %and3A_110 = arith.constant 2047 : i32
      %and3A_111 = vector.broadcast %and3A_110 : i32 to vector<16xi32>
      %and3A_112 = arith.andi %get3A_103, %and3A_111 : vector<16xi32>
      %shift_left3A_113 = arith.constant 1 : i32
      %shift_left3A_114 = vector.broadcast %shift_left3A_113 : i32 to vector<16xi32>
      %shift_left3A_115 = arith.shli %and3A_112, %shift_left3A_114 : vector<16xi32>
      %or3A_116 = arith.ori %shift_left3A_109, %shift_left3A_115 : vector<16xi32>
      %shift_right_arithmetic3A_117 = arith.constant 11 : i32
      %shift_right_arithmetic3A_118 = vector.broadcast %shift_right_arithmetic3A_117 : i32 to vector<16xi32>
      %shift_right_arithmetic3A_119 = arith.shrsi %get3A_103, %shift_right_arithmetic3A_118 : vector<16xi32>
      %and3A_120 = arith.constant 1 : i32
      %and3A_121 = vector.broadcast %and3A_120 : i32 to vector<16xi32>
      %and3A_122 = arith.andi %shift_right_arithmetic3A_119, %and3A_121 : vector<16xi32>
      %or3A_123 = arith.ori %or3A_116, %and3A_122 : vector<16xi32>
      %swap3A_124 = arith.constant 64 : index
      %swap3A_125 = tpu.vector_load %arg6[%swap3A_124] {strides = array<i32>} : memref<800xi32, #tpu.memory_space<vmem>>, vector<16xi32>,
      tpu.vector_store %arg6[%swap3A_124], %or3A_123 {strides = array<i32>} : memref<800xi32, #tpu.memory_space<vmem>>, vector<16xi32>,
      %get3A_126 = arith.constant 80 : index
      %get3A_127 = tpu.vector_load %arg5[%get3A_126] {strides = array<i32>} : memref<800xi32, #tpu.memory_space<vmem>>, vector<16xi32>,
      %shift_right_arithmetic3A_128 = arith.constant 12 : i32
      %shift_right_arithmetic3A_129 = vector.broadcast %shift_right_arithmetic3A_128 : i32 to vector<16xi32>
      %shift_right_arithmetic3A_130 = arith.shrsi %get3A_127, %shift_right_arithmetic3A_129 : vector<16xi32>
      %shift_left3A_131 = arith.constant 12 : i32
      %shift_left3A_132 = vector.broadcast %shift_left3A_131 : i32 to vector<16xi32>
      %shift_left3A_133 = arith.shli %shift_right_arithmetic3A_130, %shift_left3A_132 : vector<16xi32>
      %and3A_134 = arith.constant 2047 : i32
      %and3A_135 = vector.broadcast %and3A_134 : i32 to vector<16xi32>
      %and3A_136 = arith.andi %get3A_127, %and3A_135 : vector<16xi32>
      %shift_left3A_137 = arith.constant 1 : i32
      %shift_left3A_138 = vector.broadcast %shift_left3A_137 : i32 to vector<16xi32>
      %shift_left3A_139 = arith.shli %and3A_136, %shift_left3A_138 : vector<16xi32>
      %or3A_140 = arith.ori %shift_left3A_133, %shift_left3A_139 : vector<16xi32>
      %shift_right_arithmetic3A_141 = arith.constant 11 : i32
      %shift_right_arithmetic3A_142 = vector.broadcast %shift_right_arithmetic3A_141 : i32 to vector<16xi32>
      %shift_right_arithmetic3A_143 = arith.shrsi %get3A_127, %shift_right_arithmetic3A_142 : vector<16xi32>
      %and3A_144 = arith.constant 1 : i32
      %and3A_145 = vector.broadcast %and3A_144 : i32 to vector<16xi32>
      %and3A_146 = arith.andi %shift_right_arithmetic3A_143, %and3A_145 : vector<16xi32>
      %or3A_147 = arith.ori %or3A_140, %and3A_146 : vector<16xi32>
      %swap3A_148 = arith.constant 80 : index
      %swap3A_149 = tpu.vector_load %arg6[%swap3A_148] {strides = array<i32>} : memref<800xi32, #tpu.memory_space<vmem>>, vector<16xi32>,
      tpu.vector_store %arg6[%swap3A_148], %or3A_147 {strides = array<i32>} : memref<800xi32, #tpu.memory_space<vmem>>, vector<16xi32>,
      %get3A_150 = arith.constant 96 : index
      %get3A_151 = tpu.vector_load %arg5[%get3A_150] {strides = array<i32>} : memref<800xi32, #tpu.memory_space<vmem>>, vector<16xi32>,
      %shift_right_arithmetic3A_152 = arith.constant 12 : i32
      %shift_right_arithmetic3A_153 = vector.broadcast %shift_right_arithmetic3A_152 : i32 to vector<16xi32>
      %shift_right_arithmetic3A_154 = arith.shrsi %get3A_151, %shift_right_arithmetic3A_153 : vector<16xi32>
      %shift_left3A_155 = arith.constant 12 : i32
      %shift_left3A_156 = vector.broadcast %shift_left3A_155 : i32 to vector<16xi32>
      %shift_left3A_157 = arith.shli %shift_right_arithmetic3A_154, %shift_left3A_156 : vector<16xi32>
      %and3A_158 = arith.constant 2047 : i32
      %and3A_159 = vector.broadcast %and3A_158 : i32 to vector<16xi32>
      %and3A_160 = arith.andi %get3A_151, %and3A_159 : vector<16xi32>
      %shift_left3A_161 = arith.constant 1 : i32
      %shift_left3A_162 = vector.broadcast %shift_left3A_161 : i32 to vector<16xi32>
      %shift_left3A_163 = arith.shli %and3A_160, %shift_left3A_162 : vector<16xi32>
      %or3A_164 = arith.ori %shift_left3A_157, %shift_left3A_163 : vector<16xi32>
      %shift_right_arithmetic3A_165 = arith.constant 11 : i32
      %shift_right_arithmetic3A_166 = vector.broadcast %shift_right_arithmetic3A_165 : i32 to vector<16xi32>
      %shift_right_arithmetic3A_167 = arith.shrsi %get3A_151, %shift_right_arithmetic3A_166 : vector<16xi32>
      %and3A_168 = arith.constant 1 : i32
      %and3A_169 = vector.broadcast %and3A_168 : i32 to vector<16xi32>
      %and3A_170 = arith.andi %shift_right_arithmetic3A_167, %and3A_169 : vector<16xi32>
      %or3A_171 = arith.ori %or3A_164, %and3A_170 : vector<16xi32>
      %swap3A_172 = arith.constant 96 : index
      %swap3A_173 = tpu.vector_load %arg6[%swap3A_172] {strides = array<i32>} : memref<800xi32, #tpu.memory_space<vmem>>, vector<16xi32>,
      tpu.vector_store %arg6[%swap3A_172], %or3A_171 {strides = array<i32>} : memref<800xi32, #tpu.memory_space<vmem>>, vector<16xi32>,
      %get3A_174 = arith.constant 112 : index
      %get3A_175 = tpu.vector_load %arg5[%get3A_174] {strides = array<i32>} : memref<800xi32, #tpu.memory_space<vmem>>, vector<16xi32>,
      %shift_right_arithmetic3A_176 = arith.constant 12 : i32
      %shift_right_arithmetic3A_177 = vector.broadcast %shift_right_arithmetic3A_176 : i32 to vector<16xi32>
      %shift_right_arithmetic3A_178 = arith.shrsi %get3A_175, %shift_right_arithmetic3A_177 : vector<16xi32>
      %shift_left3A_179 = arith.constant 12 : i32
      %shift_left3A_180 = vector.broadcast %shift_left3A_179 : i32 to vector<16xi32>
      %shift_left3A_181 = arith.shli %shift_right_arithmetic3A_178, %shift_left3A_180 : vector<16xi32>
      %and3A_182 = arith.constant 2047 : i32
      %and3A_183 = vector.broadcast %and3A_182 : i32 to vector<16xi32>
      %and3A_184 = arith.andi %get3A_175, %and3A_183 : vector<16xi32>
      %shift_left3A_185 = arith.constant 1 : i32
      %shift_left3A_186 = vector.broadcast %shift_left3A_185 : i32 to vector<16xi32>
      %shift_left3A_187 = arith.shli %and3A_184, %shift_left3A_186 : vector<16xi32>
      %or3A_188 = arith.ori %shift_left3A_181, %shift_left3A_187 : vector<16xi32>
      %shift_right_arithmetic3A_189 = arith.constant 11 : i32
      %shift_right_arithmetic3A_190 = vector.broadcast %shift_right_arithmetic3A_189 : i32 to vector<16xi32>
      %shift_right_arithmetic3A_191 = arith.shrsi %get3A_175, %shift_right_arithmetic3A_190 : vector<16xi32>
      %and3A_192 = arith.constant 1 : i32
      %and3A_193 = vector.broadcast %and3A_192 : i32 to vector<16xi32>
      %and3A_194 = arith.andi %shift_right_arithmetic3A_191, %and3A_193 : vector<16xi32>
      %or3A_195 = arith.ori %or3A_188, %and3A_194 : vector<16xi32>
      %swap3A_196 = arith.constant 112 : index
      %swap3A_197 = tpu.vector_load %arg6[%swap3A_196] {strides = array<i32>} : memref<800xi32, #tpu.memory_space<vmem>>, vector<16xi32>,
      tpu.vector_store %arg6[%swap3A_196], %or3A_195 {strides = array<i32>} : memref<800xi32, #tpu.memory_space<vmem>>, vector<16xi32>,
      %get3A_198 = arith.constant 128 : index
      %get3A_199 = tpu.vector_load %arg5[%get3A_198] {strides = array<i32>} : memref<800xi32, #tpu.memory_space<vmem>>, vector<16xi32>,
      %shift_right_arithmetic3A_200 = arith.constant 12 : i32
      %shift_right_arithmetic3A_201 = vector.broadcast %shift_right_arithmetic3A_200 : i32 to vector<16xi32>
      %shift_right_arithmetic3A_202 = arith.shrsi %get3A_199, %shift_right_arithmetic3A_201 : vector<16xi32>
      %shift_left3A_203 = arith.constant 12 : i32
      %shift_left3A_204 = vector.broadcast %shift_left3A_203 : i32 to vector<16xi32>
      %shift_left3A_205 = arith.shli %shift_right_arithmetic3A_202, %shift_left3A_204 : vector<16xi32>
      %and3A_206 = arith.constant 2047 : i32
      %and3A_207 = vector.broadcast %and3A_206 : i32 to vector<16xi32>
      %and3A_208 = arith.andi %get3A_199, %and3A_207 : vector<16xi32>
      %shift_left3A_209 = arith.constant 1 : i32
      %shift_left3A_210 = vector.broadcast %shift_left3A_209 : i32 to vector<16xi32>
      %shift_left3A_211 = arith.shli %and3A_208, %shift_left3A_210 : vector<16xi32>
      %or3A_212 = arith.ori %shift_left3A_205, %shift_left3A_211 : vector<16xi32>
      %shift_right_arithmetic3A_213 = arith.constant 11 : i32
      %shift_right_arithmetic3A_214 = vector.broadcast %shift_right_arithmetic3A_213 : i32 to vector<16xi32>
      %shift_right_arithmetic3A_215 = arith.shrsi %get3A_199, %shift_right_arithmetic3A_214 : vector<16xi32>
      %and3A_216 = arith.constant 1 : i32
      %and3A_217 = vector.broadcast %and3A_216 : i32 to vector<16xi32>
      %and3A_218 = arith.andi %shift_right_arithmetic3A_215, %and3A_217 : vector<16xi32>
      %or3A_219 = arith.ori %or3A_212, %and3A_218 : vector<16xi32>
      %swap3A_220 = arith.constant 128 : index
      %swap3A_221 = tpu.vector_load %arg6[%swap3A_220] {strides = array<i32>} : memref<800xi32, #tpu.memory_space<vmem>>, vector<16xi32>,
      tpu.vector_store %arg6[%swap3A_220], %or3A_219 {strides = array<i32>} : memref<800xi32, #tpu.memory_space<vmem>>, vector<16xi32>,
      %get3A_222 = arith.constant 144 : index
      %get3A_223 = tpu.vector_load %arg5[%get3A_222] {strides = array<i32>} : memref<800xi32, #tpu.memory_space<vmem>>, vector<16xi32>,
      %shift_right_arithmetic3A_224 = arith.constant 12 : i32
      %shift_right_arithmetic3A_225 = vector.broadcast %shift_right_arithmetic3A_224 : i32 to vector<16xi32>
      %shift_right_arithmetic3A_226 = arith.shrsi %get3A_223, %shift_right_arithmetic3A_225 : vector<16xi32>
      %shift_left3A_227 = arith.constant 12 : i32
      %shift_left3A_228 = vector.broadcast %shift_left3A_227 : i32 to vector<16xi32>
      %shift_left3A_229 = arith.shli %shift_right_arithmetic3A_226, %shift_left3A_228 : vector<16xi32>
      %and3A_230 = arith.constant 2047 : i32
      %and3A_231 = vector.broadcast %and3A_230 : i32 to vector<16xi32>
      %and3A_232 = arith.andi %get3A_223, %and3A_231 : vector<16xi32>
      %shift_left3A_233 = arith.constant 1 : i32
      %shift_left3A_234 = vector.broadcast %shift_left3A_233 : i32 to vector<16xi32>
      %shift_left3A_235 = arith.shli %and3A_232, %shift_left3A_234 : vector<16xi32>
      %or3A_236 = arith.ori %shift_left3A_229, %shift_left3A_235 : vector<16xi32>
      %shift_right_arithmetic3A_237 = arith.constant 11 : i32
      %shift_right_arithmetic3A_238 = vector.broadcast %shift_right_arithmetic3A_237 : i32 to vector<16xi32>
      %shift_right_arithmetic3A_239 = arith.shrsi %get3A_223, %shift_right_arithmetic3A_238 : vector<16xi32>
      %and3A_240 = arith.constant 1 : i32
      %and3A_241 = vector.broadcast %and3A_240 : i32 to vector<16xi32>
      %and3A_242 = arith.andi %shift_right_arithmetic3A_239, %and3A_241 : vector<16xi32>
      %or3A_243 = arith.ori %or3A_236, %and3A_242 : vector<16xi32>
      %swap3A_244 = arith.constant 144 : index
      %swap3A_245 = tpu.vector_load %arg6[%swap3A_244] {strides = array<i32>} : memref<800xi32, #tpu.memory_space<vmem>>, vector<16xi32>,
      tpu.vector_store %arg6[%swap3A_244], %or3A_243 {strides = array<i32>} : memref<800xi32, #tpu.memory_space<vmem>>, vector<16xi32>,
      %get3A_246 = arith.constant 160 : index
      %get3A_247 = tpu.vector_load %arg5[%get3A_246] {strides = array<i32>} : memref<800xi32, #tpu.memory_space<vmem>>, vector<16xi32>,
      %shift_right_arithmetic3A_248 = arith.constant 12 : i32
      %shift_right_arithmetic3A_249 = vector.broadcast %shift_right_arithmetic3A_248 : i32 to vector<16xi32>
      %shift_right_arithmetic3A_250 = arith.shrsi %get3A_247, %shift_right_arithmetic3A_249 : vector<16xi32>
      %shift_left3A_251 = arith.constant 12 : i32
      %shift_left3A_252 = vector.broadcast %shift_left3A_251 : i32 to vector<16xi32>
      %shift_left3A_253 = arith.shli %shift_right_arithmetic3A_250, %shift_left3A_252 : vector<16xi32>
      %and3A_254 = arith.constant 2047 : i32
      %and3A_255 = vector.broadcast %and3A_254 : i32 to vector<16xi32>
      %and3A_256 = arith.andi %get3A_247, %and3A_255 : vector<16xi32>
      %shift_left3A_257 = arith.constant 1 : i32
      %shift_left3A_258 = vector.broadcast %shift_left3A_257 : i32 to vector<16xi32>
      %shift_left3A_259 = arith.shli %and3A_256, %shift_left3A_258 : vector<16xi32>
      %or3A_260 = arith.ori %shift_left3A_253, %shift_left3A_259 : vector<16xi32>
      %shift_right_arithmetic3A_261 = arith.constant 11 : i32
      %shift_right_arithmetic3A_262 = vector.broadcast %shift_right_arithmetic3A_261 : i32 to vector<16xi32>
      %shift_right_arithmetic3A_263 = arith.shrsi %get3A_247, %shift_right_arithmetic3A_262 : vector<16xi32>
      %and3A_264 = arith.constant 1 : i32
      %and3A_265 = vector.broadcast %and3A_264 : i32 to vector<16xi32>
      %and3A_266 = arith.andi %shift_right_arithmetic3A_263, %and3A_265 : vector<16xi32>
      %or3A_267 = arith.ori %or3A_260, %and3A_266 : vector<16xi32>
      %swap3A_268 = arith.constant 160 : index
      %swap3A_269 = tpu.vector_load %arg6[%swap3A_268] {strides = array<i32>} : memref<800xi32, #tpu.memory_space<vmem>>, vector<16xi32>,
      tpu.vector_store %arg6[%swap3A_268], %or3A_267 {strides = array<i32>} : memref<800xi32, #tpu.memory_space<vmem>>, vector<16xi32>,
      %get3A_270 = arith.constant 176 : index
      %get3A_271 = tpu.vector_load %arg5[%get3A_270] {strides = array<i32>} : memref<800xi32, #tpu.memory_space<vmem>>, vector<16xi32>,
      %shift_right_arithmetic3A_272 = arith.constant 12 : i32
      %shift_right_arithmetic3A_273 = vector.broadcast %shift_right_arithmetic3A_272 : i32 to vector<16xi32>
      %shift_right_arithmetic3A_274 = arith.shrsi %get3A_271, %shift_right_arithmetic3A_273 : vector<16xi32>
      %shift_left3A_275 = arith.constant 12 : i32
      %shift_left3A_276 = vector.broadcast %shift_left3A_275 : i32 to vector<16xi32>
      %shift_left3A_277 = arith.shli %shift_right_arithmetic3A_274, %shift_left3A_276 : vector<16xi32>
      %and3A_278 = arith.constant 2047 : i32
      %and3A_279 = vector.broadcast %and3A_278 : i32 to vector<16xi32>
      %and3A_280 = arith.andi %get3A_271, %and3A_279 : vector<16xi32>
      %shift_left3A_281 = arith.constant 1 : i32
      %shift_left3A_282 = vector.broadcast %shift_left3A_281 : i32 to vector<16xi32>
      %shift_left3A_283 = arith.shli %and3A_280, %shift_left3A_282 : vector<16xi32>
      %or3A_284 = arith.ori %shift_left3A_277, %shift_left3A_283 : vector<16xi32>
      %shift_right_arithmetic3A_285 = arith.constant 11 : i32
      %shift_right_arithmetic3A_286 = vector.broadcast %shift_right_arithmetic3A_285 : i32 to vector<16xi32>
      %shift_right_arithmetic3A_287 = arith.shrsi %get3A_271, %shift_right_arithmetic3A_286 : vector<16xi32>
      %and3A_288 = arith.constant 1 : i32
      %and3A_289 = vector.broadcast %and3A_288 : i32 to vector<16xi32>
      %and3A_290 = arith.andi %shift_right_arithmetic3A_287, %and3A_289 : vector<16xi32>
      %or3A_291 = arith.ori %or3A_284, %and3A_290 : vector<16xi32>
      %swap3A_292 = arith.constant 176 : index
      %swap3A_293 = tpu.vector_load %arg6[%swap3A_292] {strides = array<i32>} : memref<800xi32, #tpu.memory_space<vmem>>, vector<16xi32>,
      tpu.vector_store %arg6[%swap3A_292], %or3A_291 {strides = array<i32>} : memref<800xi32, #tpu.memory_space<vmem>>, vector<16xi32>,
      %get3A_294 = arith.constant 192 : index
      %get3A_295 = tpu.vector_load %arg5[%get3A_294] {strides = array<i32>} : memref<800xi32, #tpu.memory_space<vmem>>, vector<16xi32>,
      %shift_right_arithmetic3A_296 = arith.constant 12 : i32
      %shift_right_arithmetic3A_297 = vector.broadcast %shift_right_arithmetic3A_296 : i32 to vector<16xi32>
      %shift_right_arithmetic3A_298 = arith.shrsi %get3A_295, %shift_right_arithmetic3A_297 : vector<16xi32>
      %shift_left3A_299 = arith.constant 12 : i32
      %shift_left3A_300 = vector.broadcast %shift_left3A_299 : i32 to vector<16xi32>
      %shift_left3A_301 = arith.shli %shift_right_arithmetic3A_298, %shift_left3A_300 : vector<16xi32>
      %and3A_302 = arith.constant 2047 : i32
      %and3A_303 = vector.broadcast %and3A_302 : i32 to vector<16xi32>
      %and3A_304 = arith.andi %get3A_295, %and3A_303 : vector<16xi32>
      %shift_left3A_305 = arith.constant 1 : i32
      %shift_left3A_306 = vector.broadcast %shift_left3A_305 : i32 to vector<16xi32>
      %shift_left3A_307 = arith.shli %and3A_304, %shift_left3A_306 : vector<16xi32>
      %or3A_308 = arith.ori %shift_left3A_301, %shift_left3A_307 : vector<16xi32>
      %shift_right_arithmetic3A_309 = arith.constant 11 : i32
      %shift_right_arithmetic3A_310 = vector.broadcast %shift_right_arithmetic3A_309 : i32 to vector<16xi32>
      %shift_right_arithmetic3A_311 = arith.shrsi %get3A_295, %shift_right_arithmetic3A_310 : vector<16xi32>
      %and3A_312 = arith.constant 1 : i32
      %and3A_313 = vector.broadcast %and3A_312 : i32 to vector<16xi32>
      %and3A_314 = arith.andi %shift_right_arithmetic3A_311, %and3A_313 : vector<16xi32>
      %or3A_315 = arith.ori %or3A_308, %and3A_314 : vector<16xi32>
      %swap3A_316 = arith.constant 192 : index
      %swap3A_317 = tpu.vector_load %arg6[%swap3A_316] {strides = array<i32>} : memref<800xi32, #tpu.memory_space<vmem>>, vector<16xi32>,
      tpu.vector_store %arg6[%swap3A_316], %or3A_315 {strides = array<i32>} : memref<800xi32, #tpu.memory_space<vmem>>, vector<16xi32>,
      %get3A_318 = arith.constant 208 : index
      %get3A_319 = tpu.vector_load %arg5[%get3A_318] {strides = array<i32>} : memref<800xi32, #tpu.memory_space<vmem>>, vector<16xi32>,
      %shift_right_arithmetic3A_320 = arith.constant 12 : i32
      %shift_right_arithmetic3A_321 = vector.broadcast %shift_right_arithmetic3A_320 : i32 to vector<16xi32>
      %shift_right_arithmetic3A_322 = arith.shrsi %get3A_319, %shift_right_arithmetic3A_321 : vector<16xi32>
      %shift_left3A_323 = arith.constant 12 : i32
      %shift_left3A_324 = vector.broadcast %shift_left3A_323 : i32 to vector<16xi32>
      %shift_left3A_325 = arith.shli %shift_right_arithmetic3A_322, %shift_left3A_324 : vector<16xi32>
      %and3A_326 = arith.constant 2047 : i32
      %and3A_327 = vector.broadcast %and3A_326 : i32 to vector<16xi32>
      %and3A_328 = arith.andi %get3A_319, %and3A_327 : vector<16xi32>
      %shift_left3A_329 = arith.constant 1 : i32
      %shift_left3A_330 = vector.broadcast %shift_left3A_329 : i32 to vector<16xi32>
      %shift_left3A_331 = arith.shli %and3A_328, %shift_left3A_330 : vector<16xi32>
      %or3A_332 = arith.ori %shift_left3A_325, %shift_left3A_331 : vector<16xi32>
      %shift_right_arithmetic3A_333 = arith.constant 11 : i32
      %shift_right_arithmetic3A_334 = vector.broadcast %shift_right_arithmetic3A_333 : i32 to vector<16xi32>
      %shift_right_arithmetic3A_335 = arith.shrsi %get3A_319, %shift_right_arithmetic3A_334 : vector<16xi32>
      %and3A_336 = arith.constant 1 : i32
      %and3A_337 = vector.broadcast %and3A_336 : i32 to vector<16xi32>
      %and3A_338 = arith.andi %shift_right_arithmetic3A_335, %and3A_337 : vector<16xi32>
      %or3A_339 = arith.ori %or3A_332, %and3A_338 : vector<16xi32>
      %swap3A_340 = arith.constant 208 : index
      %swap3A_341 = tpu.vector_load %arg6[%swap3A_340] {strides = array<i32>} : memref<800xi32, #tpu.memory_space<vmem>>, vector<16xi32>,
      tpu.vector_store %arg6[%swap3A_340], %or3A_339 {strides = array<i32>} : memref<800xi32, #tpu.memory_space<vmem>>, vector<16xi32>,
      %get3A_342 = arith.constant 224 : index
      %get3A_343 = tpu.vector_load %arg5[%get3A_342] {strides = array<i32>} : memref<800xi32, #tpu.memory_space<vmem>>, vector<16xi32>,
      %shift_right_arithmetic3A_344 = arith.constant 12 : i32
      %shift_right_arithmetic3A_345 = vector.broadcast %shift_right_arithmetic3A_344 : i32 to vector<16xi32>
      %shift_right_arithmetic3A_346 = arith.shrsi %get3A_343, %shift_right_arithmetic3A_345 : vector<16xi32>
      %shift_left3A_347 = arith.constant 12 : i32
      %shift_left3A_348 = vector.broadcast %shift_left3A_347 : i32 to vector<16xi32>
      %shift_left3A_349 = arith.shli %shift_right_arithmetic3A_346, %shift_left3A_348 : vector<16xi32>
      %and3A_350 = arith.constant 2047 : i32
      %and3A_351 = vector.broadcast %and3A_350 : i32 to vector<16xi32>
      %and3A_352 = arith.andi %get3A_343, %and3A_351 : vector<16xi32>
      %shift_left3A_353 = arith.constant 1 : i32
      %shift_left3A_354 = vector.broadcast %shift_left3A_353 : i32 to vector<16xi32>
      %shift_left3A_355 = arith.shli %and3A_352, %shift_left3A_354 : vector<16xi32>
      %or3A_356 = arith.ori %shift_left3A_349, %shift_left3A_355 : vector<16xi32>
      %shift_right_arithmetic3A_357 = arith.constant 11 : i32
      %shift_right_arithmetic3A_358 = vector.broadcast %shift_right_arithmetic3A_357 : i32 to vector<16xi32>
      %shift_right_arithmetic3A_359 = arith.shrsi %get3A_343, %shift_right_arithmetic3A_358 : vector<16xi32>
      %and3A_360 = arith.constant 1 : i32
      %and3A_361 = vector.broadcast %and3A_360 : i32 to vector<16xi32>
      %and3A_362 = arith.andi %shift_right_arithmetic3A_359, %and3A_361 : vector<16xi32>
      %or3A_363 = arith.ori %or3A_356, %and3A_362 : vector<16xi32>
      %swap3A_364 = arith.constant 224 : index
      %swap3A_365 = tpu.vector_load %arg6[%swap3A_364] {strides = array<i32>} : memref<800xi32, #tpu.memory_space<vmem>>, vector<16xi32>,
      tpu.vector_store %arg6[%swap3A_364], %or3A_363 {strides = array<i32>} : memref<800xi32, #tpu.memory_space<vmem>>, vector<16xi32>,
      %get3A_366 = arith.constant 240 : index
      %get3A_367 = tpu.vector_load %arg5[%get3A_366] {strides = array<i32>} : memref<800xi32, #tpu.memory_space<vmem>>, vector<16xi32>,
      %shift_right_arithmetic3A_368 = arith.constant 12 : i32
      %shift_right_arithmetic3A_369 = vector.broadcast %shift_right_arithmetic3A_368 : i32 to vector<16xi32>
      %shift_right_arithmetic3A_370 = arith.shrsi %get3A_367, %shift_right_arithmetic3A_369 : vector<16xi32>
      %shift_left3A_371 = arith.constant 12 : i32
      %shift_left3A_372 = vector.broadcast %shift_left3A_371 : i32 to vector<16xi32>
      %shift_left3A_373 = arith.shli %shift_right_arithmetic3A_370, %shift_left3A_372 : vector<16xi32>
      %and3A_374 = arith.constant 2047 : i32
      %and3A_375 = vector.broadcast %and3A_374 : i32 to vector<16xi32>
      %and3A_376 = arith.andi %get3A_367, %and3A_375 : vector<16xi32>
      %shift_left3A_377 = arith.constant 1 : i32
      %shift_left3A_378 = vector.broadcast %shift_left3A_377 : i32 to vector<16xi32>
      %shift_left3A_379 = arith.shli %and3A_376, %shift_left3A_378 : vector<16xi32>
      %or3A_380 = arith.ori %shift_left3A_373, %shift_left3A_379 : vector<16xi32>
      %shift_right_arithmetic3A_381 = arith.constant 11 : i32
      %shift_right_arithmetic3A_382 = vector.broadcast %shift_right_arithmetic3A_381 : i32 to vector<16xi32>
      %shift_right_arithmetic3A_383 = arith.shrsi %get3A_367, %shift_right_arithmetic3A_382 : vector<16xi32>
      %and3A_384 = arith.constant 1 : i32
      %and3A_385 = vector.broadcast %and3A_384 : i32 to vector<16xi32>
      %and3A_386 = arith.andi %shift_right_arithmetic3A_383, %and3A_385 : vector<16xi32>
      %or3A_387 = arith.ori %or3A_380, %and3A_386 : vector<16xi32>
      %swap3A_388 = arith.constant 240 : index
      %swap3A_389 = tpu.vector_load %arg6[%swap3A_388] {strides = array<i32>} : memref<800xi32, #tpu.memory_space<vmem>>, vector<16xi32>,
      tpu.vector_store %arg6[%swap3A_388], %or3A_387 {strides = array<i32>} : memref<800xi32, #tpu.memory_space<vmem>>, vector<16xi32>,
      %get3A_390 = arith.constant 256 : index
      %get3A_391 = tpu.vector_load %arg5[%get3A_390] {strides = array<i32>} : memref<800xi32, #tpu.memory_space<vmem>>, vector<16xi32>,
      %shift_right_arithmetic3A_392 = arith.constant 12 : i32
      %shift_right_arithmetic3A_393 = vector.broadcast %shift_right_arithmetic3A_392 : i32 to vector<16xi32>
      %shift_right_arithmetic3A_394 = arith.shrsi %get3A_391, %shift_right_arithmetic3A_393 : vector<16xi32>
      %shift_left3A_395 = arith.constant 12 : i32
      %shift_left3A_396 = vector.broadcast %shift_left3A_395 : i32 to vector<16xi32>
      %shift_left3A_397 = arith.shli %shift_right_arithmetic3A_394, %shift_left3A_396 : vector<16xi32>
      %and3A_398 = arith.constant 2047 : i32
      %and3A_399 = vector.broadcast %and3A_398 : i32 to vector<16xi32>
      %and3A_400 = arith.andi %get3A_391, %and3A_399 : vector<16xi32>
      %shift_left3A_401 = arith.constant 1 : i32
      %shift_left3A_402 = vector.broadcast %shift_left3A_401 : i32 to vector<16xi32>
      %shift_left3A_403 = arith.shli %and3A_400, %shift_left3A_402 : vector<16xi32>
      %or3A_404 = arith.ori %shift_left3A_397, %shift_left3A_403 : vector<16xi32>
      %shift_right_arithmetic3A_405 = arith.constant 11 : i32
      %shift_right_arithmetic3A_406 = vector.broadcast %shift_right_arithmetic3A_405 : i32 to vector<16xi32>
      %shift_right_arithmetic3A_407 = arith.shrsi %get3A_391, %shift_right_arithmetic3A_406 : vector<16xi32>
      %and3A_408 = arith.constant 1 : i32
      %and3A_409 = vector.broadcast %and3A_408 : i32 to vector<16xi32>
      %and3A_410 = arith.andi %shift_right_arithmetic3A_407, %and3A_409 : vector<16xi32>
      %or3A_411 = arith.ori %or3A_404, %and3A_410 : vector<16xi32>
      %swap3A_412 = arith.constant 256 : index
      %swap3A_413 = tpu.vector_load %arg6[%swap3A_412] {strides = array<i32>} : memref<800xi32, #tpu.memory_space<vmem>>, vector<16xi32>,
      tpu.vector_store %arg6[%swap3A_412], %or3A_411 {strides = array<i32>} : memref<800xi32, #tpu.memory_space<vmem>>, vector<16xi32>,
      %get3A_414 = arith.constant 272 : index
      %get3A_415 = tpu.vector_load %arg5[%get3A_414] {strides = array<i32>} : memref<800xi32, #tpu.memory_space<vmem>>, vector<16xi32>,
      %shift_right_arithmetic3A_416 = arith.constant 12 : i32
      %shift_right_arithmetic3A_417 = vector.broadcast %shift_right_arithmetic3A_416 : i32 to vector<16xi32>
      %shift_right_arithmetic3A_418 = arith.shrsi %get3A_415, %shift_right_arithmetic3A_417 : vector<16xi32>
      %shift_left3A_419 = arith.constant 12 : i32
      %shift_left3A_420 = vector.broadcast %shift_left3A_419 : i32 to vector<16xi32>
      %shift_left3A_421 = arith.shli %shift_right_arithmetic3A_418, %shift_left3A_420 : vector<16xi32>
      %and3A_422 = arith.constant 2047 : i32
      %and3A_423 = vector.broadcast %and3A_422 : i32 to vector<16xi32>
      %and3A_424 = arith.andi %get3A_415, %and3A_423 : vector<16xi32>
      %shift_left3A_425 = arith.constant 1 : i32
      %shift_left3A_426 = vector.broadcast %shift_left3A_425 : i32 to vector<16xi32>
      %shift_left3A_427 = arith.shli %and3A_424, %shift_left3A_426 : vector<16xi32>
      %or3A_428 = arith.ori %shift_left3A_421, %shift_left3A_427 : vector<16xi32>
      %shift_right_arithmetic3A_429 = arith.constant 11 : i32
      %shift_right_arithmetic3A_430 = vector.broadcast %shift_right_arithmetic3A_429 : i32 to vector<16xi32>
      %shift_right_arithmetic3A_431 = arith.shrsi %get3A_415, %shift_right_arithmetic3A_430 : vector<16xi32>
      %and3A_432 = arith.constant 1 : i32
      %and3A_433 = vector.broadcast %and3A_432 : i32 to vector<16xi32>
      %and3A_434 = arith.andi %shift_right_arithmetic3A_431, %and3A_433 : vector<16xi32>
      %or3A_435 = arith.ori %or3A_428, %and3A_434 : vector<16xi32>
      %swap3A_436 = arith.constant 272 : index
      %swap3A_437 = tpu.vector_load %arg6[%swap3A_436] {strides = array<i32>} : memref<800xi32, #tpu.memory_space<vmem>>, vector<16xi32>,
      tpu.vector_store %arg6[%swap3A_436], %or3A_435 {strides = array<i32>} : memref<800xi32, #tpu.memory_space<vmem>>, vector<16xi32>,
      %get3A_438 = arith.constant 288 : index
      %get3A_439 = tpu.vector_load %arg5[%get3A_438] {strides = array<i32>} : memref<800xi32, #tpu.memory_space<vmem>>, vector<16xi32>,
      %shift_right_arithmetic3A_440 = arith.constant 12 : i32
      %shift_right_arithmetic3A_441 = vector.broadcast %shift_right_arithmetic3A_440 : i32 to vector<16xi32>
      %shift_right_arithmetic3A_442 = arith.shrsi %get3A_439, %shift_right_arithmetic3A_441 : vector<16xi32>
      %shift_left3A_443 = arith.constant 12 : i32
      %shift_left3A_444 = vector.broadcast %shift_left3A_443 : i32 to vector<16xi32>
      %shift_left3A_445 = arith.shli %shift_right_arithmetic3A_442, %shift_left3A_444 : vector<16xi32>
      %and3A_446 = arith.constant 2047 : i32
      %and3A_447 = vector.broadcast %and3A_446 : i32 to vector<16xi32>
      %and3A_448 = arith.andi %get3A_439, %and3A_447 : vector<16xi32>
      %shift_left3A_449 = arith.constant 1 : i32
      %shift_left3A_450 = vector.broadcast %shift_left3A_449 : i32 to vector<16xi32>
      %shift_left3A_451 = arith.shli %and3A_448, %shift_left3A_450 : vector<16xi32>
      %or3A_452 = arith.ori %shift_left3A_445, %shift_left3A_451 : vector<16xi32>
      %shift_right_arithmetic3A_453 = arith.constant 11 : i32
      %shift_right_arithmetic3A_454 = vector.broadcast %shift_right_arithmetic3A_453 : i32 to vector<16xi32>
      %shift_right_arithmetic3A_455 = arith.shrsi %get3A_439, %shift_right_arithmetic3A_454 : vector<16xi32>
      %and3A_456 = arith.constant 1 : i32
      %and3A_457 = vector.broadcast %and3A_456 : i32 to vector<16xi32>
      %and3A_458 = arith.andi %shift_right_arithmetic3A_455, %and3A_457 : vector<16xi32>
      %or3A_459 = arith.ori %or3A_452, %and3A_458 : vector<16xi32>
      %swap3A_460 = arith.constant 288 : index
      %swap3A_461 = tpu.vector_load %arg6[%swap3A_460] {strides = array<i32>} : memref<800xi32, #tpu.memory_space<vmem>>, vector<16xi32>,
      tpu.vector_store %arg6[%swap3A_460], %or3A_459 {strides = array<i32>} : memref<800xi32, #tpu.memory_space<vmem>>, vector<16xi32>,
      %get3A_462 = arith.constant 304 : index
      %get3A_463 = tpu.vector_load %arg5[%get3A_462] {strides = array<i32>} : memref<800xi32, #tpu.memory_space<vmem>>, vector<16xi32>,
      %shift_right_arithmetic3A_464 = arith.constant 12 : i32
      %shift_right_arithmetic3A_465 = vector.broadcast %shift_right_arithmetic3A_464 : i32 to vector<16xi32>
      %shift_right_arithmetic3A_466 = arith.shrsi %get3A_463, %shift_right_arithmetic3A_465 : vector<16xi32>
      %shift_left3A_467 = arith.constant 12 : i32
      %shift_left3A_468 = vector.broadcast %shift_left3A_467 : i32 to vector<16xi32>
      %shift_left3A_469 = arith.shli %shift_right_arithmetic3A_466, %shift_left3A_468 : vector<16xi32>
      %and3A_470 = arith.constant 2047 : i32
      %and3A_471 = vector.broadcast %and3A_470 : i32 to vector<16xi32>
      %and3A_472 = arith.andi %get3A_463, %and3A_471 : vector<16xi32>
      %shift_left3A_473 = arith.constant 1 : i32
      %shift_left3A_474 = vector.broadcast %shift_left3A_473 : i32 to vector<16xi32>
      %shift_left3A_475 = arith.shli %and3A_472, %shift_left3A_474 : vector<16xi32>
      %or3A_476 = arith.ori %shift_left3A_469, %shift_left3A_475 : vector<16xi32>
      %shift_right_arithmetic3A_477 = arith.constant 11 : i32
      %shift_right_arithmetic3A_478 = vector.broadcast %shift_right_arithmetic3A_477 : i32 to vector<16xi32>
      %shift_right_arithmetic3A_479 = arith.shrsi %get3A_463, %shift_right_arithmetic3A_478 : vector<16xi32>
      %and3A_480 = arith.constant 1 : i32
      %and3A_481 = vector.broadcast %and3A_480 : i32 to vector<16xi32>
      %and3A_482 = arith.andi %shift_right_arithmetic3A_479, %and3A_481 : vector<16xi32>
      %or3A_483 = arith.ori %or3A_476, %and3A_482 : vector<16xi32>
      %swap3A_484 = arith.constant 304 : index
      %swap3A_485 = tpu.vector_load %arg6[%swap3A_484] {strides = array<i32>} : memref<800xi32, #tpu.memory_space<vmem>>, vector<16xi32>,
      tpu.vector_store %arg6[%swap3A_484], %or3A_483 {strides = array<i32>} : memref<800xi32, #tpu.memory_space<vmem>>, vector<16xi32>,
      %get3A_486 = arith.constant 320 : index
      %get3A_487 = tpu.vector_load %arg5[%get3A_486] {strides = array<i32>} : memref<800xi32, #tpu.memory_space<vmem>>, vector<16xi32>,
      %shift_right_arithmetic3A_488 = arith.constant 12 : i32
      %shift_right_arithmetic3A_489 = vector.broadcast %shift_right_arithmetic3A_488 : i32 to vector<16xi32>
      %shift_right_arithmetic3A_490 = arith.shrsi %get3A_487, %shift_right_arithmetic3A_489 : vector<16xi32>
      %shift_left3A_491 = arith.constant 12 : i32
      %shift_left3A_492 = vector.broadcast %shift_left3A_491 : i32 to vector<16xi32>
      %shift_left3A_493 = arith.shli %shift_right_arithmetic3A_490, %shift_left3A_492 : vector<16xi32>
      %and3A_494 = arith.constant 2047 : i32
      %and3A_495 = vector.broadcast %and3A_494 : i32 to vector<16xi32>
      %and3A_496 = arith.andi %get3A_487, %and3A_495 : vector<16xi32>
      %shift_left3A_497 = arith.constant 1 : i32
      %shift_left3A_498 = vector.broadcast %shift_left3A_497 : i32 to vector<16xi32>
      %shift_left3A_499 = arith.shli %and3A_496, %shift_left3A_498 : vector<16xi32>
      %or3A_500 = arith.ori %shift_left3A_493, %shift_left3A_499 : vector<16xi32>
      %shift_right_arithmetic3A_501 = arith.constant 11 : i32
      %shift_right_arithmetic3A_502 = vector.broadcast %shift_right_arithmetic3A_501 : i32 to vector<16xi32>
      %shift_right_arithmetic3A_503 = arith.shrsi %get3A_487, %shift_right_arithmetic3A_502 : vector<16xi32>
      %and3A_504 = arith.constant 1 : i32
      %and3A_505 = vector.broadcast %and3A_504 : i32 to vector<16xi32>
      %and3A_506 = arith.andi %shift_right_arithmetic3A_503, %and3A_505 : vector<16xi32>
      %or3A_507 = arith.ori %or3A_500, %and3A_506 : vector<16xi32>
      %swap3A_508 = arith.constant 320 : index
      %swap3A_509 = tpu.vector_load %arg6[%swap3A_508] {strides = array<i32>} : memref<800xi32, #tpu.memory_space<vmem>>, vector<16xi32>,
      tpu.vector_store %arg6[%swap3A_508], %or3A_507 {strides = array<i32>} : memref<800xi32, #tpu.memory_space<vmem>>, vector<16xi32>,
      %get3A_510 = arith.constant 336 : index
      %get3A_511 = tpu.vector_load %arg5[%get3A_510] {strides = array<i32>} : memref<800xi32, #tpu.memory_space<vmem>>, vector<16xi32>,
      %shift_right_arithmetic3A_512 = arith.constant 12 : i32
      %shift_right_arithmetic3A_513 = vector.broadcast %shift_right_arithmetic3A_512 : i32 to vector<16xi32>
      %shift_right_arithmetic3A_514 = arith.shrsi %get3A_511, %shift_right_arithmetic3A_513 : vector<16xi32>
      %shift_left3A_515 = arith.constant 12 : i32
      %shift_left3A_516 = vector.broadcast %shift_left3A_515 : i32 to vector<16xi32>
      %shift_left3A_517 = arith.shli %shift_right_arithmetic3A_514, %shift_left3A_516 : vector<16xi32>
      %and3A_518 = arith.constant 2047 : i32
      %and3A_519 = vector.broadcast %and3A_518 : i32 to vector<16xi32>
      %and3A_520 = arith.andi %get3A_511, %and3A_519 : vector<16xi32>
      %shift_left3A_521 = arith.constant 1 : i32
      %shift_left3A_522 = vector.broadcast %shift_left3A_521 : i32 to vector<16xi32>
      %shift_left3A_523 = arith.shli %and3A_520, %shift_left3A_522 : vector<16xi32>
      %or3A_524 = arith.ori %shift_left3A_517, %shift_left3A_523 : vector<16xi32>
      %shift_right_arithmetic3A_525 = arith.constant 11 : i32
      %shift_right_arithmetic3A_526 = vector.broadcast %shift_right_arithmetic3A_525 : i32 to vector<16xi32>
      %shift_right_arithmetic3A_527 = arith.shrsi %get3A_511, %shift_right_arithmetic3A_526 : vector<16xi32>
      %and3A_528 = arith.constant 1 : i32
      %and3A_529 = vector.broadcast %and3A_528 : i32 to vector<16xi32>
      %and3A_530 = arith.andi %shift_right_arithmetic3A_527, %and3A_529 : vector<16xi32>
      %or3A_531 = arith.ori %or3A_524, %and3A_530 : vector<16xi32>
      %swap3A_532 = arith.constant 336 : index
      %swap3A_533 = tpu.vector_load %arg6[%swap3A_532] {strides = array<i32>} : memref<800xi32, #tpu.memory_space<vmem>>, vector<16xi32>,
      tpu.vector_store %arg6[%swap3A_532], %or3A_531 {strides = array<i32>} : memref<800xi32, #tpu.memory_space<vmem>>, vector<16xi32>,
      %get3A_534 = arith.constant 352 : index
      %get3A_535 = tpu.vector_load %arg5[%get3A_534] {strides = array<i32>} : memref<800xi32, #tpu.memory_space<vmem>>, vector<16xi32>,
      %shift_right_arithmetic3A_536 = arith.constant 12 : i32
      %shift_right_arithmetic3A_537 = vector.broadcast %shift_right_arithmetic3A_536 : i32 to vector<16xi32>
      %shift_right_arithmetic3A_538 = arith.shrsi %get3A_535, %shift_right_arithmetic3A_537 : vector<16xi32>
      %shift_left3A_539 = arith.constant 12 : i32
      %shift_left3A_540 = vector.broadcast %shift_left3A_539 : i32 to vector<16xi32>
      %shift_left3A_541 = arith.shli %shift_right_arithmetic3A_538, %shift_left3A_540 : vector<16xi32>
      %and3A_542 = arith.constant 2047 : i32
      %and3A_543 = vector.broadcast %and3A_542 : i32 to vector<16xi32>
      %and3A_544 = arith.andi %get3A_535, %and3A_543 : vector<16xi32>
      %shift_left3A_545 = arith.constant 1 : i32
      %shift_left3A_546 = vector.broadcast %shift_left3A_545 : i32 to vector<16xi32>
      %shift_left3A_547 = arith.shli %and3A_544, %shift_left3A_546 : vector<16xi32>
      %or3A_548 = arith.ori %shift_left3A_541, %shift_left3A_547 : vector<16xi32>
      %shift_right_arithmetic3A_549 = arith.constant 11 : i32
      %shift_right_arithmetic3A_550 = vector.broadcast %shift_right_arithmetic3A_549 : i32 to vector<16xi32>
      %shift_right_arithmetic3A_551 = arith.shrsi %get3A_535, %shift_right_arithmetic3A_550 : vector<16xi32>
      %and3A_552 = arith.constant 1 : i32
      %and3A_553 = vector.broadcast %and3A_552 : i32 to vector<16xi32>
      %and3A_554 = arith.andi %shift_right_arithmetic3A_551, %and3A_553 : vector<16xi32>
      %or3A_555 = arith.ori %or3A_548, %and3A_554 : vector<16xi32>
      %swap3A_556 = arith.constant 352 : index
      %swap3A_557 = tpu.vector_load %arg6[%swap3A_556] {strides = array<i32>} : memref<800xi32, #tpu.memory_space<vmem>>, vector<16xi32>,
      tpu.vector_store %arg6[%swap3A_556], %or3A_555 {strides = array<i32>} : memref<800xi32, #tpu.memory_space<vmem>>, vector<16xi32>,
      %get3A_558 = arith.constant 368 : index
      %get3A_559 = tpu.vector_load %arg5[%get3A_558] {strides = array<i32>} : memref<800xi32, #tpu.memory_space<vmem>>, vector<16xi32>,
      %shift_right_arithmetic3A_560 = arith.constant 12 : i32
      %shift_right_arithmetic3A_561 = vector.broadcast %shift_right_arithmetic3A_560 : i32 to vector<16xi32>
      %shift_right_arithmetic3A_562 = arith.shrsi %get3A_559, %shift_right_arithmetic3A_561 : vector<16xi32>
      %shift_left3A_563 = arith.constant 12 : i32
      %shift_left3A_564 = vector.broadcast %shift_left3A_563 : i32 to vector<16xi32>
      %shift_left3A_565 = arith.shli %shift_right_arithmetic3A_562, %shift_left3A_564 : vector<16xi32>
      %and3A_566 = arith.constant 2047 : i32
      %and3A_567 = vector.broadcast %and3A_566 : i32 to vector<16xi32>
      %and3A_568 = arith.andi %get3A_559, %and3A_567 : vector<16xi32>
      %shift_left3A_569 = arith.constant 1 : i32
      %shift_left3A_570 = vector.broadcast %shift_left3A_569 : i32 to vector<16xi32>
      %shift_left3A_571 = arith.shli %and3A_568, %shift_left3A_570 : vector<16xi32>
      %or3A_572 = arith.ori %shift_left3A_565, %shift_left3A_571 : vector<16xi32>
      %shift_right_arithmetic3A_573 = arith.constant 11 : i32
      %shift_right_arithmetic3A_574 = vector.broadcast %shift_right_arithmetic3A_573 : i32 to vector<16xi32>
      %shift_right_arithmetic3A_575 = arith.shrsi %get3A_559, %shift_right_arithmetic3A_574 : vector<16xi32>
      %and3A_576 = arith.constant 1 : i32
      %and3A_577 = vector.broadcast %and3A_576 : i32 to vector<16xi32>
      %and3A_578 = arith.andi %shift_right_arithmetic3A_575, %and3A_577 : vector<16xi32>
      %or3A_579 = arith.ori %or3A_572, %and3A_578 : vector<16xi32>
      %swap3A_580 = arith.constant 368 : index
      %swap3A_581 = tpu.vector_load %arg6[%swap3A_580] {strides = array<i32>} : memref<800xi32, #tpu.memory_space<vmem>>, vector<16xi32>,
      tpu.vector_store %arg6[%swap3A_580], %or3A_579 {strides = array<i32>} : memref<800xi32, #tpu.memory_space<vmem>>, vector<16xi32>,
      %get3A_582 = arith.constant 384 : index
      %get3A_583 = tpu.vector_load %arg5[%get3A_582] {strides = array<i32>} : memref<800xi32, #tpu.memory_space<vmem>>, vector<16xi32>,
      %shift_right_arithmetic3A_584 = arith.constant 12 : i32
      %shift_right_arithmetic3A_585 = vector.broadcast %shift_right_arithmetic3A_584 : i32 to vector<16xi32>
      %shift_right_arithmetic3A_586 = arith.shrsi %get3A_583, %shift_right_arithmetic3A_585 : vector<16xi32>
      %shift_left3A_587 = arith.constant 12 : i32
      %shift_left3A_588 = vector.broadcast %shift_left3A_587 : i32 to vector<16xi32>
      %shift_left3A_589 = arith.shli %shift_right_arithmetic3A_586, %shift_left3A_588 : vector<16xi32>
      %and3A_590 = arith.constant 2047 : i32
      %and3A_591 = vector.broadcast %and3A_590 : i32 to vector<16xi32>
      %and3A_592 = arith.andi %get3A_583, %and3A_591 : vector<16xi32>
      %shift_left3A_593 = arith.constant 1 : i32
      %shift_left3A_594 = vector.broadcast %shift_left3A_593 : i32 to vector<16xi32>
      %shift_left3A_595 = arith.shli %and3A_592, %shift_left3A_594 : vector<16xi32>
      %or3A_596 = arith.ori %shift_left3A_589, %shift_left3A_595 : vector<16xi32>
      %shift_right_arithmetic3A_597 = arith.constant 11 : i32
      %shift_right_arithmetic3A_598 = vector.broadcast %shift_right_arithmetic3A_597 : i32 to vector<16xi32>
      %shift_right_arithmetic3A_599 = arith.shrsi %get3A_583, %shift_right_arithmetic3A_598 : vector<16xi32>
      %and3A_600 = arith.constant 1 : i32
      %and3A_601 = vector.broadcast %and3A_600 : i32 to vector<16xi32>
      %and3A_602 = arith.andi %shift_right_arithmetic3A_599, %and3A_601 : vector<16xi32>
      %or3A_603 = arith.ori %or3A_596, %and3A_602 : vector<16xi32>
      %swap3A_604 = arith.constant 384 : index
      %swap3A_605 = tpu.vector_load %arg6[%swap3A_604] {strides = array<i32>} : memref<800xi32, #tpu.memory_space<vmem>>, vector<16xi32>,
      tpu.vector_store %arg6[%swap3A_604], %or3A_603 {strides = array<i32>} : memref<800xi32, #tpu.memory_space<vmem>>, vector<16xi32>,
      %get3A_606 = arith.constant 400 : index
      %get3A_607 = tpu.vector_load %arg5[%get3A_606] {strides = array<i32>} : memref<800xi32, #tpu.memory_space<vmem>>, vector<16xi32>,
      %shift_right_arithmetic3A_608 = arith.constant 12 : i32
      %shift_right_arithmetic3A_609 = vector.broadcast %shift_right_arithmetic3A_608 : i32 to vector<16xi32>
      %shift_right_arithmetic3A_610 = arith.shrsi %get3A_607, %shift_right_arithmetic3A_609 : vector<16xi32>
      %shift_left3A_611 = arith.constant 12 : i32
      %shift_left3A_612 = vector.broadcast %shift_left3A_611 : i32 to vector<16xi32>
      %shift_left3A_613 = arith.shli %shift_right_arithmetic3A_610, %shift_left3A_612 : vector<16xi32>
      %and3A_614 = arith.constant 2047 : i32
      %and3A_615 = vector.broadcast %and3A_614 : i32 to vector<16xi32>
      %and3A_616 = arith.andi %get3A_607, %and3A_615 : vector<16xi32>
      %shift_left3A_617 = arith.constant 1 : i32
      %shift_left3A_618 = vector.broadcast %shift_left3A_617 : i32 to vector<16xi32>
      %shift_left3A_619 = arith.shli %and3A_616, %shift_left3A_618 : vector<16xi32>
      %or3A_620 = arith.ori %shift_left3A_613, %shift_left3A_619 : vector<16xi32>
      %shift_right_arithmetic3A_621 = arith.constant 11 : i32
      %shift_right_arithmetic3A_622 = vector.broadcast %shift_right_arithmetic3A_621 : i32 to vector<16xi32>
      %shift_right_arithmetic3A_623 = arith.shrsi %get3A_607, %shift_right_arithmetic3A_622 : vector<16xi32>
      %and3A_624 = arith.constant 1 : i32
      %and3A_625 = vector.broadcast %and3A_624 : i32 to vector<16xi32>
      %and3A_626 = arith.andi %shift_right_arithmetic3A_623, %and3A_625 : vector<16xi32>
      %or3A_627 = arith.ori %or3A_620, %and3A_626 : vector<16xi32>
      %swap3A_628 = arith.constant 400 : index
      %swap3A_629 = tpu.vector_load %arg6[%swap3A_628] {strides = array<i32>} : memref<800xi32, #tpu.memory_space<vmem>>, vector<16xi32>,
      tpu.vector_store %arg6[%swap3A_628], %or3A_627 {strides = array<i32>} : memref<800xi32, #tpu.memory_space<vmem>>, vector<16xi32>,
      %get3A_630 = arith.constant 416 : index
      %get3A_631 = tpu.vector_load %arg5[%get3A_630] {strides = array<i32>} : memref<800xi32, #tpu.memory_space<vmem>>, vector<16xi32>,
      %shift_right_arithmetic3A_632 = arith.constant 12 : i32
      %shift_right_arithmetic3A_633 = vector.broadcast %shift_right_arithmetic3A_632 : i32 to vector<16xi32>
      %shift_right_arithmetic3A_634 = arith.shrsi %get3A_631, %shift_right_arithmetic3A_633 : vector<16xi32>
      %shift_left3A_635 = arith.constant 12 : i32
      %shift_left3A_636 = vector.broadcast %shift_left3A_635 : i32 to vector<16xi32>
      %shift_left3A_637 = arith.shli %shift_right_arithmetic3A_634, %shift_left3A_636 : vector<16xi32>
      %and3A_638 = arith.constant 2047 : i32
      %and3A_639 = vector.broadcast %and3A_638 : i32 to vector<16xi32>
      %and3A_640 = arith.andi %get3A_631, %and3A_639 : vector<16xi32>
      %shift_left3A_641 = arith.constant 1 : i32
      %shift_left3A_642 = vector.broadcast %shift_left3A_641 : i32 to vector<16xi32>
      %shift_left3A_643 = arith.shli %and3A_640, %shift_left3A_642 : vector<16xi32>
      %or3A_644 = arith.ori %shift_left3A_637, %shift_left3A_643 : vector<16xi32>
      %shift_right_arithmetic3A_645 = arith.constant 11 : i32
      %shift_right_arithmetic3A_646 = vector.broadcast %shift_right_arithmetic3A_645 : i32 to vector<16xi32>
      %shift_right_arithmetic3A_647 = arith.shrsi %get3A_631, %shift_right_arithmetic3A_646 : vector<16xi32>
      %and3A_648 = arith.constant 1 : i32
      %and3A_649 = vector.broadcast %and3A_648 : i32 to vector<16xi32>
      %and3A_650 = arith.andi %shift_right_arithmetic3A_647, %and3A_649 : vector<16xi32>
      %or3A_651 = arith.ori %or3A_644, %and3A_650 : vector<16xi32>
      %swap3A_652 = arith.constant 416 : index
      %swap3A_653 = tpu.vector_load %arg6[%swap3A_652] {strides = array<i32>} : memref<800xi32, #tpu.memory_space<vmem>>, vector<16xi32>,
      tpu.vector_store %arg6[%swap3A_652], %or3A_651 {strides = array<i32>} : memref<800xi32, #tpu.memory_space<vmem>>, vector<16xi32>,
      %get3A_654 = arith.constant 432 : index
      %get3A_655 = tpu.vector_load %arg5[%get3A_654] {strides = array<i32>} : memref<800xi32, #tpu.memory_space<vmem>>, vector<16xi32>,
      %shift_right_arithmetic3A_656 = arith.constant 12 : i32
      %shift_right_arithmetic3A_657 = vector.broadcast %shift_right_arithmetic3A_656 : i32 to vector<16xi32>
      %shift_right_arithmetic3A_658 = arith.shrsi %get3A_655, %shift_right_arithmetic3A_657 : vector<16xi32>
      %shift_left3A_659 = arith.constant 12 : i32
      %shift_left3A_660 = vector.broadcast %shift_left3A_659 : i32 to vector<16xi32>
      %shift_left3A_661 = arith.shli %shift_right_arithmetic3A_658, %shift_left3A_660 : vector<16xi32>
      %and3A_662 = arith.constant 2047 : i32
      %and3A_663 = vector.broadcast %and3A_662 : i32 to vector<16xi32>
      %and3A_664 = arith.andi %get3A_655, %and3A_663 : vector<16xi32>
      %shift_left3A_665 = arith.constant 1 : i32
      %shift_left3A_666 = vector.broadcast %shift_left3A_665 : i32 to vector<16xi32>
      %shift_left3A_667 = arith.shli %and3A_664, %shift_left3A_666 : vector<16xi32>
      %or3A_668 = arith.ori %shift_left3A_661, %shift_left3A_667 : vector<16xi32>
      %shift_right_arithmetic3A_669 = arith.constant 11 : i32
      %shift_right_arithmetic3A_670 = vector.broadcast %shift_right_arithmetic3A_669 : i32 to vector<16xi32>
      %shift_right_arithmetic3A_671 = arith.shrsi %get3A_655, %shift_right_arithmetic3A_670 : vector<16xi32>
      %and3A_672 = arith.constant 1 : i32
      %and3A_673 = vector.broadcast %and3A_672 : i32 to vector<16xi32>
      %and3A_674 = arith.andi %shift_right_arithmetic3A_671, %and3A_673 : vector<16xi32>
      %or3A_675 = arith.ori %or3A_668, %and3A_674 : vector<16xi32>
      %swap3A_676 = arith.constant 432 : index
      %swap3A_677 = tpu.vector_load %arg6[%swap3A_676] {strides = array<i32>} : memref<800xi32, #tpu.memory_space<vmem>>, vector<16xi32>,
      tpu.vector_store %arg6[%swap3A_676], %or3A_675 {strides = array<i32>} : memref<800xi32, #tpu.memory_space<vmem>>, vector<16xi32>,
      %get3A_678 = arith.constant 448 : index
      %get3A_679 = tpu.vector_load %arg5[%get3A_678] {strides = array<i32>} : memref<800xi32, #tpu.memory_space<vmem>>, vector<16xi32>,
      %shift_right_arithmetic3A_680 = arith.constant 12 : i32
      %shift_right_arithmetic3A_681 = vector.broadcast %shift_right_arithmetic3A_680 : i32 to vector<16xi32>
      %shift_right_arithmetic3A_682 = arith.shrsi %get3A_679, %shift_right_arithmetic3A_681 : vector<16xi32>
      %shift_left3A_683 = arith.constant 12 : i32
      %shift_left3A_684 = vector.broadcast %shift_left3A_683 : i32 to vector<16xi32>
      %shift_left3A_685 = arith.shli %shift_right_arithmetic3A_682, %shift_left3A_684 : vector<16xi32>
      %and3A_686 = arith.constant 2047 : i32
      %and3A_687 = vector.broadcast %and3A_686 : i32 to vector<16xi32>
      %and3A_688 = arith.andi %get3A_679, %and3A_687 : vector<16xi32>
      %shift_left3A_689 = arith.constant 1 : i32
      %shift_left3A_690 = vector.broadcast %shift_left3A_689 : i32 to vector<16xi32>
      %shift_left3A_691 = arith.shli %and3A_688, %shift_left3A_690 : vector<16xi32>
      %or3A_692 = arith.ori %shift_left3A_685, %shift_left3A_691 : vector<16xi32>
      %shift_right_arithmetic3A_693 = arith.constant 11 : i32
      %shift_right_arithmetic3A_694 = vector.broadcast %shift_right_arithmetic3A_693 : i32 to vector<16xi32>
      %shift_right_arithmetic3A_695 = arith.shrsi %get3A_679, %shift_right_arithmetic3A_694 : vector<16xi32>
      %and3A_696 = arith.constant 1 : i32
      %and3A_697 = vector.broadcast %and3A_696 : i32 to vector<16xi32>
      %and3A_698 = arith.andi %shift_right_arithmetic3A_695, %and3A_697 : vector<16xi32>
      %or3A_699 = arith.ori %or3A_692, %and3A_698 : vector<16xi32>
      %swap3A_700 = arith.constant 448 : index
      %swap3A_701 = tpu.vector_load %arg6[%swap3A_700] {strides = array<i32>} : memref<800xi32, #tpu.memory_space<vmem>>, vector<16xi32>,
      tpu.vector_store %arg6[%swap3A_700], %or3A_699 {strides = array<i32>} : memref<800xi32, #tpu.memory_space<vmem>>, vector<16xi32>,
      %get3A_702 = arith.constant 464 : index
      %get3A_703 = tpu.vector_load %arg5[%get3A_702] {strides = array<i32>} : memref<800xi32, #tpu.memory_space<vmem>>, vector<16xi32>,
      %shift_right_arithmetic3A_704 = arith.constant 12 : i32
      %shift_right_arithmetic3A_705 = vector.broadcast %shift_right_arithmetic3A_704 : i32 to vector<16xi32>
      %shift_right_arithmetic3A_706 = arith.shrsi %get3A_703, %shift_right_arithmetic3A_705 : vector<16xi32>
      %shift_left3A_707 = arith.constant 12 : i32
      %shift_left3A_708 = vector.broadcast %shift_left3A_707 : i32 to vector<16xi32>
      %shift_left3A_709 = arith.shli %shift_right_arithmetic3A_706, %shift_left3A_708 : vector<16xi32>
      %and3A_710 = arith.constant 2047 : i32
      %and3A_711 = vector.broadcast %and3A_710 : i32 to vector<16xi32>
      %and3A_712 = arith.andi %get3A_703, %and3A_711 : vector<16xi32>
      %shift_left3A_713 = arith.constant 1 : i32
      %shift_left3A_714 = vector.broadcast %shift_left3A_713 : i32 to vector<16xi32>
      %shift_left3A_715 = arith.shli %and3A_712, %shift_left3A_714 : vector<16xi32>
      %or3A_716 = arith.ori %shift_left3A_709, %shift_left3A_715 : vector<16xi32>
      %shift_right_arithmetic3A_717 = arith.constant 11 : i32
      %shift_right_arithmetic3A_718 = vector.broadcast %shift_right_arithmetic3A_717 : i32 to vector<16xi32>
      %shift_right_arithmetic3A_719 = arith.shrsi %get3A_703, %shift_right_arithmetic3A_718 : vector<16xi32>
      %and3A_720 = arith.constant 1 : i32
      %and3A_721 = vector.broadcast %and3A_720 : i32 to vector<16xi32>
      %and3A_722 = arith.andi %shift_right_arithmetic3A_719, %and3A_721 : vector<16xi32>
      %or3A_723 = arith.ori %or3A_716, %and3A_722 : vector<16xi32>
      %swap3A_724 = arith.constant 464 : index
      %swap3A_725 = tpu.vector_load %arg6[%swap3A_724] {strides = array<i32>} : memref<800xi32, #tpu.memory_space<vmem>>, vector<16xi32>,
      tpu.vector_store %arg6[%swap3A_724], %or3A_723 {strides = array<i32>} : memref<800xi32, #tpu.memory_space<vmem>>, vector<16xi32>,
      %get3A_726 = arith.constant 480 : index
      %get3A_727 = tpu.vector_load %arg5[%get3A_726] {strides = array<i32>} : memref<800xi32, #tpu.memory_space<vmem>>, vector<16xi32>,
      %shift_right_arithmetic3A_728 = arith.constant 12 : i32
      %shift_right_arithmetic3A_729 = vector.broadcast %shift_right_arithmetic3A_728 : i32 to vector<16xi32>
      %shift_right_arithmetic3A_730 = arith.shrsi %get3A_727, %shift_right_arithmetic3A_729 : vector<16xi32>
      %shift_left3A_731 = arith.constant 12 : i32
      %shift_left3A_732 = vector.broadcast %shift_left3A_731 : i32 to vector<16xi32>
      %shift_left3A_733 = arith.shli %shift_right_arithmetic3A_730, %shift_left3A_732 : vector<16xi32>
      %and3A_734 = arith.constant 2047 : i32
      %and3A_735 = vector.broadcast %and3A_734 : i32 to vector<16xi32>
      %and3A_736 = arith.andi %get3A_727, %and3A_735 : vector<16xi32>
      %shift_left3A_737 = arith.constant 1 : i32
      %shift_left3A_738 = vector.broadcast %shift_left3A_737 : i32 to vector<16xi32>
      %shift_left3A_739 = arith.shli %and3A_736, %shift_left3A_738 : vector<16xi32>
      %or3A_740 = arith.ori %shift_left3A_733, %shift_left3A_739 : vector<16xi32>
      %shift_right_arithmetic3A_741 = arith.constant 11 : i32
      %shift_right_arithmetic3A_742 = vector.broadcast %shift_right_arithmetic3A_741 : i32 to vector<16xi32>
      %shift_right_arithmetic3A_743 = arith.shrsi %get3A_727, %shift_right_arithmetic3A_742 : vector<16xi32>
      %and3A_744 = arith.constant 1 : i32
      %and3A_745 = vector.broadcast %and3A_744 : i32 to vector<16xi32>
      %and3A_746 = arith.andi %shift_right_arithmetic3A_743, %and3A_745 : vector<16xi32>
      %or3A_747 = arith.ori %or3A_740, %and3A_746 : vector<16xi32>
      %swap3A_748 = arith.constant 480 : index
      %swap3A_749 = tpu.vector_load %arg6[%swap3A_748] {strides = array<i32>} : memref<800xi32, #tpu.memory_space<vmem>>, vector<16xi32>,
      tpu.vector_store %arg6[%swap3A_748], %or3A_747 {strides = array<i32>} : memref<800xi32, #tpu.memory_space<vmem>>, vector<16xi32>,
      %get3A_750 = arith.constant 496 : index
      %get3A_751 = tpu.vector_load %arg5[%get3A_750] {strides = array<i32>} : memref<800xi32, #tpu.memory_space<vmem>>, vector<16xi32>,
      %shift_right_arithmetic3A_752 = arith.constant 12 : i32
      %shift_right_arithmetic3A_753 = vector.broadcast %shift_right_arithmetic3A_752 : i32 to vector<16xi32>
      %shift_right_arithmetic3A_754 = arith.shrsi %get3A_751, %shift_right_arithmetic3A_753 : vector<16xi32>
      %shift_left3A_755 = arith.constant 12 : i32
      %shift_left3A_756 = vector.broadcast %shift_left3A_755 : i32 to vector<16xi32>
      %shift_left3A_757 = arith.shli %shift_right_arithmetic3A_754, %shift_left3A_756 : vector<16xi32>
      %and3A_758 = arith.constant 2047 : i32
      %and3A_759 = vector.broadcast %and3A_758 : i32 to vector<16xi32>
      %and3A_760 = arith.andi %get3A_751, %and3A_759 : vector<16xi32>
      %shift_left3A_761 = arith.constant 1 : i32
      %shift_left3A_762 = vector.broadcast %shift_left3A_761 : i32 to vector<16xi32>
      %shift_left3A_763 = arith.shli %and3A_760, %shift_left3A_762 : vector<16xi32>
      %or3A_764 = arith.ori %shift_left3A_757, %shift_left3A_763 : vector<16xi32>
      %shift_right_arithmetic3A_765 = arith.constant 11 : i32
      %shift_right_arithmetic3A_766 = vector.broadcast %shift_right_arithmetic3A_765 : i32 to vector<16xi32>
      %shift_right_arithmetic3A_767 = arith.shrsi %get3A_751, %shift_right_arithmetic3A_766 : vector<16xi32>
      %and3A_768 = arith.constant 1 : i32
      %and3A_769 = vector.broadcast %and3A_768 : i32 to vector<16xi32>
      %and3A_770 = arith.andi %shift_right_arithmetic3A_767, %and3A_769 : vector<16xi32>
      %or3A_771 = arith.ori %or3A_764, %and3A_770 : vector<16xi32>
      %swap3A_772 = arith.constant 496 : index
      %swap3A_773 = tpu.vector_load %arg6[%swap3A_772] {strides = array<i32>} : memref<800xi32, #tpu.memory_space<vmem>>, vector<16xi32>,
      tpu.vector_store %arg6[%swap3A_772], %or3A_771 {strides = array<i32>} : memref<800xi32, #tpu.memory_space<vmem>>, vector<16xi32>,
      %get3A_774 = arith.constant 512 : index
      %get3A_775 = tpu.vector_load %arg5[%get3A_774] {strides = array<i32>} : memref<800xi32, #tpu.memory_space<vmem>>, vector<16xi32>,
      %shift_right_arithmetic3A_776 = arith.constant 12 : i32
      %shift_right_arithmetic3A_777 = vector.broadcast %shift_right_arithmetic3A_776 : i32 to vector<16xi32>
      %shift_right_arithmetic3A_778 = arith.shrsi %get3A_775, %shift_right_arithmetic3A_777 : vector<16xi32>
      %shift_left3A_779 = arith.constant 12 : i32
      %shift_left3A_780 = vector.broadcast %shift_left3A_779 : i32 to vector<16xi32>
      %shift_left3A_781 = arith.shli %shift_right_arithmetic3A_778, %shift_left3A_780 : vector<16xi32>
      %and3A_782 = arith.constant 2047 : i32
      %and3A_783 = vector.broadcast %and3A_782 : i32 to vector<16xi32>
      %and3A_784 = arith.andi %get3A_775, %and3A_783 : vector<16xi32>
      %shift_left3A_785 = arith.constant 1 : i32
      %shift_left3A_786 = vector.broadcast %shift_left3A_785 : i32 to vector<16xi32>
      %shift_left3A_787 = arith.shli %and3A_784, %shift_left3A_786 : vector<16xi32>
      %or3A_788 = arith.ori %shift_left3A_781, %shift_left3A_787 : vector<16xi32>
      %shift_right_arithmetic3A_789 = arith.constant 11 : i32
      %shift_right_arithmetic3A_790 = vector.broadcast %shift_right_arithmetic3A_789 : i32 to vector<16xi32>
      %shift_right_arithmetic3A_791 = arith.shrsi %get3A_775, %shift_right_arithmetic3A_790 : vector<16xi32>
      %and3A_792 = arith.constant 1 : i32
      %and3A_793 = vector.broadcast %and3A_792 : i32 to vector<16xi32>
      %and3A_794 = arith.andi %shift_right_arithmetic3A_791, %and3A_793 : vector<16xi32>
      %or3A_795 = arith.ori %or3A_788, %and3A_794 : vector<16xi32>
      %swap3A_796 = arith.constant 512 : index
      %swap3A_797 = tpu.vector_load %arg6[%swap3A_796] {strides = array<i32>} : memref<800xi32, #tpu.memory_space<vmem>>, vector<16xi32>,
      tpu.vector_store %arg6[%swap3A_796], %or3A_795 {strides = array<i32>} : memref<800xi32, #tpu.memory_space<vmem>>, vector<16xi32>,
      %get3A_798 = arith.constant 528 : index
      %get3A_799 = tpu.vector_load %arg5[%get3A_798] {strides = array<i32>} : memref<800xi32, #tpu.memory_space<vmem>>, vector<16xi32>,
      %shift_right_arithmetic3A_800 = arith.constant 12 : i32
      %shift_right_arithmetic3A_801 = vector.broadcast %shift_right_arithmetic3A_800 : i32 to vector<16xi32>
      %shift_right_arithmetic3A_802 = arith.shrsi %get3A_799, %shift_right_arithmetic3A_801 : vector<16xi32>
      %shift_left3A_803 = arith.constant 12 : i32
      %shift_left3A_804 = vector.broadcast %shift_left3A_803 : i32 to vector<16xi32>
      %shift_left3A_805 = arith.shli %shift_right_arithmetic3A_802, %shift_left3A_804 : vector<16xi32>
      %and3A_806 = arith.constant 2047 : i32
      %and3A_807 = vector.broadcast %and3A_806 : i32 to vector<16xi32>
      %and3A_808 = arith.andi %get3A_799, %and3A_807 : vector<16xi32>
      %shift_left3A_809 = arith.constant 1 : i32
      %shift_left3A_810 = vector.broadcast %shift_left3A_809 : i32 to vector<16xi32>
      %shift_left3A_811 = arith.shli %and3A_808, %shift_left3A_810 : vector<16xi32>
      %or3A_812 = arith.ori %shift_left3A_805, %shift_left3A_811 : vector<16xi32>
      %shift_right_arithmetic3A_813 = arith.constant 11 : i32
      %shift_right_arithmetic3A_814 = vector.broadcast %shift_right_arithmetic3A_813 : i32 to vector<16xi32>
      %shift_right_arithmetic3A_815 = arith.shrsi %get3A_799, %shift_right_arithmetic3A_814 : vector<16xi32>
      %and3A_816 = arith.constant 1 : i32
      %and3A_817 = vector.broadcast %and3A_816 : i32 to vector<16xi32>
      %and3A_818 = arith.andi %shift_right_arithmetic3A_815, %and3A_817 : vector<16xi32>
      %or3A_819 = arith.ori %or3A_812, %and3A_818 : vector<16xi32>
      %swap3A_820 = arith.constant 528 : index
      %swap3A_821 = tpu.vector_load %arg6[%swap3A_820] {strides = array<i32>} : memref<800xi32, #tpu.memory_space<vmem>>, vector<16xi32>,
      tpu.vector_store %arg6[%swap3A_820], %or3A_819 {strides = array<i32>} : memref<800xi32, #tpu.memory_space<vmem>>, vector<16xi32>,
      %get3A_822 = arith.constant 544 : index
      %get3A_823 = tpu.vector_load %arg5[%get3A_822] {strides = array<i32>} : memref<800xi32, #tpu.memory_space<vmem>>, vector<16xi32>,
      %shift_right_arithmetic3A_824 = arith.constant 12 : i32
      %shift_right_arithmetic3A_825 = vector.broadcast %shift_right_arithmetic3A_824 : i32 to vector<16xi32>
      %shift_right_arithmetic3A_826 = arith.shrsi %get3A_823, %shift_right_arithmetic3A_825 : vector<16xi32>
      %shift_left3A_827 = arith.constant 12 : i32
      %shift_left3A_828 = vector.broadcast %shift_left3A_827 : i32 to vector<16xi32>
      %shift_left3A_829 = arith.shli %shift_right_arithmetic3A_826, %shift_left3A_828 : vector<16xi32>
      %and3A_830 = arith.constant 2047 : i32
      %and3A_831 = vector.broadcast %and3A_830 : i32 to vector<16xi32>
      %and3A_832 = arith.andi %get3A_823, %and3A_831 : vector<16xi32>
      %shift_left3A_833 = arith.constant 1 : i32
      %shift_left3A_834 = vector.broadcast %shift_left3A_833 : i32 to vector<16xi32>
      %shift_left3A_835 = arith.shli %and3A_832, %shift_left3A_834 : vector<16xi32>
      %or3A_836 = arith.ori %shift_left3A_829, %shift_left3A_835 : vector<16xi32>
      %shift_right_arithmetic3A_837 = arith.constant 11 : i32
      %shift_right_arithmetic3A_838 = vector.broadcast %shift_right_arithmetic3A_837 : i32 to vector<16xi32>
      %shift_right_arithmetic3A_839 = arith.shrsi %get3A_823, %shift_right_arithmetic3A_838 : vector<16xi32>
      %and3A_840 = arith.constant 1 : i32
      %and3A_841 = vector.broadcast %and3A_840 : i32 to vector<16xi32>
      %and3A_842 = arith.andi %shift_right_arithmetic3A_839, %and3A_841 : vector<16xi32>
      %or3A_843 = arith.ori %or3A_836, %and3A_842 : vector<16xi32>
      %swap3A_844 = arith.constant 544 : index
      %swap3A_845 = tpu.vector_load %arg6[%swap3A_844] {strides = array<i32>} : memref<800xi32, #tpu.memory_space<vmem>>, vector<16xi32>,
      tpu.vector_store %arg6[%swap3A_844], %or3A_843 {strides = array<i32>} : memref<800xi32, #tpu.memory_space<vmem>>, vector<16xi32>,
      %get3A_846 = arith.constant 560 : index
      %get3A_847 = tpu.vector_load %arg5[%get3A_846] {strides = array<i32>} : memref<800xi32, #tpu.memory_space<vmem>>, vector<16xi32>,
      %shift_right_arithmetic3A_848 = arith.constant 12 : i32
      %shift_right_arithmetic3A_849 = vector.broadcast %shift_right_arithmetic3A_848 : i32 to vector<16xi32>
      %shift_right_arithmetic3A_850 = arith.shrsi %get3A_847, %shift_right_arithmetic3A_849 : vector<16xi32>
      %shift_left3A_851 = arith.constant 12 : i32
      %shift_left3A_852 = vector.broadcast %shift_left3A_851 : i32 to vector<16xi32>
      %shift_left3A_853 = arith.shli %shift_right_arithmetic3A_850, %shift_left3A_852 : vector<16xi32>
      %and3A_854 = arith.constant 2047 : i32
      %and3A_855 = vector.broadcast %and3A_854 : i32 to vector<16xi32>
      %and3A_856 = arith.andi %get3A_847, %and3A_855 : vector<16xi32>
      %shift_left3A_857 = arith.constant 1 : i32
      %shift_left3A_858 = vector.broadcast %shift_left3A_857 : i32 to vector<16xi32>
      %shift_left3A_859 = arith.shli %and3A_856, %shift_left3A_858 : vector<16xi32>
      %or3A_860 = arith.ori %shift_left3A_853, %shift_left3A_859 : vector<16xi32>
      %shift_right_arithmetic3A_861 = arith.constant 11 : i32
      %shift_right_arithmetic3A_862 = vector.broadcast %shift_right_arithmetic3A_861 : i32 to vector<16xi32>
      %shift_right_arithmetic3A_863 = arith.shrsi %get3A_847, %shift_right_arithmetic3A_862 : vector<16xi32>
      %and3A_864 = arith.constant 1 : i32
      %and3A_865 = vector.broadcast %and3A_864 : i32 to vector<16xi32>
      %and3A_866 = arith.andi %shift_right_arithmetic3A_863, %and3A_865 : vector<16xi32>
      %or3A_867 = arith.ori %or3A_860, %and3A_866 : vector<16xi32>
      %swap3A_868 = arith.constant 560 : index
      %swap3A_869 = tpu.vector_load %arg6[%swap3A_868] {strides = array<i32>} : memref<800xi32, #tpu.memory_space<vmem>>, vector<16xi32>,
      tpu.vector_store %arg6[%swap3A_868], %or3A_867 {strides = array<i32>} : memref<800xi32, #tpu.memory_space<vmem>>, vector<16xi32>,
      %get3A_870 = arith.constant 576 : index
      %get3A_871 = tpu.vector_load %arg5[%get3A_870] {strides = array<i32>} : memref<800xi32, #tpu.memory_space<vmem>>, vector<16xi32>,
      %shift_right_arithmetic3A_872 = arith.constant 12 : i32
      %shift_right_arithmetic3A_873 = vector.broadcast %shift_right_arithmetic3A_872 : i32 to vector<16xi32>
      %shift_right_arithmetic3A_874 = arith.shrsi %get3A_871, %shift_right_arithmetic3A_873 : vector<16xi32>
      %shift_left3A_875 = arith.constant 12 : i32
      %shift_left3A_876 = vector.broadcast %shift_left3A_875 : i32 to vector<16xi32>
      %shift_left3A_877 = arith.shli %shift_right_arithmetic3A_874, %shift_left3A_876 : vector<16xi32>
      %and3A_878 = arith.constant 2047 : i32
      %and3A_879 = vector.broadcast %and3A_878 : i32 to vector<16xi32>
      %and3A_880 = arith.andi %get3A_871, %and3A_879 : vector<16xi32>
      %shift_left3A_881 = arith.constant 1 : i32
      %shift_left3A_882 = vector.broadcast %shift_left3A_881 : i32 to vector<16xi32>
      %shift_left3A_883 = arith.shli %and3A_880, %shift_left3A_882 : vector<16xi32>
      %or3A_884 = arith.ori %shift_left3A_877, %shift_left3A_883 : vector<16xi32>
      %shift_right_arithmetic3A_885 = arith.constant 11 : i32
      %shift_right_arithmetic3A_886 = vector.broadcast %shift_right_arithmetic3A_885 : i32 to vector<16xi32>
      %shift_right_arithmetic3A_887 = arith.shrsi %get3A_871, %shift_right_arithmetic3A_886 : vector<16xi32>
      %and3A_888 = arith.constant 1 : i32
      %and3A_889 = vector.broadcast %and3A_888 : i32 to vector<16xi32>
      %and3A_890 = arith.andi %shift_right_arithmetic3A_887, %and3A_889 : vector<16xi32>
      %or3A_891 = arith.ori %or3A_884, %and3A_890 : vector<16xi32>
      %swap3A_892 = arith.constant 576 : index
      %swap3A_893 = tpu.vector_load %arg6[%swap3A_892] {strides = array<i32>} : memref<800xi32, #tpu.memory_space<vmem>>, vector<16xi32>,
      tpu.vector_store %arg6[%swap3A_892], %or3A_891 {strides = array<i32>} : memref<800xi32, #tpu.memory_space<vmem>>, vector<16xi32>,
      %get3A_894 = arith.constant 592 : index
      %get3A_895 = tpu.vector_load %arg5[%get3A_894] {strides = array<i32>} : memref<800xi32, #tpu.memory_space<vmem>>, vector<16xi32>,
      %shift_right_arithmetic3A_896 = arith.constant 12 : i32
      %shift_right_arithmetic3A_897 = vector.broadcast %shift_right_arithmetic3A_896 : i32 to vector<16xi32>
      %shift_right_arithmetic3A_898 = arith.shrsi %get3A_895, %shift_right_arithmetic3A_897 : vector<16xi32>
      %shift_left3A_899 = arith.constant 12 : i32
      %shift_left3A_900 = vector.broadcast %shift_left3A_899 : i32 to vector<16xi32>
      %shift_left3A_901 = arith.shli %shift_right_arithmetic3A_898, %shift_left3A_900 : vector<16xi32>
      %and3A_902 = arith.constant 2047 : i32
      %and3A_903 = vector.broadcast %and3A_902 : i32 to vector<16xi32>
      %and3A_904 = arith.andi %get3A_895, %and3A_903 : vector<16xi32>
      %shift_left3A_905 = arith.constant 1 : i32
      %shift_left3A_906 = vector.broadcast %shift_left3A_905 : i32 to vector<16xi32>
      %shift_left3A_907 = arith.shli %and3A_904, %shift_left3A_906 : vector<16xi32>
      %or3A_908 = arith.ori %shift_left3A_901, %shift_left3A_907 : vector<16xi32>
      %shift_right_arithmetic3A_909 = arith.constant 11 : i32
      %shift_right_arithmetic3A_910 = vector.broadcast %shift_right_arithmetic3A_909 : i32 to vector<16xi32>
      %shift_right_arithmetic3A_911 = arith.shrsi %get3A_895, %shift_right_arithmetic3A_910 : vector<16xi32>
      %and3A_912 = arith.constant 1 : i32
      %and3A_913 = vector.broadcast %and3A_912 : i32 to vector<16xi32>
      %and3A_914 = arith.andi %shift_right_arithmetic3A_911, %and3A_913 : vector<16xi32>
      %or3A_915 = arith.ori %or3A_908, %and3A_914 : vector<16xi32>
      %swap3A_916 = arith.constant 592 : index
      %swap3A_917 = tpu.vector_load %arg6[%swap3A_916] {strides = array<i32>} : memref<800xi32, #tpu.memory_space<vmem>>, vector<16xi32>,
      tpu.vector_store %arg6[%swap3A_916], %or3A_915 {strides = array<i32>} : memref<800xi32, #tpu.memory_space<vmem>>, vector<16xi32>,
      %get3A_918 = arith.constant 608 : index
      %get3A_919 = tpu.vector_load %arg5[%get3A_918] {strides = array<i32>} : memref<800xi32, #tpu.memory_space<vmem>>, vector<16xi32>,
      %shift_right_arithmetic3A_920 = arith.constant 12 : i32
      %shift_right_arithmetic3A_921 = vector.broadcast %shift_right_arithmetic3A_920 : i32 to vector<16xi32>
      %shift_right_arithmetic3A_922 = arith.shrsi %get3A_919, %shift_right_arithmetic3A_921 : vector<16xi32>
      %shift_left3A_923 = arith.constant 12 : i32
      %shift_left3A_924 = vector.broadcast %shift_left3A_923 : i32 to vector<16xi32>
      %shift_left3A_925 = arith.shli %shift_right_arithmetic3A_922, %shift_left3A_924 : vector<16xi32>
      %and3A_926 = arith.constant 2047 : i32
      %and3A_927 = vector.broadcast %and3A_926 : i32 to vector<16xi32>
      %and3A_928 = arith.andi %get3A_919, %and3A_927 : vector<16xi32>
      %shift_left3A_929 = arith.constant 1 : i32
      %shift_left3A_930 = vector.broadcast %shift_left3A_929 : i32 to vector<16xi32>
      %shift_left3A_931 = arith.shli %and3A_928, %shift_left3A_930 : vector<16xi32>
      %or3A_932 = arith.ori %shift_left3A_925, %shift_left3A_931 : vector<16xi32>
      %shift_right_arithmetic3A_933 = arith.constant 11 : i32
      %shift_right_arithmetic3A_934 = vector.broadcast %shift_right_arithmetic3A_933 : i32 to vector<16xi32>
      %shift_right_arithmetic3A_935 = arith.shrsi %get3A_919, %shift_right_arithmetic3A_934 : vector<16xi32>
      %and3A_936 = arith.constant 1 : i32
      %and3A_937 = vector.broadcast %and3A_936 : i32 to vector<16xi32>
      %and3A_938 = arith.andi %shift_right_arithmetic3A_935, %and3A_937 : vector<16xi32>
      %or3A_939 = arith.ori %or3A_932, %and3A_938 : vector<16xi32>
      %swap3A_940 = arith.constant 608 : index
      %swap3A_941 = tpu.vector_load %arg6[%swap3A_940] {strides = array<i32>} : memref<800xi32, #tpu.memory_space<vmem>>, vector<16xi32>,
      tpu.vector_store %arg6[%swap3A_940], %or3A_939 {strides = array<i32>} : memref<800xi32, #tpu.memory_space<vmem>>, vector<16xi32>,
      %get3A_942 = arith.constant 624 : index
      %get3A_943 = tpu.vector_load %arg5[%get3A_942] {strides = array<i32>} : memref<800xi32, #tpu.memory_space<vmem>>, vector<16xi32>,
      %shift_right_arithmetic3A_944 = arith.constant 12 : i32
      %shift_right_arithmetic3A_945 = vector.broadcast %shift_right_arithmetic3A_944 : i32 to vector<16xi32>
      %shift_right_arithmetic3A_946 = arith.shrsi %get3A_943, %shift_right_arithmetic3A_945 : vector<16xi32>
      %shift_left3A_947 = arith.constant 12 : i32
      %shift_left3A_948 = vector.broadcast %shift_left3A_947 : i32 to vector<16xi32>
      %shift_left3A_949 = arith.shli %shift_right_arithmetic3A_946, %shift_left3A_948 : vector<16xi32>
      %and3A_950 = arith.constant 2047 : i32
      %and3A_951 = vector.broadcast %and3A_950 : i32 to vector<16xi32>
      %and3A_952 = arith.andi %get3A_943, %and3A_951 : vector<16xi32>
      %shift_left3A_953 = arith.constant 1 : i32
      %shift_left3A_954 = vector.broadcast %shift_left3A_953 : i32 to vector<16xi32>
      %shift_left3A_955 = arith.shli %and3A_952, %shift_left3A_954 : vector<16xi32>
      %or3A_956 = arith.ori %shift_left3A_949, %shift_left3A_955 : vector<16xi32>
      %shift_right_arithmetic3A_957 = arith.constant 11 : i32
      %shift_right_arithmetic3A_958 = vector.broadcast %shift_right_arithmetic3A_957 : i32 to vector<16xi32>
      %shift_right_arithmetic3A_959 = arith.shrsi %get3A_943, %shift_right_arithmetic3A_958 : vector<16xi32>
      %and3A_960 = arith.constant 1 : i32
      %and3A_961 = vector.broadcast %and3A_960 : i32 to vector<16xi32>
      %and3A_962 = arith.andi %shift_right_arithmetic3A_959, %and3A_961 : vector<16xi32>
      %or3A_963 = arith.ori %or3A_956, %and3A_962 : vector<16xi32>
      %swap3A_964 = arith.constant 624 : index
      %swap3A_965 = tpu.vector_load %arg6[%swap3A_964] {strides = array<i32>} : memref<800xi32, #tpu.memory_space<vmem>>, vector<16xi32>,
      tpu.vector_store %arg6[%swap3A_964], %or3A_963 {strides = array<i32>} : memref<800xi32, #tpu.memory_space<vmem>>, vector<16xi32>,
      %get3A_966 = arith.constant 640 : index
      %get3A_967 = tpu.vector_load %arg5[%get3A_966] {strides = array<i32>} : memref<800xi32, #tpu.memory_space<vmem>>, vector<16xi32>,
      %shift_right_arithmetic3A_968 = arith.constant 12 : i32
      %shift_right_arithmetic3A_969 = vector.broadcast %shift_right_arithmetic3A_968 : i32 to vector<16xi32>
      %shift_right_arithmetic3A_970 = arith.shrsi %get3A_967, %shift_right_arithmetic3A_969 : vector<16xi32>
      %shift_left3A_971 = arith.constant 12 : i32
      %shift_left3A_972 = vector.broadcast %shift_left3A_971 : i32 to vector<16xi32>
      %shift_left3A_973 = arith.shli %shift_right_arithmetic3A_970, %shift_left3A_972 : vector<16xi32>
      %and3A_974 = arith.constant 2047 : i32
      %and3A_975 = vector.broadcast %and3A_974 : i32 to vector<16xi32>
      %and3A_976 = arith.andi %get3A_967, %and3A_975 : vector<16xi32>
      %shift_left3A_977 = arith.constant 1 : i32
      %shift_left3A_978 = vector.broadcast %shift_left3A_977 : i32 to vector<16xi32>
      %shift_left3A_979 = arith.shli %and3A_976, %shift_left3A_978 : vector<16xi32>
      %or3A_980 = arith.ori %shift_left3A_973, %shift_left3A_979 : vector<16xi32>
      %shift_right_arithmetic3A_981 = arith.constant 11 : i32
      %shift_right_arithmetic3A_982 = vector.broadcast %shift_right_arithmetic3A_981 : i32 to vector<16xi32>
      %shift_right_arithmetic3A_983 = arith.shrsi %get3A_967, %shift_right_arithmetic3A_982 : vector<16xi32>
      %and3A_984 = arith.constant 1 : i32
      %and3A_985 = vector.broadcast %and3A_984 : i32 to vector<16xi32>
      %and3A_986 = arith.andi %shift_right_arithmetic3A_983, %and3A_985 : vector<16xi32>
      %or3A_987 = arith.ori %or3A_980, %and3A_986 : vector<16xi32>
      %swap3A_988 = arith.constant 640 : index
      %swap3A_989 = tpu.vector_load %arg6[%swap3A_988] {strides = array<i32>} : memref<800xi32, #tpu.memory_space<vmem>>, vector<16xi32>,
      tpu.vector_store %arg6[%swap3A_988], %or3A_987 {strides = array<i32>} : memref<800xi32, #tpu.memory_space<vmem>>, vector<16xi32>,
      %get3A_990 = arith.constant 656 : index
      %get3A_991 = tpu.vector_load %arg5[%get3A_990] {strides = array<i32>} : memref<800xi32, #tpu.memory_space<vmem>>, vector<16xi32>,
      %shift_right_arithmetic3A_992 = arith.constant 12 : i32
      %shift_right_arithmetic3A_993 = vector.broadcast %shift_right_arithmetic3A_992 : i32 to vector<16xi32>
      %shift_right_arithmetic3A_994 = arith.shrsi %get3A_991, %shift_right_arithmetic3A_993 : vector<16xi32>
      %shift_left3A_995 = arith.constant 12 : i32
      %shift_left3A_996 = vector.broadcast %shift_left3A_995 : i32 to vector<16xi32>
      %shift_left3A_997 = arith.shli %shift_right_arithmetic3A_994, %shift_left3A_996 : vector<16xi32>
      %and3A_998 = arith.constant 2047 : i32
      %and3A_999 = vector.broadcast %and3A_998 : i32 to vector<16xi32>
      %and3A_1000 = arith.andi %get3A_991, %and3A_999 : vector<16xi32>
      %shift_left3A_1001 = arith.constant 1 : i32
      %shift_left3A_1002 = vector.broadcast %shift_left3A_1001 : i32 to vector<16xi32>
      %shift_left3A_1003 = arith.shli %and3A_1000, %shift_left3A_1002 : vector<16xi32>
      %or3A_1004 = arith.ori %shift_left3A_997, %shift_left3A_1003 : vector<16xi32>
      %shift_right_arithmetic3A_1005 = arith.constant 11 : i32
      %shift_right_arithmetic3A_1006 = vector.broadcast %shift_right_arithmetic3A_1005 : i32 to vector<16xi32>
      %shift_right_arithmetic3A_1007 = arith.shrsi %get3A_991, %shift_right_arithmetic3A_1006 : vector<16xi32>
      %and3A_1008 = arith.constant 1 : i32
      %and3A_1009 = vector.broadcast %and3A_1008 : i32 to vector<16xi32>
      %and3A_1010 = arith.andi %shift_right_arithmetic3A_1007, %and3A_1009 : vector<16xi32>
      %or3A_1011 = arith.ori %or3A_1004, %and3A_1010 : vector<16xi32>
      %swap3A_1012 = arith.constant 656 : index
      %swap3A_1013 = tpu.vector_load %arg6[%swap3A_1012] {strides = array<i32>} : memref<800xi32, #tpu.memory_space<vmem>>, vector<16xi32>,
      tpu.vector_store %arg6[%swap3A_1012], %or3A_1011 {strides = array<i32>} : memref<800xi32, #tpu.memory_space<vmem>>, vector<16xi32>,
      %get3A_1014 = arith.constant 672 : index
      %get3A_1015 = tpu.vector_load %arg5[%get3A_1014] {strides = array<i32>} : memref<800xi32, #tpu.memory_space<vmem>>, vector<16xi32>,
      %shift_right_arithmetic3A_1016 = arith.constant 12 : i32
      %shift_right_arithmetic3A_1017 = vector.broadcast %shift_right_arithmetic3A_1016 : i32 to vector<16xi32>
      %shift_right_arithmetic3A_1018 = arith.shrsi %get3A_1015, %shift_right_arithmetic3A_1017 : vector<16xi32>
      %shift_left3A_1019 = arith.constant 12 : i32
      %shift_left3A_1020 = vector.broadcast %shift_left3A_1019 : i32 to vector<16xi32>
      %shift_left3A_1021 = arith.shli %shift_right_arithmetic3A_1018, %shift_left3A_1020 : vector<16xi32>
      %and3A_1022 = arith.constant 2047 : i32
      %and3A_1023 = vector.broadcast %and3A_1022 : i32 to vector<16xi32>
      %and3A_1024 = arith.andi %get3A_1015, %and3A_1023 : vector<16xi32>
      %shift_left3A_1025 = arith.constant 1 : i32
      %shift_left3A_1026 = vector.broadcast %shift_left3A_1025 : i32 to vector<16xi32>
      %shift_left3A_1027 = arith.shli %and3A_1024, %shift_left3A_1026 : vector<16xi32>
      %or3A_1028 = arith.ori %shift_left3A_1021, %shift_left3A_1027 : vector<16xi32>
      %shift_right_arithmetic3A_1029 = arith.constant 11 : i32
      %shift_right_arithmetic3A_1030 = vector.broadcast %shift_right_arithmetic3A_1029 : i32 to vector<16xi32>
      %shift_right_arithmetic3A_1031 = arith.shrsi %get3A_1015, %shift_right_arithmetic3A_1030 : vector<16xi32>
      %and3A_1032 = arith.constant 1 : i32
      %and3A_1033 = vector.broadcast %and3A_1032 : i32 to vector<16xi32>
      %and3A_1034 = arith.andi %shift_right_arithmetic3A_1031, %and3A_1033 : vector<16xi32>
      %or3A_1035 = arith.ori %or3A_1028, %and3A_1034 : vector<16xi32>
      %swap3A_1036 = arith.constant 672 : index
      %swap3A_1037 = tpu.vector_load %arg6[%swap3A_1036] {strides = array<i32>} : memref<800xi32, #tpu.memory_space<vmem>>, vector<16xi32>,
      tpu.vector_store %arg6[%swap3A_1036], %or3A_1035 {strides = array<i32>} : memref<800xi32, #tpu.memory_space<vmem>>, vector<16xi32>,
      %get3A_1038 = arith.constant 688 : index
      %get3A_1039 = tpu.vector_load %arg5[%get3A_1038] {strides = array<i32>} : memref<800xi32, #tpu.memory_space<vmem>>, vector<16xi32>,
      %shift_right_arithmetic3A_1040 = arith.constant 12 : i32
      %shift_right_arithmetic3A_1041 = vector.broadcast %shift_right_arithmetic3A_1040 : i32 to vector<16xi32>
      %shift_right_arithmetic3A_1042 = arith.shrsi %get3A_1039, %shift_right_arithmetic3A_1041 : vector<16xi32>
      %shift_left3A_1043 = arith.constant 12 : i32
      %shift_left3A_1044 = vector.broadcast %shift_left3A_1043 : i32 to vector<16xi32>
      %shift_left3A_1045 = arith.shli %shift_right_arithmetic3A_1042, %shift_left3A_1044 : vector<16xi32>
      %and3A_1046 = arith.constant 2047 : i32
      %and3A_1047 = vector.broadcast %and3A_1046 : i32 to vector<16xi32>
      %and3A_1048 = arith.andi %get3A_1039, %and3A_1047 : vector<16xi32>
      %shift_left3A_1049 = arith.constant 1 : i32
      %shift_left3A_1050 = vector.broadcast %shift_left3A_1049 : i32 to vector<16xi32>
      %shift_left3A_1051 = arith.shli %and3A_1048, %shift_left3A_1050 : vector<16xi32>
      %or3A_1052 = arith.ori %shift_left3A_1045, %shift_left3A_1051 : vector<16xi32>
      %shift_right_arithmetic3A_1053 = arith.constant 11 : i32
      %shift_right_arithmetic3A_1054 = vector.broadcast %shift_right_arithmetic3A_1053 : i32 to vector<16xi32>
      %shift_right_arithmetic3A_1055 = arith.shrsi %get3A_1039, %shift_right_arithmetic3A_1054 : vector<16xi32>
      %and3A_1056 = arith.constant 1 : i32
      %and3A_1057 = vector.broadcast %and3A_1056 : i32 to vector<16xi32>
      %and3A_1058 = arith.andi %shift_right_arithmetic3A_1055, %and3A_1057 : vector<16xi32>
      %or3A_1059 = arith.ori %or3A_1052, %and3A_1058 : vector<16xi32>
      %swap3A_1060 = arith.constant 688 : index
      %swap3A_1061 = tpu.vector_load %arg6[%swap3A_1060] {strides = array<i32>} : memref<800xi32, #tpu.memory_space<vmem>>, vector<16xi32>,
      tpu.vector_store %arg6[%swap3A_1060], %or3A_1059 {strides = array<i32>} : memref<800xi32, #tpu.memory_space<vmem>>, vector<16xi32>,
      %get3A_1062 = arith.constant 704 : index
      %get3A_1063 = tpu.vector_load %arg5[%get3A_1062] {strides = array<i32>} : memref<800xi32, #tpu.memory_space<vmem>>, vector<16xi32>,
      %shift_right_arithmetic3A_1064 = arith.constant 12 : i32
      %shift_right_arithmetic3A_1065 = vector.broadcast %shift_right_arithmetic3A_1064 : i32 to vector<16xi32>
      %shift_right_arithmetic3A_1066 = arith.shrsi %get3A_1063, %shift_right_arithmetic3A_1065 : vector<16xi32>
      %shift_left3A_1067 = arith.constant 12 : i32
      %shift_left3A_1068 = vector.broadcast %shift_left3A_1067 : i32 to vector<16xi32>
      %shift_left3A_1069 = arith.shli %shift_right_arithmetic3A_1066, %shift_left3A_1068 : vector<16xi32>
      %and3A_1070 = arith.constant 2047 : i32
      %and3A_1071 = vector.broadcast %and3A_1070 : i32 to vector<16xi32>
      %and3A_1072 = arith.andi %get3A_1063, %and3A_1071 : vector<16xi32>
      %shift_left3A_1073 = arith.constant 1 : i32
      %shift_left3A_1074 = vector.broadcast %shift_left3A_1073 : i32 to vector<16xi32>
      %shift_left3A_1075 = arith.shli %and3A_1072, %shift_left3A_1074 : vector<16xi32>
      %or3A_1076 = arith.ori %shift_left3A_1069, %shift_left3A_1075 : vector<16xi32>
      %shift_right_arithmetic3A_1077 = arith.constant 11 : i32
      %shift_right_arithmetic3A_1078 = vector.broadcast %shift_right_arithmetic3A_1077 : i32 to vector<16xi32>
      %shift_right_arithmetic3A_1079 = arith.shrsi %get3A_1063, %shift_right_arithmetic3A_1078 : vector<16xi32>
      %and3A_1080 = arith.constant 1 : i32
      %and3A_1081 = vector.broadcast %and3A_1080 : i32 to vector<16xi32>
      %and3A_1082 = arith.andi %shift_right_arithmetic3A_1079, %and3A_1081 : vector<16xi32>
      %or3A_1083 = arith.ori %or3A_1076, %and3A_1082 : vector<16xi32>
      %swap3A_1084 = arith.constant 704 : index
      %swap3A_1085 = tpu.vector_load %arg6[%swap3A_1084] {strides = array<i32>} : memref<800xi32, #tpu.memory_space<vmem>>, vector<16xi32>,
      tpu.vector_store %arg6[%swap3A_1084], %or3A_1083 {strides = array<i32>} : memref<800xi32, #tpu.memory_space<vmem>>, vector<16xi32>,
      %get3A_1086 = arith.constant 720 : index
      %get3A_1087 = tpu.vector_load %arg5[%get3A_1086] {strides = array<i32>} : memref<800xi32, #tpu.memory_space<vmem>>, vector<16xi32>,
      %shift_right_arithmetic3A_1088 = arith.constant 12 : i32
      %shift_right_arithmetic3A_1089 = vector.broadcast %shift_right_arithmetic3A_1088 : i32 to vector<16xi32>
      %shift_right_arithmetic3A_1090 = arith.shrsi %get3A_1087, %shift_right_arithmetic3A_1089 : vector<16xi32>
      %shift_left3A_1091 = arith.constant 12 : i32
      %shift_left3A_1092 = vector.broadcast %shift_left3A_1091 : i32 to vector<16xi32>
      %shift_left3A_1093 = arith.shli %shift_right_arithmetic3A_1090, %shift_left3A_1092 : vector<16xi32>
      %and3A_1094 = arith.constant 2047 : i32
      %and3A_1095 = vector.broadcast %and3A_1094 : i32 to vector<16xi32>
      %and3A_1096 = arith.andi %get3A_1087, %and3A_1095 : vector<16xi32>
      %shift_left3A_1097 = arith.constant 1 : i32
      %shift_left3A_1098 = vector.broadcast %shift_left3A_1097 : i32 to vector<16xi32>
      %shift_left3A_1099 = arith.shli %and3A_1096, %shift_left3A_1098 : vector<16xi32>
      %or3A_1100 = arith.ori %shift_left3A_1093, %shift_left3A_1099 : vector<16xi32>
      %shift_right_arithmetic3A_1101 = arith.constant 11 : i32
      %shift_right_arithmetic3A_1102 = vector.broadcast %shift_right_arithmetic3A_1101 : i32 to vector<16xi32>
      %shift_right_arithmetic3A_1103 = arith.shrsi %get3A_1087, %shift_right_arithmetic3A_1102 : vector<16xi32>
      %and3A_1104 = arith.constant 1 : i32
      %and3A_1105 = vector.broadcast %and3A_1104 : i32 to vector<16xi32>
      %and3A_1106 = arith.andi %shift_right_arithmetic3A_1103, %and3A_1105 : vector<16xi32>
      %or3A_1107 = arith.ori %or3A_1100, %and3A_1106 : vector<16xi32>
      %swap3A_1108 = arith.constant 720 : index
      %swap3A_1109 = tpu.vector_load %arg6[%swap3A_1108] {strides = array<i32>} : memref<800xi32, #tpu.memory_space<vmem>>, vector<16xi32>,
      tpu.vector_store %arg6[%swap3A_1108], %or3A_1107 {strides = array<i32>} : memref<800xi32, #tpu.memory_space<vmem>>, vector<16xi32>,
      %get3A_1110 = arith.constant 736 : index
      %get3A_1111 = tpu.vector_load %arg5[%get3A_1110] {strides = array<i32>} : memref<800xi32, #tpu.memory_space<vmem>>, vector<16xi32>,
      %shift_right_arithmetic3A_1112 = arith.constant 12 : i32
      %shift_right_arithmetic3A_1113 = vector.broadcast %shift_right_arithmetic3A_1112 : i32 to vector<16xi32>
      %shift_right_arithmetic3A_1114 = arith.shrsi %get3A_1111, %shift_right_arithmetic3A_1113 : vector<16xi32>
      %shift_left3A_1115 = arith.constant 12 : i32
      %shift_left3A_1116 = vector.broadcast %shift_left3A_1115 : i32 to vector<16xi32>
      %shift_left3A_1117 = arith.shli %shift_right_arithmetic3A_1114, %shift_left3A_1116 : vector<16xi32>
      %and3A_1118 = arith.constant 2047 : i32
      %and3A_1119 = vector.broadcast %and3A_1118 : i32 to vector<16xi32>
      %and3A_1120 = arith.andi %get3A_1111, %and3A_1119 : vector<16xi32>
      %shift_left3A_1121 = arith.constant 1 : i32
      %shift_left3A_1122 = vector.broadcast %shift_left3A_1121 : i32 to vector<16xi32>
      %shift_left3A_1123 = arith.shli %and3A_1120, %shift_left3A_1122 : vector<16xi32>
      %or3A_1124 = arith.ori %shift_left3A_1117, %shift_left3A_1123 : vector<16xi32>
      %shift_right_arithmetic3A_1125 = arith.constant 11 : i32
      %shift_right_arithmetic3A_1126 = vector.broadcast %shift_right_arithmetic3A_1125 : i32 to vector<16xi32>
      %shift_right_arithmetic3A_1127 = arith.shrsi %get3A_1111, %shift_right_arithmetic3A_1126 : vector<16xi32>
      %and3A_1128 = arith.constant 1 : i32
      %and3A_1129 = vector.broadcast %and3A_1128 : i32 to vector<16xi32>
      %and3A_1130 = arith.andi %shift_right_arithmetic3A_1127, %and3A_1129 : vector<16xi32>
      %or3A_1131 = arith.ori %or3A_1124, %and3A_1130 : vector<16xi32>
      %swap3A_1132 = arith.constant 736 : index
      %swap3A_1133 = tpu.vector_load %arg6[%swap3A_1132] {strides = array<i32>} : memref<800xi32, #tpu.memory_space<vmem>>, vector<16xi32>,
      tpu.vector_store %arg6[%swap3A_1132], %or3A_1131 {strides = array<i32>} : memref<800xi32, #tpu.memory_space<vmem>>, vector<16xi32>,
      %get3A_1134 = arith.constant 752 : index
      %get3A_1135 = tpu.vector_load %arg5[%get3A_1134] {strides = array<i32>} : memref<800xi32, #tpu.memory_space<vmem>>, vector<16xi32>,
      %shift_right_arithmetic3A_1136 = arith.constant 12 : i32
      %shift_right_arithmetic3A_1137 = vector.broadcast %shift_right_arithmetic3A_1136 : i32 to vector<16xi32>
      %shift_right_arithmetic3A_1138 = arith.shrsi %get3A_1135, %shift_right_arithmetic3A_1137 : vector<16xi32>
      %shift_left3A_1139 = arith.constant 12 : i32
      %shift_left3A_1140 = vector.broadcast %shift_left3A_1139 : i32 to vector<16xi32>
      %shift_left3A_1141 = arith.shli %shift_right_arithmetic3A_1138, %shift_left3A_1140 : vector<16xi32>
      %and3A_1142 = arith.constant 2047 : i32
      %and3A_1143 = vector.broadcast %and3A_1142 : i32 to vector<16xi32>
      %and3A_1144 = arith.andi %get3A_1135, %and3A_1143 : vector<16xi32>
      %shift_left3A_1145 = arith.constant 1 : i32
      %shift_left3A_1146 = vector.broadcast %shift_left3A_1145 : i32 to vector<16xi32>
      %shift_left3A_1147 = arith.shli %and3A_1144, %shift_left3A_1146 : vector<16xi32>
      %or3A_1148 = arith.ori %shift_left3A_1141, %shift_left3A_1147 : vector<16xi32>
      %shift_right_arithmetic3A_1149 = arith.constant 11 : i32
      %shift_right_arithmetic3A_1150 = vector.broadcast %shift_right_arithmetic3A_1149 : i32 to vector<16xi32>
      %shift_right_arithmetic3A_1151 = arith.shrsi %get3A_1135, %shift_right_arithmetic3A_1150 : vector<16xi32>
      %and3A_1152 = arith.constant 1 : i32
      %and3A_1153 = vector.broadcast %and3A_1152 : i32 to vector<16xi32>
      %and3A_1154 = arith.andi %shift_right_arithmetic3A_1151, %and3A_1153 : vector<16xi32>
      %or3A_1155 = arith.ori %or3A_1148, %and3A_1154 : vector<16xi32>
      %swap3A_1156 = arith.constant 752 : index
      %swap3A_1157 = tpu.vector_load %arg6[%swap3A_1156] {strides = array<i32>} : memref<800xi32, #tpu.memory_space<vmem>>, vector<16xi32>,
      tpu.vector_store %arg6[%swap3A_1156], %or3A_1155 {strides = array<i32>} : memref<800xi32, #tpu.memory_space<vmem>>, vector<16xi32>,
      %get3A_1158 = arith.constant 768 : index
      %get3A_1159 = tpu.vector_load %arg5[%get3A_1158] {strides = array<i32>} : memref<800xi32, #tpu.memory_space<vmem>>, vector<16xi32>,
      %shift_right_arithmetic3A_1160 = arith.constant 12 : i32
      %shift_right_arithmetic3A_1161 = vector.broadcast %shift_right_arithmetic3A_1160 : i32 to vector<16xi32>
      %shift_right_arithmetic3A_1162 = arith.shrsi %get3A_1159, %shift_right_arithmetic3A_1161 : vector<16xi32>
      %shift_left3A_1163 = arith.constant 12 : i32
      %shift_left3A_1164 = vector.broadcast %shift_left3A_1163 : i32 to vector<16xi32>
      %shift_left3A_1165 = arith.shli %shift_right_arithmetic3A_1162, %shift_left3A_1164 : vector<16xi32>
      %and3A_1166 = arith.constant 2047 : i32
      %and3A_1167 = vector.broadcast %and3A_1166 : i32 to vector<16xi32>
      %and3A_1168 = arith.andi %get3A_1159, %and3A_1167 : vector<16xi32>
      %shift_left3A_1169 = arith.constant 1 : i32
      %shift_left3A_1170 = vector.broadcast %shift_left3A_1169 : i32 to vector<16xi32>
      %shift_left3A_1171 = arith.shli %and3A_1168, %shift_left3A_1170 : vector<16xi32>
      %or3A_1172 = arith.ori %shift_left3A_1165, %shift_left3A_1171 : vector<16xi32>
      %shift_right_arithmetic3A_1173 = arith.constant 11 : i32
      %shift_right_arithmetic3A_1174 = vector.broadcast %shift_right_arithmetic3A_1173 : i32 to vector<16xi32>
      %shift_right_arithmetic3A_1175 = arith.shrsi %get3A_1159, %shift_right_arithmetic3A_1174 : vector<16xi32>
      %and3A_1176 = arith.constant 1 : i32
      %and3A_1177 = vector.broadcast %and3A_1176 : i32 to vector<16xi32>
      %and3A_1178 = arith.andi %shift_right_arithmetic3A_1175, %and3A_1177 : vector<16xi32>
      %or3A_1179 = arith.ori %or3A_1172, %and3A_1178 : vector<16xi32>
      %swap3A_1180 = arith.constant 768 : index
      %swap3A_1181 = tpu.vector_load %arg6[%swap3A_1180] {strides = array<i32>} : memref<800xi32, #tpu.memory_space<vmem>>, vector<16xi32>,
      tpu.vector_store %arg6[%swap3A_1180], %or3A_1179 {strides = array<i32>} : memref<800xi32, #tpu.memory_space<vmem>>, vector<16xi32>,
      %get3A_1182 = arith.constant 784 : index
      %get3A_1183 = tpu.vector_load %arg5[%get3A_1182] {strides = array<i32>} : memref<800xi32, #tpu.memory_space<vmem>>, vector<16xi32>,
      %shift_right_arithmetic3A_1184 = arith.constant 12 : i32
      %shift_right_arithmetic3A_1185 = vector.broadcast %shift_right_arithmetic3A_1184 : i32 to vector<16xi32>
      %shift_right_arithmetic3A_1186 = arith.shrsi %get3A_1183, %shift_right_arithmetic3A_1185 : vector<16xi32>
      %shift_left3A_1187 = arith.constant 12 : i32
      %shift_left3A_1188 = vector.broadcast %shift_left3A_1187 : i32 to vector<16xi32>
      %shift_left3A_1189 = arith.shli %shift_right_arithmetic3A_1186, %shift_left3A_1188 : vector<16xi32>
      %and3A_1190 = arith.constant 2047 : i32
      %and3A_1191 = vector.broadcast %and3A_1190 : i32 to vector<16xi32>
      %and3A_1192 = arith.andi %get3A_1183, %and3A_1191 : vector<16xi32>
      %shift_left3A_1193 = arith.constant 1 : i32
      %shift_left3A_1194 = vector.broadcast %shift_left3A_1193 : i32 to vector<16xi32>
      %shift_left3A_1195 = arith.shli %and3A_1192, %shift_left3A_1194 : vector<16xi32>
      %or3A_1196 = arith.ori %shift_left3A_1189, %shift_left3A_1195 : vector<16xi32>
      %shift_right_arithmetic3A_1197 = arith.constant 11 : i32
      %shift_right_arithmetic3A_1198 = vector.broadcast %shift_right_arithmetic3A_1197 : i32 to vector<16xi32>
      %shift_right_arithmetic3A_1199 = arith.shrsi %get3A_1183, %shift_right_arithmetic3A_1198 : vector<16xi32>
      %and3A_1200 = arith.constant 1 : i32
      %and3A_1201 = vector.broadcast %and3A_1200 : i32 to vector<16xi32>
      %and3A_1202 = arith.andi %shift_right_arithmetic3A_1199, %and3A_1201 : vector<16xi32>
      %or3A_1203 = arith.ori %or3A_1196, %and3A_1202 : vector<16xi32>
      %swap3A_1204 = arith.constant 784 : index
      %swap3A_1205 = tpu.vector_load %arg6[%swap3A_1204] {strides = array<i32>} : memref<800xi32, #tpu.memory_space<vmem>>, vector<16xi32>,
      tpu.vector_store %arg6[%swap3A_1204], %or3A_1203 {strides = array<i32>} : memref<800xi32, #tpu.memory_space<vmem>>, vector<16xi32>,
      %dma_start3A = arith.constant 0 : i32
      %dma_start3A_1206 = arith.constant 0 : i32
      %dma_start3A_1207 = tpu.memref_slice %arg7[%dma_start3A, %dma_start3A_1206] : memref<800x64xf32, #tpu.memory_space<vmem>> -> memref<128x64xf32, #tpu.memory_space<vmem>>
      %dma_start3A_1208 = arith.constant 0 : i32
      %dma_start3A_1209 = tpu.memref_slice %arg6[%dma_start3A_1208] : memref<800xi32, #tpu.memory_space<vmem>> -> memref<128xi32, #tpu.memory_space<vmem>>
      %dma_start3A_1210 = arith.constant 0 : i32
      %dma_start3A_1211 = arith.constant 0 : i32
      %dma_start3A_1212 = tpu.memref_slice %arg2[%dma_start3A_1210, %dma_start3A_1211] : memref<1003520x64xf32, #tpu.memory_space<hbm>> -> memref<1003520x64xf32, #tpu.memory_space<hbm>>
      tpu.enqueue_indirect_dma source(%dma_start3A_1212 : memref<1003520x64xf32, #tpu.memory_space<hbm>>) target(%dma_start3A_1207 : memref<128x64xf32, #tpu.memory_space<vmem>>) offsets(%dma_start3A_1209 : memref<128xi32, #tpu.memory_space<vmem>>) semaphore(%arg8 : memref<!tpu.dma_semaphore, #tpu.memory_space<semaphore_mem>>)
      %dma_start3A_1213 = arith.constant 128 : i32
      %dma_start3A_1214 = arith.constant 0 : i32
      %dma_start3A_1215 = tpu.memref_slice %arg7[%dma_start3A_1213, %dma_start3A_1214] : memref<800x64xf32, #tpu.memory_space<vmem>> -> memref<128x64xf32, #tpu.memory_space<vmem>>
      %dma_start3A_1216 = arith.constant 128 : i32
      %dma_start3A_1217 = tpu.memref_slice %arg6[%dma_start3A_1216] : memref<800xi32, #tpu.memory_space<vmem>> -> memref<128xi32, #tpu.memory_space<vmem>>
      %dma_start3A_1218 = arith.constant 0 : i32
      %dma_start3A_1219 = arith.constant 0 : i32
      %dma_start3A_1220 = tpu.memref_slice %arg2[%dma_start3A_1218, %dma_start3A_1219] : memref<1003520x64xf32, #tpu.memory_space<hbm>> -> memref<1003520x64xf32, #tpu.memory_space<hbm>>
      tpu.enqueue_indirect_dma source(%dma_start3A_1220 : memref<1003520x64xf32, #tpu.memory_space<hbm>>) target(%dma_start3A_1215 : memref<128x64xf32, #tpu.memory_space<vmem>>) offsets(%dma_start3A_1217 : memref<128xi32, #tpu.memory_space<vmem>>) semaphore(%arg8 : memref<!tpu.dma_semaphore, #tpu.memory_space<semaphore_mem>>)
      %dma_start3A_1221 = arith.constant 256 : i32
      %dma_start3A_1222 = arith.constant 0 : i32
      %dma_start3A_1223 = tpu.memref_slice %arg7[%dma_start3A_1221, %dma_start3A_1222] : memref<800x64xf32, #tpu.memory_space<vmem>> -> memref<128x64xf32, #tpu.memory_space<vmem>>
      %dma_start3A_1224 = arith.constant 256 : i32
      %dma_start3A_1225 = tpu.memref_slice %arg6[%dma_start3A_1224] : memref<800xi32, #tpu.memory_space<vmem>> -> memref<128xi32, #tpu.memory_space<vmem>>
      %dma_start3A_1226 = arith.constant 0 : i32
      %dma_start3A_1227 = arith.constant 0 : i32
      %dma_start3A_1228 = tpu.memref_slice %arg2[%dma_start3A_1226, %dma_start3A_1227] : memref<1003520x64xf32, #tpu.memory_space<hbm>> -> memref<1003520x64xf32, #tpu.memory_space<hbm>>
      tpu.enqueue_indirect_dma source(%dma_start3A_1228 : memref<1003520x64xf32, #tpu.memory_space<hbm>>) target(%dma_start3A_1223 : memref<128x64xf32, #tpu.memory_space<vmem>>) offsets(%dma_start3A_1225 : memref<128xi32, #tpu.memory_space<vmem>>) semaphore(%arg8 : memref<!tpu.dma_semaphore, #tpu.memory_space<semaphore_mem>>)
      %dma_start3A_1229 = arith.constant 384 : i32
      %dma_start3A_1230 = arith.constant 0 : i32
      %dma_start3A_1231 = tpu.memref_slice %arg7[%dma_start3A_1229, %dma_start3A_1230] : memref<800x64xf32, #tpu.memory_space<vmem>> -> memref<128x64xf32, #tpu.memory_space<vmem>>
      %dma_start3A_1232 = arith.constant 384 : i32
      %dma_start3A_1233 = tpu.memref_slice %arg6[%dma_start3A_1232] : memref<800xi32, #tpu.memory_space<vmem>> -> memref<128xi32, #tpu.memory_space<vmem>>
      %dma_start3A_1234 = arith.constant 0 : i32
      %dma_start3A_1235 = arith.constant 0 : i32
      %dma_start3A_1236 = tpu.memref_slice %arg2[%dma_start3A_1234, %dma_start3A_1235] : memref<1003520x64xf32, #tpu.memory_space<hbm>> -> memref<1003520x64xf32, #tpu.memory_space<hbm>>
      tpu.enqueue_indirect_dma source(%dma_start3A_1236 : memref<1003520x64xf32, #tpu.memory_space<hbm>>) target(%dma_start3A_1231 : memref<128x64xf32, #tpu.memory_space<vmem>>) offsets(%dma_start3A_1233 : memref<128xi32, #tpu.memory_space<vmem>>) semaphore(%arg8 : memref<!tpu.dma_semaphore, #tpu.memory_space<semaphore_mem>>)
      %dma_start3A_1237 = arith.constant 512 : i32
      %dma_start3A_1238 = arith.constant 0 : i32
      %dma_start3A_1239 = tpu.memref_slice %arg7[%dma_start3A_1237, %dma_start3A_1238] : memref<800x64xf32, #tpu.memory_space<vmem>> -> memref<128x64xf32, #tpu.memory_space<vmem>>
      %dma_start3A_1240 = arith.constant 512 : i32
      %dma_start3A_1241 = tpu.memref_slice %arg6[%dma_start3A_1240] : memref<800xi32, #tpu.memory_space<vmem>> -> memref<128xi32, #tpu.memory_space<vmem>>
      %dma_start3A_1242 = arith.constant 0 : i32
      %dma_start3A_1243 = arith.constant 0 : i32
      %dma_start3A_1244 = tpu.memref_slice %arg2[%dma_start3A_1242, %dma_start3A_1243] : memref<1003520x64xf32, #tpu.memory_space<hbm>> -> memref<1003520x64xf32, #tpu.memory_space<hbm>>
      tpu.enqueue_indirect_dma source(%dma_start3A_1244 : memref<1003520x64xf32, #tpu.memory_space<hbm>>) target(%dma_start3A_1239 : memref<128x64xf32, #tpu.memory_space<vmem>>) offsets(%dma_start3A_1241 : memref<128xi32, #tpu.memory_space<vmem>>) semaphore(%arg8 : memref<!tpu.dma_semaphore, #tpu.memory_space<semaphore_mem>>)
      %dma_start3A_1245 = arith.constant 640 : i32
      %dma_start3A_1246 = arith.constant 0 : i32
      %dma_start3A_1247 = tpu.memref_slice %arg7[%dma_start3A_1245, %dma_start3A_1246] : memref<800x64xf32, #tpu.memory_space<vmem>> -> memref<128x64xf32, #tpu.memory_space<vmem>>
      %dma_start3A_1248 = arith.constant 640 : i32
      %dma_start3A_1249 = tpu.memref_slice %arg6[%dma_start3A_1248] : memref<800xi32, #tpu.memory_space<vmem>> -> memref<128xi32, #tpu.memory_space<vmem>>
      %dma_start3A_1250 = arith.constant 0 : i32
      %dma_start3A_1251 = arith.constant 0 : i32
      %dma_start3A_1252 = tpu.memref_slice %arg2[%dma_start3A_1250, %dma_start3A_1251] : memref<1003520x64xf32, #tpu.memory_space<hbm>> -> memref<1003520x64xf32, #tpu.memory_space<hbm>>
      tpu.enqueue_indirect_dma source(%dma_start3A_1252 : memref<1003520x64xf32, #tpu.memory_space<hbm>>) target(%dma_start3A_1247 : memref<128x64xf32, #tpu.memory_space<vmem>>) offsets(%dma_start3A_1249 : memref<128xi32, #tpu.memory_space<vmem>>) semaphore(%arg8 : memref<!tpu.dma_semaphore, #tpu.memory_space<semaphore_mem>>)
      %dma_start3A_1253 = arith.constant 768 : i32
      %dma_start3A_1254 = arith.constant 0 : i32
      %dma_start3A_1255 = tpu.memref_slice %arg7[%dma_start3A_1253, %dma_start3A_1254] : memref<800x64xf32, #tpu.memory_space<vmem>> -> memref<32x64xf32, #tpu.memory_space<vmem>>
      %dma_start3A_1256 = arith.constant 768 : i32
      %dma_start3A_1257 = tpu.memref_slice %arg6[%dma_start3A_1256] : memref<800xi32, #tpu.memory_space<vmem>> -> memref<32xi32, #tpu.memory_space<vmem>>
      %dma_start3A_1258 = arith.constant 0 : i32
      %dma_start3A_1259 = arith.constant 0 : i32
      %dma_start3A_1260 = tpu.memref_slice %arg2[%dma_start3A_1258, %dma_start3A_1259] : memref<1003520x64xf32, #tpu.memory_space<hbm>> -> memref<1003520x64xf32, #tpu.memory_space<hbm>>
      tpu.enqueue_indirect_dma source(%dma_start3A_1260 : memref<1003520x64xf32, #tpu.memory_space<hbm>>) target(%dma_start3A_1255 : memref<32x64xf32, #tpu.memory_space<vmem>>) offsets(%dma_start3A_1257 : memref<32xi32, #tpu.memory_space<vmem>>) semaphore(%arg8 : memref<!tpu.dma_semaphore, #tpu.memory_space<semaphore_mem>>)
      %dma_wait3A = arith.constant 0 : i32
      %dma_wait3A_1261 = arith.constant 0 : i32
      %dma_wait3A_1262 = tpu.memref_slice %arg7[%dma_wait3A, %dma_wait3A_1261] : memref<800x64xf32, #tpu.memory_space<vmem>> -> memref<128x64xf32, #tpu.memory_space<vmem>>
      %dma_wait3A_1263 = arith.constant 0 : i32
      %dma_wait3A_1264 = tpu.memref_slice %arg6[%dma_wait3A_1263] : memref<800xi32, #tpu.memory_space<vmem>> -> memref<128xi32, #tpu.memory_space<vmem>>
      %dma_wait3A_1265 = arith.constant 0 : i32
      %dma_wait3A_1266 = arith.constant 0 : i32
      %dma_wait3A_1267 = tpu.memref_slice %arg2[%dma_wait3A_1265, %dma_wait3A_1266] : memref<1003520x64xf32, #tpu.memory_space<hbm>> -> memref<1003520x64xf32, #tpu.memory_space<hbm>>
      tpu.wait_indirect_dma semaphore(%arg8 : memref<!tpu.dma_semaphore, #tpu.memory_space<semaphore_mem>>) src(%dma_wait3A_1267 : memref<1003520x64xf32, #tpu.memory_space<hbm>>) dst(%dma_wait3A_1262 : memref<128x64xf32, #tpu.memory_space<vmem>>)
      %dma_wait3A_1268 = arith.constant 128 : i32
      %dma_wait3A_1269 = arith.constant 0 : i32
      %dma_wait3A_1270 = tpu.memref_slice %arg7[%dma_wait3A_1268, %dma_wait3A_1269] : memref<800x64xf32, #tpu.memory_space<vmem>> -> memref<128x64xf32, #tpu.memory_space<vmem>>
      %dma_wait3A_1271 = arith.constant 128 : i32
      %dma_wait3A_1272 = tpu.memref_slice %arg6[%dma_wait3A_1271] : memref<800xi32, #tpu.memory_space<vmem>> -> memref<128xi32, #tpu.memory_space<vmem>>
      %dma_wait3A_1273 = arith.constant 0 : i32
      %dma_wait3A_1274 = arith.constant 0 : i32
      %dma_wait3A_1275 = tpu.memref_slice %arg2[%dma_wait3A_1273, %dma_wait3A_1274] : memref<1003520x64xf32, #tpu.memory_space<hbm>> -> memref<1003520x64xf32, #tpu.memory_space<hbm>>
      tpu.wait_indirect_dma semaphore(%arg8 : memref<!tpu.dma_semaphore, #tpu.memory_space<semaphore_mem>>) src(%dma_wait3A_1275 : memref<1003520x64xf32, #tpu.memory_space<hbm>>) dst(%dma_wait3A_1270 : memref<128x64xf32, #tpu.memory_space<vmem>>)
      %dma_wait3A_1276 = arith.constant 256 : i32
      %dma_wait3A_1277 = arith.constant 0 : i32
      %dma_wait3A_1278 = tpu.memref_slice %arg7[%dma_wait3A_1276, %dma_wait3A_1277] : memref<800x64xf32, #tpu.memory_space<vmem>> -> memref<128x64xf32, #tpu.memory_space<vmem>>
      %dma_wait3A_1279 = arith.constant 256 : i32
      %dma_wait3A_1280 = tpu.memref_slice %arg6[%dma_wait3A_1279] : memref<800xi32, #tpu.memory_space<vmem>> -> memref<128xi32, #tpu.memory_space<vmem>>
      %dma_wait3A_1281 = arith.constant 0 : i32
      %dma_wait3A_1282 = arith.constant 0 : i32
      %dma_wait3A_1283 = tpu.memref_slice %arg2[%dma_wait3A_1281, %dma_wait3A_1282] : memref<1003520x64xf32, #tpu.memory_space<hbm>> -> memref<1003520x64xf32, #tpu.memory_space<hbm>>
      tpu.wait_indirect_dma semaphore(%arg8 : memref<!tpu.dma_semaphore, #tpu.memory_space<semaphore_mem>>) src(%dma_wait3A_1283 : memref<1003520x64xf32, #tpu.memory_space<hbm>>) dst(%dma_wait3A_1278 : memref<128x64xf32, #tpu.memory_space<vmem>>)
      %dma_wait3A_1284 = arith.constant 384 : i32
      %dma_wait3A_1285 = arith.constant 0 : i32
      %dma_wait3A_1286 = tpu.memref_slice %arg7[%dma_wait3A_1284, %dma_wait3A_1285] : memref<800x64xf32, #tpu.memory_space<vmem>> -> memref<128x64xf32, #tpu.memory_space<vmem>>
      %dma_wait3A_1287 = arith.constant 384 : i32
      %dma_wait3A_1288 = tpu.memref_slice %arg6[%dma_wait3A_1287] : memref<800xi32, #tpu.memory_space<vmem>> -> memref<128xi32, #tpu.memory_space<vmem>>
      %dma_wait3A_1289 = arith.constant 0 : i32
      %dma_wait3A_1290 = arith.constant 0 : i32
      %dma_wait3A_1291 = tpu.memref_slice %arg2[%dma_wait3A_1289, %dma_wait3A_1290] : memref<1003520x64xf32, #tpu.memory_space<hbm>> -> memref<1003520x64xf32, #tpu.memory_space<hbm>>
      tpu.wait_indirect_dma semaphore(%arg8 : memref<!tpu.dma_semaphore, #tpu.memory_space<semaphore_mem>>) src(%dma_wait3A_1291 : memref<1003520x64xf32, #tpu.memory_space<hbm>>) dst(%dma_wait3A_1286 : memref<128x64xf32, #tpu.memory_space<vmem>>)
      %dma_wait3A_1292 = arith.constant 512 : i32
      %dma_wait3A_1293 = arith.constant 0 : i32
      %dma_wait3A_1294 = tpu.memref_slice %arg7[%dma_wait3A_1292, %dma_wait3A_1293] : memref<800x64xf32, #tpu.memory_space<vmem>> -> memref<128x64xf32, #tpu.memory_space<vmem>>
      %dma_wait3A_1295 = arith.constant 512 : i32
      %dma_wait3A_1296 = tpu.memref_slice %arg6[%dma_wait3A_1295] : memref<800xi32, #tpu.memory_space<vmem>> -> memref<128xi32, #tpu.memory_space<vmem>>
      %dma_wait3A_1297 = arith.constant 0 : i32
      %dma_wait3A_1298 = arith.constant 0 : i32
      %dma_wait3A_1299 = tpu.memref_slice %arg2[%dma_wait3A_1297, %dma_wait3A_1298] : memref<1003520x64xf32, #tpu.memory_space<hbm>> -> memref<1003520x64xf32, #tpu.memory_space<hbm>>
      tpu.wait_indirect_dma semaphore(%arg8 : memref<!tpu.dma_semaphore, #tpu.memory_space<semaphore_mem>>) src(%dma_wait3A_1299 : memref<1003520x64xf32, #tpu.memory_space<hbm>>) dst(%dma_wait3A_1294 : memref<128x64xf32, #tpu.memory_space<vmem>>)
      %dma_wait3A_1300 = arith.constant 640 : i32
      %dma_wait3A_1301 = arith.constant 0 : i32
      %dma_wait3A_1302 = tpu.memref_slice %arg7[%dma_wait3A_1300, %dma_wait3A_1301] : memref<800x64xf32, #tpu.memory_space<vmem>> -> memref<128x64xf32, #tpu.memory_space<vmem>>
      %dma_wait3A_1303 = arith.constant 640 : i32
      %dma_wait3A_1304 = tpu.memref_slice %arg6[%dma_wait3A_1303] : memref<800xi32, #tpu.memory_space<vmem>> -> memref<128xi32, #tpu.memory_space<vmem>>
      %dma_wait3A_1305 = arith.constant 0 : i32
      %dma_wait3A_1306 = arith.constant 0 : i32
      %dma_wait3A_1307 = tpu.memref_slice %arg2[%dma_wait3A_1305, %dma_wait3A_1306] : memref<1003520x64xf32, #tpu.memory_space<hbm>> -> memref<1003520x64xf32, #tpu.memory_space<hbm>>
      tpu.wait_indirect_dma semaphore(%arg8 : memref<!tpu.dma_semaphore, #tpu.memory_space<semaphore_mem>>) src(%dma_wait3A_1307 : memref<1003520x64xf32, #tpu.memory_space<hbm>>) dst(%dma_wait3A_1302 : memref<128x64xf32, #tpu.memory_space<vmem>>)
      %dma_wait3A_1308 = arith.constant 768 : i32
      %dma_wait3A_1309 = arith.constant 0 : i32
      %dma_wait3A_1310 = tpu.memref_slice %arg7[%dma_wait3A_1308, %dma_wait3A_1309] : memref<800x64xf32, #tpu.memory_space<vmem>> -> memref<32x64xf32, #tpu.memory_space<vmem>>
      %dma_wait3A_1311 = arith.constant 768 : i32
      %dma_wait3A_1312 = tpu.memref_slice %arg6[%dma_wait3A_1311] : memref<800xi32, #tpu.memory_space<vmem>> -> memref<32xi32, #tpu.memory_space<vmem>>
      %dma_wait3A_1313 = arith.constant 0 : i32
      %dma_wait3A_1314 = arith.constant 0 : i32
      %dma_wait3A_1315 = tpu.memref_slice %arg2[%dma_wait3A_1313, %dma_wait3A_1314] : memref<1003520x64xf32, #tpu.memory_space<hbm>> -> memref<1003520x64xf32, #tpu.memory_space<hbm>>
      tpu.wait_indirect_dma semaphore(%arg8 : memref<!tpu.dma_semaphore, #tpu.memory_space<semaphore_mem>>) src(%dma_wait3A_1315 : memref<1003520x64xf32, #tpu.memory_space<hbm>>) dst(%dma_wait3A_1310 : memref<32x64xf32, #tpu.memory_space<vmem>>)
      %jit3A = arith.constant 50 : i32
      %div3A = arith.divsi %multiple_of3A, %jit3A : i32
      %sign3A = arith.constant 0 : i32
      %sign3A_1316 = arith.cmpi sgt, %multiple_of3A, %sign3A : i32
      %sign3A_1317 = arith.extui %sign3A_1316 : i1 to i32
      %sign3A_1318 = arith.constant 0 : i32
      %sign3A_1319 = arith.cmpi slt, %multiple_of3A, %sign3A_1318 : i32
      %sign3A_1320 = arith.extui %sign3A_1319 : i1 to i32
      %sign3A_1321 = arith.subi %sign3A_1317, %sign3A_1320 : i32
      %sign3A_1322 = arith.constant 0 : i32
      %sign3A_1323 = arith.cmpi sgt, %jit3A, %sign3A_1322 : i32
      %sign3A_1324 = arith.extui %sign3A_1323 : i1 to i32
      %sign3A_1325 = arith.constant 0 : i32
      %sign3A_1326 = arith.cmpi slt, %jit3A, %sign3A_1325 : i32
      %sign3A_1327 = arith.extui %sign3A_1326 : i1 to i32
      %sign3A_1328 = arith.subi %sign3A_1324, %sign3A_1327 : i32
      %ne3A = arith.cmpi ne, %sign3A_1321, %sign3A_1328 : i32
      %rem3A = arith.remsi %multiple_of3A, %jit3A : i32
      %ne3A_1329 = arith.constant 0 : i32
      %ne3A_1330 = arith.cmpi ne, %rem3A, %ne3A_1329 : i32
      %and3A_1331 = arith.andi %ne3A, %ne3A_1330 : i1
      %sub3A = arith.constant 1 : i32
      %sub3A_1332 = arith.subi %div3A, %sub3A : i32
      %select_n3A = arith.select %and3A_1331, %sub3A_1332, %div3A : i32
      %add3A_1333 = arith.constant 0 : i32
      %add3A_1334 = arith.addi %select_n3A, %add3A_1333 : i32
      %dma_start3A_1335 = arith.constant 0 : i32
      %dma_start3A_1336 = arith.constant 0 : i32
      %dma_start3A_1337 = tpu.memref_slice %arg7[%dma_start3A_1335, %dma_start3A_1336] : memref<800x64xf32, #tpu.memory_space<vmem>> -> memref<50x64xf32, #tpu.memory_space<vmem>>
      %dma_start3A_1338 = arith.constant 0 : i32
      %dma_start3A_1339 = arith.constant 0 : i32
      %dma_start3A_1340 = tpu.memref_slice %arg4[%add3A_1334, %dma_start3A_1338, %dma_start3A_1339] : memref<16384x56x128xf32, #tpu.memory_space<hbm>> -> memref<1x50x64xf32, #tpu.memory_space<hbm>>
      %dma_start3A_1341 = tpu.memref_squeeze %dma_start3A_1340 : memref<1x50x64xf32, #tpu.memory_space<hbm>> -> memref<50x64xf32, #tpu.memory_space<hbm>>
      %dma_start3A_1342 = arith.constant 0 : i32
      %dma_start3A_1343 = arith.constant 0 : i32
      %dma_start3A_1344 = tpu.memref_slice %arg4[%add3A_1334, %dma_start3A_1342, %dma_start3A_1343] : memref<16384x56x128xf32, #tpu.memory_space<hbm>> -> memref<1x50x64xf32, #tpu.memory_space<hbm>>
      %dma_start3A_1345 = tpu.memref_squeeze %dma_start3A_1344 : memref<1x50x64xf32, #tpu.memory_space<hbm>> -> memref<50x64xf32, #tpu.memory_space<hbm>>
      %dma_start3A_1346 = arith.constant 0 : i32
      %dma_start3A_1347 = arith.constant 0 : i32
      %dma_start3A_1348 = tpu.memref_slice %arg7[%dma_start3A_1346, %dma_start3A_1347] : memref<800x64xf32, #tpu.memory_space<vmem>> -> memref<50x64xf32, #tpu.memory_space<vmem>>
      tpu.enqueue_dma source(%dma_start3A_1348 : memref<50x64xf32, #tpu.memory_space<vmem>>) target(%dma_start3A_1345 : memref<50x64xf32, #tpu.memory_space<hbm>>) target_semaphore(%arg9 : memref<!tpu.dma_semaphore, #tpu.memory_space<semaphore_mem>>)
      %add3A_1349 = arith.constant 1 : i32
      %add3A_1350 = arith.addi %select_n3A, %add3A_1349 : i32
      %dma_start3A_1351 = arith.constant 50 : i32
      %dma_start3A_1352 = arith.constant 0 : i32
      %dma_start3A_1353 = tpu.memref_slice %arg7[%dma_start3A_1351, %dma_start3A_1352] : memref<800x64xf32, #tpu.memory_space<vmem>> -> memref<50x64xf32, #tpu.memory_space<vmem>>
      %dma_start3A_1354 = arith.constant 0 : i32
      %dma_start3A_1355 = arith.constant 0 : i32
      %dma_start3A_1356 = tpu.memref_slice %arg4[%add3A_1350, %dma_start3A_1354, %dma_start3A_1355] : memref<16384x56x128xf32, #tpu.memory_space<hbm>> -> memref<1x50x64xf32, #tpu.memory_space<hbm>>
      %dma_start3A_1357 = tpu.memref_squeeze %dma_start3A_1356 : memref<1x50x64xf32, #tpu.memory_space<hbm>> -> memref<50x64xf32, #tpu.memory_space<hbm>>
      %dma_start3A_1358 = arith.constant 0 : i32
      %dma_start3A_1359 = arith.constant 0 : i32
      %dma_start3A_1360 = tpu.memref_slice %arg4[%add3A_1350, %dma_start3A_1358, %dma_start3A_1359] : memref<16384x56x128xf32, #tpu.memory_space<hbm>> -> memref<1x50x64xf32, #tpu.memory_space<hbm>>
      %dma_start3A_1361 = tpu.memref_squeeze %dma_start3A_1360 : memref<1x50x64xf32, #tpu.memory_space<hbm>> -> memref<50x64xf32, #tpu.memory_space<hbm>>
      %dma_start3A_1362 = arith.constant 50 : i32
      %dma_start3A_1363 = arith.constant 0 : i32
      %dma_start3A_1364 = tpu.memref_slice %arg7[%dma_start3A_1362, %dma_start3A_1363] : memref<800x64xf32, #tpu.memory_space<vmem>> -> memref<50x64xf32, #tpu.memory_space<vmem>>
      tpu.enqueue_dma source(%dma_start3A_1364 : memref<50x64xf32, #tpu.memory_space<vmem>>) target(%dma_start3A_1361 : memref<50x64xf32, #tpu.memory_space<hbm>>) target_semaphore(%arg9 : memref<!tpu.dma_semaphore, #tpu.memory_space<semaphore_mem>>)
      %add3A_1365 = arith.constant 2 : i32
      %add3A_1366 = arith.addi %select_n3A, %add3A_1365 : i32
      %dma_start3A_1367 = arith.constant 100 : i32
      %dma_start3A_1368 = arith.constant 0 : i32
      %dma_start3A_1369 = tpu.memref_slice %arg7[%dma_start3A_1367, %dma_start3A_1368] : memref<800x64xf32, #tpu.memory_space<vmem>> -> memref<50x64xf32, #tpu.memory_space<vmem>>
      %dma_start3A_1370 = arith.constant 0 : i32
      %dma_start3A_1371 = arith.constant 0 : i32
      %dma_start3A_1372 = tpu.memref_slice %arg4[%add3A_1366, %dma_start3A_1370, %dma_start3A_1371] : memref<16384x56x128xf32, #tpu.memory_space<hbm>> -> memref<1x50x64xf32, #tpu.memory_space<hbm>>
      %dma_start3A_1373 = tpu.memref_squeeze %dma_start3A_1372 : memref<1x50x64xf32, #tpu.memory_space<hbm>> -> memref<50x64xf32, #tpu.memory_space<hbm>>
      %dma_start3A_1374 = arith.constant 0 : i32
      %dma_start3A_1375 = arith.constant 0 : i32
      %dma_start3A_1376 = tpu.memref_slice %arg4[%add3A_1366, %dma_start3A_1374, %dma_start3A_1375] : memref<16384x56x128xf32, #tpu.memory_space<hbm>> -> memref<1x50x64xf32, #tpu.memory_space<hbm>>
      %dma_start3A_1377 = tpu.memref_squeeze %dma_start3A_1376 : memref<1x50x64xf32, #tpu.memory_space<hbm>> -> memref<50x64xf32, #tpu.memory_space<hbm>>
      %dma_start3A_1378 = arith.constant 100 : i32
      %dma_start3A_1379 = arith.constant 0 : i32
      %dma_start3A_1380 = tpu.memref_slice %arg7[%dma_start3A_1378, %dma_start3A_1379] : memref<800x64xf32, #tpu.memory_space<vmem>> -> memref<50x64xf32, #tpu.memory_space<vmem>>
      tpu.enqueue_dma source(%dma_start3A_1380 : memref<50x64xf32, #tpu.memory_space<vmem>>) target(%dma_start3A_1377 : memref<50x64xf32, #tpu.memory_space<hbm>>) target_semaphore(%arg9 : memref<!tpu.dma_semaphore, #tpu.memory_space<semaphore_mem>>)
      %add3A_1381 = arith.constant 3 : i32
      %add3A_1382 = arith.addi %select_n3A, %add3A_1381 : i32
      %dma_start3A_1383 = arith.constant 150 : i32
      %dma_start3A_1384 = arith.constant 0 : i32
      %dma_start3A_1385 = tpu.memref_slice %arg7[%dma_start3A_1383, %dma_start3A_1384] : memref<800x64xf32, #tpu.memory_space<vmem>> -> memref<50x64xf32, #tpu.memory_space<vmem>>
      %dma_start3A_1386 = arith.constant 0 : i32
      %dma_start3A_1387 = arith.constant 0 : i32
      %dma_start3A_1388 = tpu.memref_slice %arg4[%add3A_1382, %dma_start3A_1386, %dma_start3A_1387] : memref<16384x56x128xf32, #tpu.memory_space<hbm>> -> memref<1x50x64xf32, #tpu.memory_space<hbm>>
      %dma_start3A_1389 = tpu.memref_squeeze %dma_start3A_1388 : memref<1x50x64xf32, #tpu.memory_space<hbm>> -> memref<50x64xf32, #tpu.memory_space<hbm>>
      %dma_start3A_1390 = arith.constant 0 : i32
      %dma_start3A_1391 = arith.constant 0 : i32
      %dma_start3A_1392 = tpu.memref_slice %arg4[%add3A_1382, %dma_start3A_1390, %dma_start3A_1391] : memref<16384x56x128xf32, #tpu.memory_space<hbm>> -> memref<1x50x64xf32, #tpu.memory_space<hbm>>
      %dma_start3A_1393 = tpu.memref_squeeze %dma_start3A_1392 : memref<1x50x64xf32, #tpu.memory_space<hbm>> -> memref<50x64xf32, #tpu.memory_space<hbm>>
      %dma_start3A_1394 = arith.constant 150 : i32
      %dma_start3A_1395 = arith.constant 0 : i32
      %dma_start3A_1396 = tpu.memref_slice %arg7[%dma_start3A_1394, %dma_start3A_1395] : memref<800x64xf32, #tpu.memory_space<vmem>> -> memref<50x64xf32, #tpu.memory_space<vmem>>
      tpu.enqueue_dma source(%dma_start3A_1396 : memref<50x64xf32, #tpu.memory_space<vmem>>) target(%dma_start3A_1393 : memref<50x64xf32, #tpu.memory_space<hbm>>) target_semaphore(%arg9 : memref<!tpu.dma_semaphore, #tpu.memory_space<semaphore_mem>>)
      %add3A_1397 = arith.constant 4 : i32
      %add3A_1398 = arith.addi %select_n3A, %add3A_1397 : i32
      %dma_start3A_1399 = arith.constant 200 : i32
      %dma_start3A_1400 = arith.constant 0 : i32
      %dma_start3A_1401 = tpu.memref_slice %arg7[%dma_start3A_1399, %dma_start3A_1400] : memref<800x64xf32, #tpu.memory_space<vmem>> -> memref<50x64xf32, #tpu.memory_space<vmem>>
      %dma_start3A_1402 = arith.constant 0 : i32
      %dma_start3A_1403 = arith.constant 0 : i32
      %dma_start3A_1404 = tpu.memref_slice %arg4[%add3A_1398, %dma_start3A_1402, %dma_start3A_1403] : memref<16384x56x128xf32, #tpu.memory_space<hbm>> -> memref<1x50x64xf32, #tpu.memory_space<hbm>>
      %dma_start3A_1405 = tpu.memref_squeeze %dma_start3A_1404 : memref<1x50x64xf32, #tpu.memory_space<hbm>> -> memref<50x64xf32, #tpu.memory_space<hbm>>
      %dma_start3A_1406 = arith.constant 0 : i32
      %dma_start3A_1407 = arith.constant 0 : i32
      %dma_start3A_1408 = tpu.memref_slice %arg4[%add3A_1398, %dma_start3A_1406, %dma_start3A_1407] : memref<16384x56x128xf32, #tpu.memory_space<hbm>> -> memref<1x50x64xf32, #tpu.memory_space<hbm>>
      %dma_start3A_1409 = tpu.memref_squeeze %dma_start3A_1408 : memref<1x50x64xf32, #tpu.memory_space<hbm>> -> memref<50x64xf32, #tpu.memory_space<hbm>>
      %dma_start3A_1410 = arith.constant 200 : i32
      %dma_start3A_1411 = arith.constant 0 : i32
      %dma_start3A_1412 = tpu.memref_slice %arg7[%dma_start3A_1410, %dma_start3A_1411] : memref<800x64xf32, #tpu.memory_space<vmem>> -> memref<50x64xf32, #tpu.memory_space<vmem>>
      tpu.enqueue_dma source(%dma_start3A_1412 : memref<50x64xf32, #tpu.memory_space<vmem>>) target(%dma_start3A_1409 : memref<50x64xf32, #tpu.memory_space<hbm>>) target_semaphore(%arg9 : memref<!tpu.dma_semaphore, #tpu.memory_space<semaphore_mem>>)
      %add3A_1413 = arith.constant 5 : i32
      %add3A_1414 = arith.addi %select_n3A, %add3A_1413 : i32
      %dma_start3A_1415 = arith.constant 250 : i32
      %dma_start3A_1416 = arith.constant 0 : i32
      %dma_start3A_1417 = tpu.memref_slice %arg7[%dma_start3A_1415, %dma_start3A_1416] : memref<800x64xf32, #tpu.memory_space<vmem>> -> memref<50x64xf32, #tpu.memory_space<vmem>>
      %dma_start3A_1418 = arith.constant 0 : i32
      %dma_start3A_1419 = arith.constant 0 : i32
      %dma_start3A_1420 = tpu.memref_slice %arg4[%add3A_1414, %dma_start3A_1418, %dma_start3A_1419] : memref<16384x56x128xf32, #tpu.memory_space<hbm>> -> memref<1x50x64xf32, #tpu.memory_space<hbm>>
      %dma_start3A_1421 = tpu.memref_squeeze %dma_start3A_1420 : memref<1x50x64xf32, #tpu.memory_space<hbm>> -> memref<50x64xf32, #tpu.memory_space<hbm>>
      %dma_start3A_1422 = arith.constant 0 : i32
      %dma_start3A_1423 = arith.constant 0 : i32
      %dma_start3A_1424 = tpu.memref_slice %arg4[%add3A_1414, %dma_start3A_1422, %dma_start3A_1423] : memref<16384x56x128xf32, #tpu.memory_space<hbm>> -> memref<1x50x64xf32, #tpu.memory_space<hbm>>
      %dma_start3A_1425 = tpu.memref_squeeze %dma_start3A_1424 : memref<1x50x64xf32, #tpu.memory_space<hbm>> -> memref<50x64xf32, #tpu.memory_space<hbm>>
      %dma_start3A_1426 = arith.constant 250 : i32
      %dma_start3A_1427 = arith.constant 0 : i32
      %dma_start3A_1428 = tpu.memref_slice %arg7[%dma_start3A_1426, %dma_start3A_1427] : memref<800x64xf32, #tpu.memory_space<vmem>> -> memref<50x64xf32, #tpu.memory_space<vmem>>
      tpu.enqueue_dma source(%dma_start3A_1428 : memref<50x64xf32, #tpu.memory_space<vmem>>) target(%dma_start3A_1425 : memref<50x64xf32, #tpu.memory_space<hbm>>) target_semaphore(%arg9 : memref<!tpu.dma_semaphore, #tpu.memory_space<semaphore_mem>>)
      %add3A_1429 = arith.constant 6 : i32
      %add3A_1430 = arith.addi %select_n3A, %add3A_1429 : i32
      %dma_start3A_1431 = arith.constant 300 : i32
      %dma_start3A_1432 = arith.constant 0 : i32
      %dma_start3A_1433 = tpu.memref_slice %arg7[%dma_start3A_1431, %dma_start3A_1432] : memref<800x64xf32, #tpu.memory_space<vmem>> -> memref<50x64xf32, #tpu.memory_space<vmem>>
      %dma_start3A_1434 = arith.constant 0 : i32
      %dma_start3A_1435 = arith.constant 0 : i32
      %dma_start3A_1436 = tpu.memref_slice %arg4[%add3A_1430, %dma_start3A_1434, %dma_start3A_1435] : memref<16384x56x128xf32, #tpu.memory_space<hbm>> -> memref<1x50x64xf32, #tpu.memory_space<hbm>>
      %dma_start3A_1437 = tpu.memref_squeeze %dma_start3A_1436 : memref<1x50x64xf32, #tpu.memory_space<hbm>> -> memref<50x64xf32, #tpu.memory_space<hbm>>
      %dma_start3A_1438 = arith.constant 0 : i32
      %dma_start3A_1439 = arith.constant 0 : i32
      %dma_start3A_1440 = tpu.memref_slice %arg4[%add3A_1430, %dma_start3A_1438, %dma_start3A_1439] : memref<16384x56x128xf32, #tpu.memory_space<hbm>> -> memref<1x50x64xf32, #tpu.memory_space<hbm>>
      %dma_start3A_1441 = tpu.memref_squeeze %dma_start3A_1440 : memref<1x50x64xf32, #tpu.memory_space<hbm>> -> memref<50x64xf32, #tpu.memory_space<hbm>>
      %dma_start3A_1442 = arith.constant 300 : i32
      %dma_start3A_1443 = arith.constant 0 : i32
      %dma_start3A_1444 = tpu.memref_slice %arg7[%dma_start3A_1442, %dma_start3A_1443] : memref<800x64xf32, #tpu.memory_space<vmem>> -> memref<50x64xf32, #tpu.memory_space<vmem>>
      tpu.enqueue_dma source(%dma_start3A_1444 : memref<50x64xf32, #tpu.memory_space<vmem>>) target(%dma_start3A_1441 : memref<50x64xf32, #tpu.memory_space<hbm>>) target_semaphore(%arg9 : memref<!tpu.dma_semaphore, #tpu.memory_space<semaphore_mem>>)
      %add3A_1445 = arith.constant 7 : i32
      %add3A_1446 = arith.addi %select_n3A, %add3A_1445 : i32
      %dma_start3A_1447 = arith.constant 350 : i32
      %dma_start3A_1448 = arith.constant 0 : i32
      %dma_start3A_1449 = tpu.memref_slice %arg7[%dma_start3A_1447, %dma_start3A_1448] : memref<800x64xf32, #tpu.memory_space<vmem>> -> memref<50x64xf32, #tpu.memory_space<vmem>>
      %dma_start3A_1450 = arith.constant 0 : i32
      %dma_start3A_1451 = arith.constant 0 : i32
      %dma_start3A_1452 = tpu.memref_slice %arg4[%add3A_1446, %dma_start3A_1450, %dma_start3A_1451] : memref<16384x56x128xf32, #tpu.memory_space<hbm>> -> memref<1x50x64xf32, #tpu.memory_space<hbm>>
      %dma_start3A_1453 = tpu.memref_squeeze %dma_start3A_1452 : memref<1x50x64xf32, #tpu.memory_space<hbm>> -> memref<50x64xf32, #tpu.memory_space<hbm>>
      %dma_start3A_1454 = arith.constant 0 : i32
      %dma_start3A_1455 = arith.constant 0 : i32
      %dma_start3A_1456 = tpu.memref_slice %arg4[%add3A_1446, %dma_start3A_1454, %dma_start3A_1455] : memref<16384x56x128xf32, #tpu.memory_space<hbm>> -> memref<1x50x64xf32, #tpu.memory_space<hbm>>
      %dma_start3A_1457 = tpu.memref_squeeze %dma_start3A_1456 : memref<1x50x64xf32, #tpu.memory_space<hbm>> -> memref<50x64xf32, #tpu.memory_space<hbm>>
      %dma_start3A_1458 = arith.constant 350 : i32
      %dma_start3A_1459 = arith.constant 0 : i32
      %dma_start3A_1460 = tpu.memref_slice %arg7[%dma_start3A_1458, %dma_start3A_1459] : memref<800x64xf32, #tpu.memory_space<vmem>> -> memref<50x64xf32, #tpu.memory_space<vmem>>
      tpu.enqueue_dma source(%dma_start3A_1460 : memref<50x64xf32, #tpu.memory_space<vmem>>) target(%dma_start3A_1457 : memref<50x64xf32, #tpu.memory_space<hbm>>) target_semaphore(%arg9 : memref<!tpu.dma_semaphore, #tpu.memory_space<semaphore_mem>>)
      %add3A_1461 = arith.constant 8 : i32
      %add3A_1462 = arith.addi %select_n3A, %add3A_1461 : i32
      %dma_start3A_1463 = arith.constant 400 : i32
      %dma_start3A_1464 = arith.constant 0 : i32
      %dma_start3A_1465 = tpu.memref_slice %arg7[%dma_start3A_1463, %dma_start3A_1464] : memref<800x64xf32, #tpu.memory_space<vmem>> -> memref<50x64xf32, #tpu.memory_space<vmem>>
      %dma_start3A_1466 = arith.constant 0 : i32
      %dma_start3A_1467 = arith.constant 0 : i32
      %dma_start3A_1468 = tpu.memref_slice %arg4[%add3A_1462, %dma_start3A_1466, %dma_start3A_1467] : memref<16384x56x128xf32, #tpu.memory_space<hbm>> -> memref<1x50x64xf32, #tpu.memory_space<hbm>>
      %dma_start3A_1469 = tpu.memref_squeeze %dma_start3A_1468 : memref<1x50x64xf32, #tpu.memory_space<hbm>> -> memref<50x64xf32, #tpu.memory_space<hbm>>
      %dma_start3A_1470 = arith.constant 0 : i32
      %dma_start3A_1471 = arith.constant 0 : i32
      %dma_start3A_1472 = tpu.memref_slice %arg4[%add3A_1462, %dma_start3A_1470, %dma_start3A_1471] : memref<16384x56x128xf32, #tpu.memory_space<hbm>> -> memref<1x50x64xf32, #tpu.memory_space<hbm>>
      %dma_start3A_1473 = tpu.memref_squeeze %dma_start3A_1472 : memref<1x50x64xf32, #tpu.memory_space<hbm>> -> memref<50x64xf32, #tpu.memory_space<hbm>>
      %dma_start3A_1474 = arith.constant 400 : i32
      %dma_start3A_1475 = arith.constant 0 : i32
      %dma_start3A_1476 = tpu.memref_slice %arg7[%dma_start3A_1474, %dma_start3A_1475] : memref<800x64xf32, #tpu.memory_space<vmem>> -> memref<50x64xf32, #tpu.memory_space<vmem>>
      tpu.enqueue_dma source(%dma_start3A_1476 : memref<50x64xf32, #tpu.memory_space<vmem>>) target(%dma_start3A_1473 : memref<50x64xf32, #tpu.memory_space<hbm>>) target_semaphore(%arg9 : memref<!tpu.dma_semaphore, #tpu.memory_space<semaphore_mem>>)
      %add3A_1477 = arith.constant 9 : i32
      %add3A_1478 = arith.addi %select_n3A, %add3A_1477 : i32
      %dma_start3A_1479 = arith.constant 450 : i32
      %dma_start3A_1480 = arith.constant 0 : i32
      %dma_start3A_1481 = tpu.memref_slice %arg7[%dma_start3A_1479, %dma_start3A_1480] : memref<800x64xf32, #tpu.memory_space<vmem>> -> memref<50x64xf32, #tpu.memory_space<vmem>>
      %dma_start3A_1482 = arith.constant 0 : i32
      %dma_start3A_1483 = arith.constant 0 : i32
      %dma_start3A_1484 = tpu.memref_slice %arg4[%add3A_1478, %dma_start3A_1482, %dma_start3A_1483] : memref<16384x56x128xf32, #tpu.memory_space<hbm>> -> memref<1x50x64xf32, #tpu.memory_space<hbm>>
      %dma_start3A_1485 = tpu.memref_squeeze %dma_start3A_1484 : memref<1x50x64xf32, #tpu.memory_space<hbm>> -> memref<50x64xf32, #tpu.memory_space<hbm>>
      %dma_start3A_1486 = arith.constant 0 : i32
      %dma_start3A_1487 = arith.constant 0 : i32
      %dma_start3A_1488 = tpu.memref_slice %arg4[%add3A_1478, %dma_start3A_1486, %dma_start3A_1487] : memref<16384x56x128xf32, #tpu.memory_space<hbm>> -> memref<1x50x64xf32, #tpu.memory_space<hbm>>
      %dma_start3A_1489 = tpu.memref_squeeze %dma_start3A_1488 : memref<1x50x64xf32, #tpu.memory_space<hbm>> -> memref<50x64xf32, #tpu.memory_space<hbm>>
      %dma_start3A_1490 = arith.constant 450 : i32
      %dma_start3A_1491 = arith.constant 0 : i32
      %dma_start3A_1492 = tpu.memref_slice %arg7[%dma_start3A_1490, %dma_start3A_1491] : memref<800x64xf32, #tpu.memory_space<vmem>> -> memref<50x64xf32, #tpu.memory_space<vmem>>
      tpu.enqueue_dma source(%dma_start3A_1492 : memref<50x64xf32, #tpu.memory_space<vmem>>) target(%dma_start3A_1489 : memref<50x64xf32, #tpu.memory_space<hbm>>) target_semaphore(%arg9 : memref<!tpu.dma_semaphore, #tpu.memory_space<semaphore_mem>>)
      %add3A_1493 = arith.constant 10 : i32
      %add3A_1494 = arith.addi %select_n3A, %add3A_1493 : i32
      %dma_start3A_1495 = arith.constant 500 : i32
      %dma_start3A_1496 = arith.constant 0 : i32
      %dma_start3A_1497 = tpu.memref_slice %arg7[%dma_start3A_1495, %dma_start3A_1496] : memref<800x64xf32, #tpu.memory_space<vmem>> -> memref<50x64xf32, #tpu.memory_space<vmem>>
      %dma_start3A_1498 = arith.constant 0 : i32
      %dma_start3A_1499 = arith.constant 0 : i32
      %dma_start3A_1500 = tpu.memref_slice %arg4[%add3A_1494, %dma_start3A_1498, %dma_start3A_1499] : memref<16384x56x128xf32, #tpu.memory_space<hbm>> -> memref<1x50x64xf32, #tpu.memory_space<hbm>>
      %dma_start3A_1501 = tpu.memref_squeeze %dma_start3A_1500 : memref<1x50x64xf32, #tpu.memory_space<hbm>> -> memref<50x64xf32, #tpu.memory_space<hbm>>
      %dma_start3A_1502 = arith.constant 0 : i32
      %dma_start3A_1503 = arith.constant 0 : i32
      %dma_start3A_1504 = tpu.memref_slice %arg4[%add3A_1494, %dma_start3A_1502, %dma_start3A_1503] : memref<16384x56x128xf32, #tpu.memory_space<hbm>> -> memref<1x50x64xf32, #tpu.memory_space<hbm>>
      %dma_start3A_1505 = tpu.memref_squeeze %dma_start3A_1504 : memref<1x50x64xf32, #tpu.memory_space<hbm>> -> memref<50x64xf32, #tpu.memory_space<hbm>>
      %dma_start3A_1506 = arith.constant 500 : i32
      %dma_start3A_1507 = arith.constant 0 : i32
      %dma_start3A_1508 = tpu.memref_slice %arg7[%dma_start3A_1506, %dma_start3A_1507] : memref<800x64xf32, #tpu.memory_space<vmem>> -> memref<50x64xf32, #tpu.memory_space<vmem>>
      tpu.enqueue_dma source(%dma_start3A_1508 : memref<50x64xf32, #tpu.memory_space<vmem>>) target(%dma_start3A_1505 : memref<50x64xf32, #tpu.memory_space<hbm>>) target_semaphore(%arg9 : memref<!tpu.dma_semaphore, #tpu.memory_space<semaphore_mem>>)
      %add3A_1509 = arith.constant 11 : i32
      %add3A_1510 = arith.addi %select_n3A, %add3A_1509 : i32
      %dma_start3A_1511 = arith.constant 550 : i32
      %dma_start3A_1512 = arith.constant 0 : i32
      %dma_start3A_1513 = tpu.memref_slice %arg7[%dma_start3A_1511, %dma_start3A_1512] : memref<800x64xf32, #tpu.memory_space<vmem>> -> memref<50x64xf32, #tpu.memory_space<vmem>>
      %dma_start3A_1514 = arith.constant 0 : i32
      %dma_start3A_1515 = arith.constant 0 : i32
      %dma_start3A_1516 = tpu.memref_slice %arg4[%add3A_1510, %dma_start3A_1514, %dma_start3A_1515] : memref<16384x56x128xf32, #tpu.memory_space<hbm>> -> memref<1x50x64xf32, #tpu.memory_space<hbm>>
      %dma_start3A_1517 = tpu.memref_squeeze %dma_start3A_1516 : memref<1x50x64xf32, #tpu.memory_space<hbm>> -> memref<50x64xf32, #tpu.memory_space<hbm>>
      %dma_start3A_1518 = arith.constant 0 : i32
      %dma_start3A_1519 = arith.constant 0 : i32
      %dma_start3A_1520 = tpu.memref_slice %arg4[%add3A_1510, %dma_start3A_1518, %dma_start3A_1519] : memref<16384x56x128xf32, #tpu.memory_space<hbm>> -> memref<1x50x64xf32, #tpu.memory_space<hbm>>
      %dma_start3A_1521 = tpu.memref_squeeze %dma_start3A_1520 : memref<1x50x64xf32, #tpu.memory_space<hbm>> -> memref<50x64xf32, #tpu.memory_space<hbm>>
      %dma_start3A_1522 = arith.constant 550 : i32
      %dma_start3A_1523 = arith.constant 0 : i32
      %dma_start3A_1524 = tpu.memref_slice %arg7[%dma_start3A_1522, %dma_start3A_1523] : memref<800x64xf32, #tpu.memory_space<vmem>> -> memref<50x64xf32, #tpu.memory_space<vmem>>
      tpu.enqueue_dma source(%dma_start3A_1524 : memref<50x64xf32, #tpu.memory_space<vmem>>) target(%dma_start3A_1521 : memref<50x64xf32, #tpu.memory_space<hbm>>) target_semaphore(%arg9 : memref<!tpu.dma_semaphore, #tpu.memory_space<semaphore_mem>>)
      %add3A_1525 = arith.constant 12 : i32
      %add3A_1526 = arith.addi %select_n3A, %add3A_1525 : i32
      %dma_start3A_1527 = arith.constant 600 : i32
      %dma_start3A_1528 = arith.constant 0 : i32
      %dma_start3A_1529 = tpu.memref_slice %arg7[%dma_start3A_1527, %dma_start3A_1528] : memref<800x64xf32, #tpu.memory_space<vmem>> -> memref<50x64xf32, #tpu.memory_space<vmem>>
      %dma_start3A_1530 = arith.constant 0 : i32
      %dma_start3A_1531 = arith.constant 0 : i32
      %dma_start3A_1532 = tpu.memref_slice %arg4[%add3A_1526, %dma_start3A_1530, %dma_start3A_1531] : memref<16384x56x128xf32, #tpu.memory_space<hbm>> -> memref<1x50x64xf32, #tpu.memory_space<hbm>>
      %dma_start3A_1533 = tpu.memref_squeeze %dma_start3A_1532 : memref<1x50x64xf32, #tpu.memory_space<hbm>> -> memref<50x64xf32, #tpu.memory_space<hbm>>
      %dma_start3A_1534 = arith.constant 0 : i32
      %dma_start3A_1535 = arith.constant 0 : i32
      %dma_start3A_1536 = tpu.memref_slice %arg4[%add3A_1526, %dma_start3A_1534, %dma_start3A_1535] : memref<16384x56x128xf32, #tpu.memory_space<hbm>> -> memref<1x50x64xf32, #tpu.memory_space<hbm>>
      %dma_start3A_1537 = tpu.memref_squeeze %dma_start3A_1536 : memref<1x50x64xf32, #tpu.memory_space<hbm>> -> memref<50x64xf32, #tpu.memory_space<hbm>>
      %dma_start3A_1538 = arith.constant 600 : i32
      %dma_start3A_1539 = arith.constant 0 : i32
      %dma_start3A_1540 = tpu.memref_slice %arg7[%dma_start3A_1538, %dma_start3A_1539] : memref<800x64xf32, #tpu.memory_space<vmem>> -> memref<50x64xf32, #tpu.memory_space<vmem>>
      tpu.enqueue_dma source(%dma_start3A_1540 : memref<50x64xf32, #tpu.memory_space<vmem>>) target(%dma_start3A_1537 : memref<50x64xf32, #tpu.memory_space<hbm>>) target_semaphore(%arg9 : memref<!tpu.dma_semaphore, #tpu.memory_space<semaphore_mem>>)
      %add3A_1541 = arith.constant 13 : i32
      %add3A_1542 = arith.addi %select_n3A, %add3A_1541 : i32
      %dma_start3A_1543 = arith.constant 650 : i32
      %dma_start3A_1544 = arith.constant 0 : i32
      %dma_start3A_1545 = tpu.memref_slice %arg7[%dma_start3A_1543, %dma_start3A_1544] : memref<800x64xf32, #tpu.memory_space<vmem>> -> memref<50x64xf32, #tpu.memory_space<vmem>>
      %dma_start3A_1546 = arith.constant 0 : i32
      %dma_start3A_1547 = arith.constant 0 : i32
      %dma_start3A_1548 = tpu.memref_slice %arg4[%add3A_1542, %dma_start3A_1546, %dma_start3A_1547] : memref<16384x56x128xf32, #tpu.memory_space<hbm>> -> memref<1x50x64xf32, #tpu.memory_space<hbm>>
      %dma_start3A_1549 = tpu.memref_squeeze %dma_start3A_1548 : memref<1x50x64xf32, #tpu.memory_space<hbm>> -> memref<50x64xf32, #tpu.memory_space<hbm>>
      %dma_start3A_1550 = arith.constant 0 : i32
      %dma_start3A_1551 = arith.constant 0 : i32
      %dma_start3A_1552 = tpu.memref_slice %arg4[%add3A_1542, %dma_start3A_1550, %dma_start3A_1551] : memref<16384x56x128xf32, #tpu.memory_space<hbm>> -> memref<1x50x64xf32, #tpu.memory_space<hbm>>
      %dma_start3A_1553 = tpu.memref_squeeze %dma_start3A_1552 : memref<1x50x64xf32, #tpu.memory_space<hbm>> -> memref<50x64xf32, #tpu.memory_space<hbm>>
      %dma_start3A_1554 = arith.constant 650 : i32
      %dma_start3A_1555 = arith.constant 0 : i32
      %dma_start3A_1556 = tpu.memref_slice %arg7[%dma_start3A_1554, %dma_start3A_1555] : memref<800x64xf32, #tpu.memory_space<vmem>> -> memref<50x64xf32, #tpu.memory_space<vmem>>
      tpu.enqueue_dma source(%dma_start3A_1556 : memref<50x64xf32, #tpu.memory_space<vmem>>) target(%dma_start3A_1553 : memref<50x64xf32, #tpu.memory_space<hbm>>) target_semaphore(%arg9 : memref<!tpu.dma_semaphore, #tpu.memory_space<semaphore_mem>>)
      %add3A_1557 = arith.constant 14 : i32
      %add3A_1558 = arith.addi %select_n3A, %add3A_1557 : i32
      %dma_start3A_1559 = arith.constant 700 : i32
      %dma_start3A_1560 = arith.constant 0 : i32
      %dma_start3A_1561 = tpu.memref_slice %arg7[%dma_start3A_1559, %dma_start3A_1560] : memref<800x64xf32, #tpu.memory_space<vmem>> -> memref<50x64xf32, #tpu.memory_space<vmem>>
      %dma_start3A_1562 = arith.constant 0 : i32
      %dma_start3A_1563 = arith.constant 0 : i32
      %dma_start3A_1564 = tpu.memref_slice %arg4[%add3A_1558, %dma_start3A_1562, %dma_start3A_1563] : memref<16384x56x128xf32, #tpu.memory_space<hbm>> -> memref<1x50x64xf32, #tpu.memory_space<hbm>>
      %dma_start3A_1565 = tpu.memref_squeeze %dma_start3A_1564 : memref<1x50x64xf32, #tpu.memory_space<hbm>> -> memref<50x64xf32, #tpu.memory_space<hbm>>
      %dma_start3A_1566 = arith.constant 0 : i32
      %dma_start3A_1567 = arith.constant 0 : i32
      %dma_start3A_1568 = tpu.memref_slice %arg4[%add3A_1558, %dma_start3A_1566, %dma_start3A_1567] : memref<16384x56x128xf32, #tpu.memory_space<hbm>> -> memref<1x50x64xf32, #tpu.memory_space<hbm>>
      %dma_start3A_1569 = tpu.memref_squeeze %dma_start3A_1568 : memref<1x50x64xf32, #tpu.memory_space<hbm>> -> memref<50x64xf32, #tpu.memory_space<hbm>>
      %dma_start3A_1570 = arith.constant 700 : i32
      %dma_start3A_1571 = arith.constant 0 : i32
      %dma_start3A_1572 = tpu.memref_slice %arg7[%dma_start3A_1570, %dma_start3A_1571] : memref<800x64xf32, #tpu.memory_space<vmem>> -> memref<50x64xf32, #tpu.memory_space<vmem>>
      tpu.enqueue_dma source(%dma_start3A_1572 : memref<50x64xf32, #tpu.memory_space<vmem>>) target(%dma_start3A_1569 : memref<50x64xf32, #tpu.memory_space<hbm>>) target_semaphore(%arg9 : memref<!tpu.dma_semaphore, #tpu.memory_space<semaphore_mem>>)
      %add3A_1573 = arith.constant 15 : i32
      %add3A_1574 = arith.addi %select_n3A, %add3A_1573 : i32
      %dma_start3A_1575 = arith.constant 750 : i32
      %dma_start3A_1576 = arith.constant 0 : i32
      %dma_start3A_1577 = tpu.memref_slice %arg7[%dma_start3A_1575, %dma_start3A_1576] : memref<800x64xf32, #tpu.memory_space<vmem>> -> memref<50x64xf32, #tpu.memory_space<vmem>>
      %dma_start3A_1578 = arith.constant 0 : i32
      %dma_start3A_1579 = arith.constant 0 : i32
      %dma_start3A_1580 = tpu.memref_slice %arg4[%add3A_1574, %dma_start3A_1578, %dma_start3A_1579] : memref<16384x56x128xf32, #tpu.memory_space<hbm>> -> memref<1x50x64xf32, #tpu.memory_space<hbm>>
      %dma_start3A_1581 = tpu.memref_squeeze %dma_start3A_1580 : memref<1x50x64xf32, #tpu.memory_space<hbm>> -> memref<50x64xf32, #tpu.memory_space<hbm>>
      %dma_start3A_1582 = arith.constant 0 : i32
      %dma_start3A_1583 = arith.constant 0 : i32
      %dma_start3A_1584 = tpu.memref_slice %arg4[%add3A_1574, %dma_start3A_1582, %dma_start3A_1583] : memref<16384x56x128xf32, #tpu.memory_space<hbm>> -> memref<1x50x64xf32, #tpu.memory_space<hbm>>
      %dma_start3A_1585 = tpu.memref_squeeze %dma_start3A_1584 : memref<1x50x64xf32, #tpu.memory_space<hbm>> -> memref<50x64xf32, #tpu.memory_space<hbm>>
      %dma_start3A_1586 = arith.constant 750 : i32
      %dma_start3A_1587 = arith.constant 0 : i32
      %dma_start3A_1588 = tpu.memref_slice %arg7[%dma_start3A_1586, %dma_start3A_1587] : memref<800x64xf32, #tpu.memory_space<vmem>> -> memref<50x64xf32, #tpu.memory_space<vmem>>
      tpu.enqueue_dma source(%dma_start3A_1588 : memref<50x64xf32, #tpu.memory_space<vmem>>) target(%dma_start3A_1585 : memref<50x64xf32, #tpu.memory_space<hbm>>) target_semaphore(%arg9 : memref<!tpu.dma_semaphore, #tpu.memory_space<semaphore_mem>>)
      %dma_wait3A_1589 = arith.constant 0 : i32
      %dma_wait3A_1590 = arith.constant 0 : i32
      %dma_wait3A_1591 = tpu.memref_slice %arg7[%dma_wait3A_1589, %dma_wait3A_1590] : memref<800x64xf32, #tpu.memory_space<vmem>> -> memref<50x64xf32, #tpu.memory_space<vmem>>
      %dma_wait3A_1592 = arith.constant 0 : i32
      %dma_wait3A_1593 = arith.constant 0 : i32
      %dma_wait3A_1594 = tpu.memref_slice %arg4[%add3A_1334, %dma_wait3A_1592, %dma_wait3A_1593] : memref<16384x56x128xf32, #tpu.memory_space<hbm>> -> memref<1x50x64xf32, #tpu.memory_space<hbm>>
      %dma_wait3A_1595 = tpu.memref_squeeze %dma_wait3A_1594 : memref<1x50x64xf32, #tpu.memory_space<hbm>> -> memref<50x64xf32, #tpu.memory_space<hbm>>
      %dma_wait3A_1596 = arith.constant 0 : i32
      %dma_wait3A_1597 = arith.constant 0 : i32
      %dma_wait3A_1598 = tpu.memref_slice %arg4[%add3A_1334, %dma_wait3A_1596, %dma_wait3A_1597] : memref<16384x56x128xf32, #tpu.memory_space<hbm>> -> memref<1x50x64xf32, #tpu.memory_space<hbm>>
      %dma_wait3A_1599 = tpu.memref_squeeze %dma_wait3A_1598 : memref<1x50x64xf32, #tpu.memory_space<hbm>> -> memref<50x64xf32, #tpu.memory_space<hbm>>
      %dma_wait3A_1600 = arith.constant 0 : i32
      %dma_wait3A_1601 = arith.constant 0 : i32
      %dma_wait3A_1602 = tpu.memref_slice %arg7[%dma_wait3A_1600, %dma_wait3A_1601] : memref<800x64xf32, #tpu.memory_space<vmem>> -> memref<50x64xf32, #tpu.memory_space<vmem>>
      tpu.wait_dma2 semaphore(%arg9 : memref<!tpu.dma_semaphore, #tpu.memory_space<semaphore_mem>>) src(%dma_wait3A_1602 : memref<50x64xf32, #tpu.memory_space<vmem>>) dst(%dma_wait3A_1599 : memref<50x64xf32, #tpu.memory_space<hbm>>)
      %dma_wait3A_1603 = arith.constant 50 : i32
      %dma_wait3A_1604 = arith.constant 0 : i32
      %dma_wait3A_1605 = tpu.memref_slice %arg7[%dma_wait3A_1603, %dma_wait3A_1604] : memref<800x64xf32, #tpu.memory_space<vmem>> -> memref<50x64xf32, #tpu.memory_space<vmem>>
      %dma_wait3A_1606 = arith.constant 0 : i32
      %dma_wait3A_1607 = arith.constant 0 : i32
      %dma_wait3A_1608 = tpu.memref_slice %arg4[%add3A_1350, %dma_wait3A_1606, %dma_wait3A_1607] : memref<16384x56x128xf32, #tpu.memory_space<hbm>> -> memref<1x50x64xf32, #tpu.memory_space<hbm>>
      %dma_wait3A_1609 = tpu.memref_squeeze %dma_wait3A_1608 : memref<1x50x64xf32, #tpu.memory_space<hbm>> -> memref<50x64xf32, #tpu.memory_space<hbm>>
      %dma_wait3A_1610 = arith.constant 0 : i32
      %dma_wait3A_1611 = arith.constant 0 : i32
      %dma_wait3A_1612 = tpu.memref_slice %arg4[%add3A_1350, %dma_wait3A_1610, %dma_wait3A_1611] : memref<16384x56x128xf32, #tpu.memory_space<hbm>> -> memref<1x50x64xf32, #tpu.memory_space<hbm>>
      %dma_wait3A_1613 = tpu.memref_squeeze %dma_wait3A_1612 : memref<1x50x64xf32, #tpu.memory_space<hbm>> -> memref<50x64xf32, #tpu.memory_space<hbm>>
      %dma_wait3A_1614 = arith.constant 50 : i32
      %dma_wait3A_1615 = arith.constant 0 : i32
      %dma_wait3A_1616 = tpu.memref_slice %arg7[%dma_wait3A_1614, %dma_wait3A_1615] : memref<800x64xf32, #tpu.memory_space<vmem>> -> memref<50x64xf32, #tpu.memory_space<vmem>>
      tpu.wait_dma2 semaphore(%arg9 : memref<!tpu.dma_semaphore, #tpu.memory_space<semaphore_mem>>) src(%dma_wait3A_1616 : memref<50x64xf32, #tpu.memory_space<vmem>>) dst(%dma_wait3A_1613 : memref<50x64xf32, #tpu.memory_space<hbm>>)
      %dma_wait3A_1617 = arith.constant 100 : i32
      %dma_wait3A_1618 = arith.constant 0 : i32
      %dma_wait3A_1619 = tpu.memref_slice %arg7[%dma_wait3A_1617, %dma_wait3A_1618] : memref<800x64xf32, #tpu.memory_space<vmem>> -> memref<50x64xf32, #tpu.memory_space<vmem>>
      %dma_wait3A_1620 = arith.constant 0 : i32
      %dma_wait3A_1621 = arith.constant 0 : i32
      %dma_wait3A_1622 = tpu.memref_slice %arg4[%add3A_1366, %dma_wait3A_1620, %dma_wait3A_1621] : memref<16384x56x128xf32, #tpu.memory_space<hbm>> -> memref<1x50x64xf32, #tpu.memory_space<hbm>>
      %dma_wait3A_1623 = tpu.memref_squeeze %dma_wait3A_1622 : memref<1x50x64xf32, #tpu.memory_space<hbm>> -> memref<50x64xf32, #tpu.memory_space<hbm>>
      %dma_wait3A_1624 = arith.constant 0 : i32
      %dma_wait3A_1625 = arith.constant 0 : i32
      %dma_wait3A_1626 = tpu.memref_slice %arg4[%add3A_1366, %dma_wait3A_1624, %dma_wait3A_1625] : memref<16384x56x128xf32, #tpu.memory_space<hbm>> -> memref<1x50x64xf32, #tpu.memory_space<hbm>>
      %dma_wait3A_1627 = tpu.memref_squeeze %dma_wait3A_1626 : memref<1x50x64xf32, #tpu.memory_space<hbm>> -> memref<50x64xf32, #tpu.memory_space<hbm>>
      %dma_wait3A_1628 = arith.constant 100 : i32
      %dma_wait3A_1629 = arith.constant 0 : i32
      %dma_wait3A_1630 = tpu.memref_slice %arg7[%dma_wait3A_1628, %dma_wait3A_1629] : memref<800x64xf32, #tpu.memory_space<vmem>> -> memref<50x64xf32, #tpu.memory_space<vmem>>
      tpu.wait_dma2 semaphore(%arg9 : memref<!tpu.dma_semaphore, #tpu.memory_space<semaphore_mem>>) src(%dma_wait3A_1630 : memref<50x64xf32, #tpu.memory_space<vmem>>) dst(%dma_wait3A_1627 : memref<50x64xf32, #tpu.memory_space<hbm>>)
      %dma_wait3A_1631 = arith.constant 150 : i32
      %dma_wait3A_1632 = arith.constant 0 : i32
      %dma_wait3A_1633 = tpu.memref_slice %arg7[%dma_wait3A_1631, %dma_wait3A_1632] : memref<800x64xf32, #tpu.memory_space<vmem>> -> memref<50x64xf32, #tpu.memory_space<vmem>>
      %dma_wait3A_1634 = arith.constant 0 : i32
      %dma_wait3A_1635 = arith.constant 0 : i32
      %dma_wait3A_1636 = tpu.memref_slice %arg4[%add3A_1382, %dma_wait3A_1634, %dma_wait3A_1635] : memref<16384x56x128xf32, #tpu.memory_space<hbm>> -> memref<1x50x64xf32, #tpu.memory_space<hbm>>
      %dma_wait3A_1637 = tpu.memref_squeeze %dma_wait3A_1636 : memref<1x50x64xf32, #tpu.memory_space<hbm>> -> memref<50x64xf32, #tpu.memory_space<hbm>>
      %dma_wait3A_1638 = arith.constant 0 : i32
      %dma_wait3A_1639 = arith.constant 0 : i32
      %dma_wait3A_1640 = tpu.memref_slice %arg4[%add3A_1382, %dma_wait3A_1638, %dma_wait3A_1639] : memref<16384x56x128xf32, #tpu.memory_space<hbm>> -> memref<1x50x64xf32, #tpu.memory_space<hbm>>
      %dma_wait3A_1641 = tpu.memref_squeeze %dma_wait3A_1640 : memref<1x50x64xf32, #tpu.memory_space<hbm>> -> memref<50x64xf32, #tpu.memory_space<hbm>>
      %dma_wait3A_1642 = arith.constant 150 : i32
      %dma_wait3A_1643 = arith.constant 0 : i32
      %dma_wait3A_1644 = tpu.memref_slice %arg7[%dma_wait3A_1642, %dma_wait3A_1643] : memref<800x64xf32, #tpu.memory_space<vmem>> -> memref<50x64xf32, #tpu.memory_space<vmem>>
      tpu.wait_dma2 semaphore(%arg9 : memref<!tpu.dma_semaphore, #tpu.memory_space<semaphore_mem>>) src(%dma_wait3A_1644 : memref<50x64xf32, #tpu.memory_space<vmem>>) dst(%dma_wait3A_1641 : memref<50x64xf32, #tpu.memory_space<hbm>>)
      %dma_wait3A_1645 = arith.constant 200 : i32
      %dma_wait3A_1646 = arith.constant 0 : i32
      %dma_wait3A_1647 = tpu.memref_slice %arg7[%dma_wait3A_1645, %dma_wait3A_1646] : memref<800x64xf32, #tpu.memory_space<vmem>> -> memref<50x64xf32, #tpu.memory_space<vmem>>
      %dma_wait3A_1648 = arith.constant 0 : i32
      %dma_wait3A_1649 = arith.constant 0 : i32
      %dma_wait3A_1650 = tpu.memref_slice %arg4[%add3A_1398, %dma_wait3A_1648, %dma_wait3A_1649] : memref<16384x56x128xf32, #tpu.memory_space<hbm>> -> memref<1x50x64xf32, #tpu.memory_space<hbm>>
      %dma_wait3A_1651 = tpu.memref_squeeze %dma_wait3A_1650 : memref<1x50x64xf32, #tpu.memory_space<hbm>> -> memref<50x64xf32, #tpu.memory_space<hbm>>
      %dma_wait3A_1652 = arith.constant 0 : i32
      %dma_wait3A_1653 = arith.constant 0 : i32
      %dma_wait3A_1654 = tpu.memref_slice %arg4[%add3A_1398, %dma_wait3A_1652, %dma_wait3A_1653] : memref<16384x56x128xf32, #tpu.memory_space<hbm>> -> memref<1x50x64xf32, #tpu.memory_space<hbm>>
      %dma_wait3A_1655 = tpu.memref_squeeze %dma_wait3A_1654 : memref<1x50x64xf32, #tpu.memory_space<hbm>> -> memref<50x64xf32, #tpu.memory_space<hbm>>
      %dma_wait3A_1656 = arith.constant 200 : i32
      %dma_wait3A_1657 = arith.constant 0 : i32
      %dma_wait3A_1658 = tpu.memref_slice %arg7[%dma_wait3A_1656, %dma_wait3A_1657] : memref<800x64xf32, #tpu.memory_space<vmem>> -> memref<50x64xf32, #tpu.memory_space<vmem>>
      tpu.wait_dma2 semaphore(%arg9 : memref<!tpu.dma_semaphore, #tpu.memory_space<semaphore_mem>>) src(%dma_wait3A_1658 : memref<50x64xf32, #tpu.memory_space<vmem>>) dst(%dma_wait3A_1655 : memref<50x64xf32, #tpu.memory_space<hbm>>)
      %dma_wait3A_1659 = arith.constant 250 : i32
      %dma_wait3A_1660 = arith.constant 0 : i32
      %dma_wait3A_1661 = tpu.memref_slice %arg7[%dma_wait3A_1659, %dma_wait3A_1660] : memref<800x64xf32, #tpu.memory_space<vmem>> -> memref<50x64xf32, #tpu.memory_space<vmem>>
      %dma_wait3A_1662 = arith.constant 0 : i32
      %dma_wait3A_1663 = arith.constant 0 : i32
      %dma_wait3A_1664 = tpu.memref_slice %arg4[%add3A_1414, %dma_wait3A_1662, %dma_wait3A_1663] : memref<16384x56x128xf32, #tpu.memory_space<hbm>> -> memref<1x50x64xf32, #tpu.memory_space<hbm>>
      %dma_wait3A_1665 = tpu.memref_squeeze %dma_wait3A_1664 : memref<1x50x64xf32, #tpu.memory_space<hbm>> -> memref<50x64xf32, #tpu.memory_space<hbm>>
      %dma_wait3A_1666 = arith.constant 0 : i32
      %dma_wait3A_1667 = arith.constant 0 : i32
      %dma_wait3A_1668 = tpu.memref_slice %arg4[%add3A_1414, %dma_wait3A_1666, %dma_wait3A_1667] : memref<16384x56x128xf32, #tpu.memory_space<hbm>> -> memref<1x50x64xf32, #tpu.memory_space<hbm>>
      %dma_wait3A_1669 = tpu.memref_squeeze %dma_wait3A_1668 : memref<1x50x64xf32, #tpu.memory_space<hbm>> -> memref<50x64xf32, #tpu.memory_space<hbm>>
      %dma_wait3A_1670 = arith.constant 250 : i32
      %dma_wait3A_1671 = arith.constant 0 : i32
      %dma_wait3A_1672 = tpu.memref_slice %arg7[%dma_wait3A_1670, %dma_wait3A_1671] : memref<800x64xf32, #tpu.memory_space<vmem>> -> memref<50x64xf32, #tpu.memory_space<vmem>>
      tpu.wait_dma2 semaphore(%arg9 : memref<!tpu.dma_semaphore, #tpu.memory_space<semaphore_mem>>) src(%dma_wait3A_1672 : memref<50x64xf32, #tpu.memory_space<vmem>>) dst(%dma_wait3A_1669 : memref<50x64xf32, #tpu.memory_space<hbm>>)
      %dma_wait3A_1673 = arith.constant 300 : i32
      %dma_wait3A_1674 = arith.constant 0 : i32
      %dma_wait3A_1675 = tpu.memref_slice %arg7[%dma_wait3A_1673, %dma_wait3A_1674] : memref<800x64xf32, #tpu.memory_space<vmem>> -> memref<50x64xf32, #tpu.memory_space<vmem>>
      %dma_wait3A_1676 = arith.constant 0 : i32
      %dma_wait3A_1677 = arith.constant 0 : i32
      %dma_wait3A_1678 = tpu.memref_slice %arg4[%add3A_1430, %dma_wait3A_1676, %dma_wait3A_1677] : memref<16384x56x128xf32, #tpu.memory_space<hbm>> -> memref<1x50x64xf32, #tpu.memory_space<hbm>>
      %dma_wait3A_1679 = tpu.memref_squeeze %dma_wait3A_1678 : memref<1x50x64xf32, #tpu.memory_space<hbm>> -> memref<50x64xf32, #tpu.memory_space<hbm>>
      %dma_wait3A_1680 = arith.constant 0 : i32
      %dma_wait3A_1681 = arith.constant 0 : i32
      %dma_wait3A_1682 = tpu.memref_slice %arg4[%add3A_1430, %dma_wait3A_1680, %dma_wait3A_1681] : memref<16384x56x128xf32, #tpu.memory_space<hbm>> -> memref<1x50x64xf32, #tpu.memory_space<hbm>>
      %dma_wait3A_1683 = tpu.memref_squeeze %dma_wait3A_1682 : memref<1x50x64xf32, #tpu.memory_space<hbm>> -> memref<50x64xf32, #tpu.memory_space<hbm>>
      %dma_wait3A_1684 = arith.constant 300 : i32
      %dma_wait3A_1685 = arith.constant 0 : i32
      %dma_wait3A_1686 = tpu.memref_slice %arg7[%dma_wait3A_1684, %dma_wait3A_1685] : memref<800x64xf32, #tpu.memory_space<vmem>> -> memref<50x64xf32, #tpu.memory_space<vmem>>
      tpu.wait_dma2 semaphore(%arg9 : memref<!tpu.dma_semaphore, #tpu.memory_space<semaphore_mem>>) src(%dma_wait3A_1686 : memref<50x64xf32, #tpu.memory_space<vmem>>) dst(%dma_wait3A_1683 : memref<50x64xf32, #tpu.memory_space<hbm>>)
      %dma_wait3A_1687 = arith.constant 350 : i32
      %dma_wait3A_1688 = arith.constant 0 : i32
      %dma_wait3A_1689 = tpu.memref_slice %arg7[%dma_wait3A_1687, %dma_wait3A_1688] : memref<800x64xf32, #tpu.memory_space<vmem>> -> memref<50x64xf32, #tpu.memory_space<vmem>>
      %dma_wait3A_1690 = arith.constant 0 : i32
      %dma_wait3A_1691 = arith.constant 0 : i32
      %dma_wait3A_1692 = tpu.memref_slice %arg4[%add3A_1446, %dma_wait3A_1690, %dma_wait3A_1691] : memref<16384x56x128xf32, #tpu.memory_space<hbm>> -> memref<1x50x64xf32, #tpu.memory_space<hbm>>
      %dma_wait3A_1693 = tpu.memref_squeeze %dma_wait3A_1692 : memref<1x50x64xf32, #tpu.memory_space<hbm>> -> memref<50x64xf32, #tpu.memory_space<hbm>>
      %dma_wait3A_1694 = arith.constant 0 : i32
      %dma_wait3A_1695 = arith.constant 0 : i32
      %dma_wait3A_1696 = tpu.memref_slice %arg4[%add3A_1446, %dma_wait3A_1694, %dma_wait3A_1695] : memref<16384x56x128xf32, #tpu.memory_space<hbm>> -> memref<1x50x64xf32, #tpu.memory_space<hbm>>
      %dma_wait3A_1697 = tpu.memref_squeeze %dma_wait3A_1696 : memref<1x50x64xf32, #tpu.memory_space<hbm>> -> memref<50x64xf32, #tpu.memory_space<hbm>>
      %dma_wait3A_1698 = arith.constant 350 : i32
      %dma_wait3A_1699 = arith.constant 0 : i32
      %dma_wait3A_1700 = tpu.memref_slice %arg7[%dma_wait3A_1698, %dma_wait3A_1699] : memref<800x64xf32, #tpu.memory_space<vmem>> -> memref<50x64xf32, #tpu.memory_space<vmem>>
      tpu.wait_dma2 semaphore(%arg9 : memref<!tpu.dma_semaphore, #tpu.memory_space<semaphore_mem>>) src(%dma_wait3A_1700 : memref<50x64xf32, #tpu.memory_space<vmem>>) dst(%dma_wait3A_1697 : memref<50x64xf32, #tpu.memory_space<hbm>>)
      %dma_wait3A_1701 = arith.constant 400 : i32
      %dma_wait3A_1702 = arith.constant 0 : i32
      %dma_wait3A_1703 = tpu.memref_slice %arg7[%dma_wait3A_1701, %dma_wait3A_1702] : memref<800x64xf32, #tpu.memory_space<vmem>> -> memref<50x64xf32, #tpu.memory_space<vmem>>
      %dma_wait3A_1704 = arith.constant 0 : i32
      %dma_wait3A_1705 = arith.constant 0 : i32
      %dma_wait3A_1706 = tpu.memref_slice %arg4[%add3A_1462, %dma_wait3A_1704, %dma_wait3A_1705] : memref<16384x56x128xf32, #tpu.memory_space<hbm>> -> memref<1x50x64xf32, #tpu.memory_space<hbm>>
      %dma_wait3A_1707 = tpu.memref_squeeze %dma_wait3A_1706 : memref<1x50x64xf32, #tpu.memory_space<hbm>> -> memref<50x64xf32, #tpu.memory_space<hbm>>
      %dma_wait3A_1708 = arith.constant 0 : i32
      %dma_wait3A_1709 = arith.constant 0 : i32
      %dma_wait3A_1710 = tpu.memref_slice %arg4[%add3A_1462, %dma_wait3A_1708, %dma_wait3A_1709] : memref<16384x56x128xf32, #tpu.memory_space<hbm>> -> memref<1x50x64xf32, #tpu.memory_space<hbm>>
      %dma_wait3A_1711 = tpu.memref_squeeze %dma_wait3A_1710 : memref<1x50x64xf32, #tpu.memory_space<hbm>> -> memref<50x64xf32, #tpu.memory_space<hbm>>
      %dma_wait3A_1712 = arith.constant 400 : i32
      %dma_wait3A_1713 = arith.constant 0 : i32
      %dma_wait3A_1714 = tpu.memref_slice %arg7[%dma_wait3A_1712, %dma_wait3A_1713] : memref<800x64xf32, #tpu.memory_space<vmem>> -> memref<50x64xf32, #tpu.memory_space<vmem>>
      tpu.wait_dma2 semaphore(%arg9 : memref<!tpu.dma_semaphore, #tpu.memory_space<semaphore_mem>>) src(%dma_wait3A_1714 : memref<50x64xf32, #tpu.memory_space<vmem>>) dst(%dma_wait3A_1711 : memref<50x64xf32, #tpu.memory_space<hbm>>)
      %dma_wait3A_1715 = arith.constant 450 : i32
      %dma_wait3A_1716 = arith.constant 0 : i32
      %dma_wait3A_1717 = tpu.memref_slice %arg7[%dma_wait3A_1715, %dma_wait3A_1716] : memref<800x64xf32, #tpu.memory_space<vmem>> -> memref<50x64xf32, #tpu.memory_space<vmem>>
      %dma_wait3A_1718 = arith.constant 0 : i32
      %dma_wait3A_1719 = arith.constant 0 : i32
      %dma_wait3A_1720 = tpu.memref_slice %arg4[%add3A_1478, %dma_wait3A_1718, %dma_wait3A_1719] : memref<16384x56x128xf32, #tpu.memory_space<hbm>> -> memref<1x50x64xf32, #tpu.memory_space<hbm>>
      %dma_wait3A_1721 = tpu.memref_squeeze %dma_wait3A_1720 : memref<1x50x64xf32, #tpu.memory_space<hbm>> -> memref<50x64xf32, #tpu.memory_space<hbm>>
      %dma_wait3A_1722 = arith.constant 0 : i32
      %dma_wait3A_1723 = arith.constant 0 : i32
      %dma_wait3A_1724 = tpu.memref_slice %arg4[%add3A_1478, %dma_wait3A_1722, %dma_wait3A_1723] : memref<16384x56x128xf32, #tpu.memory_space<hbm>> -> memref<1x50x64xf32, #tpu.memory_space<hbm>>
      %dma_wait3A_1725 = tpu.memref_squeeze %dma_wait3A_1724 : memref<1x50x64xf32, #tpu.memory_space<hbm>> -> memref<50x64xf32, #tpu.memory_space<hbm>>
      %dma_wait3A_1726 = arith.constant 450 : i32
      %dma_wait3A_1727 = arith.constant 0 : i32
      %dma_wait3A_1728 = tpu.memref_slice %arg7[%dma_wait3A_1726, %dma_wait3A_1727] : memref<800x64xf32, #tpu.memory_space<vmem>> -> memref<50x64xf32, #tpu.memory_space<vmem>>
      tpu.wait_dma2 semaphore(%arg9 : memref<!tpu.dma_semaphore, #tpu.memory_space<semaphore_mem>>) src(%dma_wait3A_1728 : memref<50x64xf32, #tpu.memory_space<vmem>>) dst(%dma_wait3A_1725 : memref<50x64xf32, #tpu.memory_space<hbm>>)
      %dma_wait3A_1729 = arith.constant 500 : i32
      %dma_wait3A_1730 = arith.constant 0 : i32
      %dma_wait3A_1731 = tpu.memref_slice %arg7[%dma_wait3A_1729, %dma_wait3A_1730] : memref<800x64xf32, #tpu.memory_space<vmem>> -> memref<50x64xf32, #tpu.memory_space<vmem>>
      %dma_wait3A_1732 = arith.constant 0 : i32
      %dma_wait3A_1733 = arith.constant 0 : i32
      %dma_wait3A_1734 = tpu.memref_slice %arg4[%add3A_1494, %dma_wait3A_1732, %dma_wait3A_1733] : memref<16384x56x128xf32, #tpu.memory_space<hbm>> -> memref<1x50x64xf32, #tpu.memory_space<hbm>>
      %dma_wait3A_1735 = tpu.memref_squeeze %dma_wait3A_1734 : memref<1x50x64xf32, #tpu.memory_space<hbm>> -> memref<50x64xf32, #tpu.memory_space<hbm>>
      %dma_wait3A_1736 = arith.constant 0 : i32
      %dma_wait3A_1737 = arith.constant 0 : i32
      %dma_wait3A_1738 = tpu.memref_slice %arg4[%add3A_1494, %dma_wait3A_1736, %dma_wait3A_1737] : memref<16384x56x128xf32, #tpu.memory_space<hbm>> -> memref<1x50x64xf32, #tpu.memory_space<hbm>>
      %dma_wait3A_1739 = tpu.memref_squeeze %dma_wait3A_1738 : memref<1x50x64xf32, #tpu.memory_space<hbm>> -> memref<50x64xf32, #tpu.memory_space<hbm>>
      %dma_wait3A_1740 = arith.constant 500 : i32
      %dma_wait3A_1741 = arith.constant 0 : i32
      %dma_wait3A_1742 = tpu.memref_slice %arg7[%dma_wait3A_1740, %dma_wait3A_1741] : memref<800x64xf32, #tpu.memory_space<vmem>> -> memref<50x64xf32, #tpu.memory_space<vmem>>
      tpu.wait_dma2 semaphore(%arg9 : memref<!tpu.dma_semaphore, #tpu.memory_space<semaphore_mem>>) src(%dma_wait3A_1742 : memref<50x64xf32, #tpu.memory_space<vmem>>) dst(%dma_wait3A_1739 : memref<50x64xf32, #tpu.memory_space<hbm>>)
      %dma_wait3A_1743 = arith.constant 550 : i32
      %dma_wait3A_1744 = arith.constant 0 : i32
      %dma_wait3A_1745 = tpu.memref_slice %arg7[%dma_wait3A_1743, %dma_wait3A_1744] : memref<800x64xf32, #tpu.memory_space<vmem>> -> memref<50x64xf32, #tpu.memory_space<vmem>>
      %dma_wait3A_1746 = arith.constant 0 : i32
      %dma_wait3A_1747 = arith.constant 0 : i32
      %dma_wait3A_1748 = tpu.memref_slice %arg4[%add3A_1510, %dma_wait3A_1746, %dma_wait3A_1747] : memref<16384x56x128xf32, #tpu.memory_space<hbm>> -> memref<1x50x64xf32, #tpu.memory_space<hbm>>
      %dma_wait3A_1749 = tpu.memref_squeeze %dma_wait3A_1748 : memref<1x50x64xf32, #tpu.memory_space<hbm>> -> memref<50x64xf32, #tpu.memory_space<hbm>>
      %dma_wait3A_1750 = arith.constant 0 : i32
      %dma_wait3A_1751 = arith.constant 0 : i32
      %dma_wait3A_1752 = tpu.memref_slice %arg4[%add3A_1510, %dma_wait3A_1750, %dma_wait3A_1751] : memref<16384x56x128xf32, #tpu.memory_space<hbm>> -> memref<1x50x64xf32, #tpu.memory_space<hbm>>
      %dma_wait3A_1753 = tpu.memref_squeeze %dma_wait3A_1752 : memref<1x50x64xf32, #tpu.memory_space<hbm>> -> memref<50x64xf32, #tpu.memory_space<hbm>>
      %dma_wait3A_1754 = arith.constant 550 : i32
      %dma_wait3A_1755 = arith.constant 0 : i32
      %dma_wait3A_1756 = tpu.memref_slice %arg7[%dma_wait3A_1754, %dma_wait3A_1755] : memref<800x64xf32, #tpu.memory_space<vmem>> -> memref<50x64xf32, #tpu.memory_space<vmem>>
      tpu.wait_dma2 semaphore(%arg9 : memref<!tpu.dma_semaphore, #tpu.memory_space<semaphore_mem>>) src(%dma_wait3A_1756 : memref<50x64xf32, #tpu.memory_space<vmem>>) dst(%dma_wait3A_1753 : memref<50x64xf32, #tpu.memory_space<hbm>>)
      %dma_wait3A_1757 = arith.constant 600 : i32
      %dma_wait3A_1758 = arith.constant 0 : i32
      %dma_wait3A_1759 = tpu.memref_slice %arg7[%dma_wait3A_1757, %dma_wait3A_1758] : memref<800x64xf32, #tpu.memory_space<vmem>> -> memref<50x64xf32, #tpu.memory_space<vmem>>
      %dma_wait3A_1760 = arith.constant 0 : i32
      %dma_wait3A_1761 = arith.constant 0 : i32
      %dma_wait3A_1762 = tpu.memref_slice %arg4[%add3A_1526, %dma_wait3A_1760, %dma_wait3A_1761] : memref<16384x56x128xf32, #tpu.memory_space<hbm>> -> memref<1x50x64xf32, #tpu.memory_space<hbm>>
      %dma_wait3A_1763 = tpu.memref_squeeze %dma_wait3A_1762 : memref<1x50x64xf32, #tpu.memory_space<hbm>> -> memref<50x64xf32, #tpu.memory_space<hbm>>
      %dma_wait3A_1764 = arith.constant 0 : i32
      %dma_wait3A_1765 = arith.constant 0 : i32
      %dma_wait3A_1766 = tpu.memref_slice %arg4[%add3A_1526, %dma_wait3A_1764, %dma_wait3A_1765] : memref<16384x56x128xf32, #tpu.memory_space<hbm>> -> memref<1x50x64xf32, #tpu.memory_space<hbm>>
      %dma_wait3A_1767 = tpu.memref_squeeze %dma_wait3A_1766 : memref<1x50x64xf32, #tpu.memory_space<hbm>> -> memref<50x64xf32, #tpu.memory_space<hbm>>
      %dma_wait3A_1768 = arith.constant 600 : i32
      %dma_wait3A_1769 = arith.constant 0 : i32
      %dma_wait3A_1770 = tpu.memref_slice %arg7[%dma_wait3A_1768, %dma_wait3A_1769] : memref<800x64xf32, #tpu.memory_space<vmem>> -> memref<50x64xf32, #tpu.memory_space<vmem>>
      tpu.wait_dma2 semaphore(%arg9 : memref<!tpu.dma_semaphore, #tpu.memory_space<semaphore_mem>>) src(%dma_wait3A_1770 : memref<50x64xf32, #tpu.memory_space<vmem>>) dst(%dma_wait3A_1767 : memref<50x64xf32, #tpu.memory_space<hbm>>)
      %dma_wait3A_1771 = arith.constant 650 : i32
      %dma_wait3A_1772 = arith.constant 0 : i32
      %dma_wait3A_1773 = tpu.memref_slice %arg7[%dma_wait3A_1771, %dma_wait3A_1772] : memref<800x64xf32, #tpu.memory_space<vmem>> -> memref<50x64xf32, #tpu.memory_space<vmem>>
      %dma_wait3A_1774 = arith.constant 0 : i32
      %dma_wait3A_1775 = arith.constant 0 : i32
      %dma_wait3A_1776 = tpu.memref_slice %arg4[%add3A_1542, %dma_wait3A_1774, %dma_wait3A_1775] : memref<16384x56x128xf32, #tpu.memory_space<hbm>> -> memref<1x50x64xf32, #tpu.memory_space<hbm>>
      %dma_wait3A_1777 = tpu.memref_squeeze %dma_wait3A_1776 : memref<1x50x64xf32, #tpu.memory_space<hbm>> -> memref<50x64xf32, #tpu.memory_space<hbm>>
      %dma_wait3A_1778 = arith.constant 0 : i32
      %dma_wait3A_1779 = arith.constant 0 : i32
      %dma_wait3A_1780 = tpu.memref_slice %arg4[%add3A_1542, %dma_wait3A_1778, %dma_wait3A_1779] : memref<16384x56x128xf32, #tpu.memory_space<hbm>> -> memref<1x50x64xf32, #tpu.memory_space<hbm>>
      %dma_wait3A_1781 = tpu.memref_squeeze %dma_wait3A_1780 : memref<1x50x64xf32, #tpu.memory_space<hbm>> -> memref<50x64xf32, #tpu.memory_space<hbm>>
      %dma_wait3A_1782 = arith.constant 650 : i32
      %dma_wait3A_1783 = arith.constant 0 : i32
      %dma_wait3A_1784 = tpu.memref_slice %arg7[%dma_wait3A_1782, %dma_wait3A_1783] : memref<800x64xf32, #tpu.memory_space<vmem>> -> memref<50x64xf32, #tpu.memory_space<vmem>>
      tpu.wait_dma2 semaphore(%arg9 : memref<!tpu.dma_semaphore, #tpu.memory_space<semaphore_mem>>) src(%dma_wait3A_1784 : memref<50x64xf32, #tpu.memory_space<vmem>>) dst(%dma_wait3A_1781 : memref<50x64xf32, #tpu.memory_space<hbm>>)
      %dma_wait3A_1785 = arith.constant 700 : i32
      %dma_wait3A_1786 = arith.constant 0 : i32
      %dma_wait3A_1787 = tpu.memref_slice %arg7[%dma_wait3A_1785, %dma_wait3A_1786] : memref<800x64xf32, #tpu.memory_space<vmem>> -> memref<50x64xf32, #tpu.memory_space<vmem>>
      %dma_wait3A_1788 = arith.constant 0 : i32
      %dma_wait3A_1789 = arith.constant 0 : i32
      %dma_wait3A_1790 = tpu.memref_slice %arg4[%add3A_1558, %dma_wait3A_1788, %dma_wait3A_1789] : memref<16384x56x128xf32, #tpu.memory_space<hbm>> -> memref<1x50x64xf32, #tpu.memory_space<hbm>>
      %dma_wait3A_1791 = tpu.memref_squeeze %dma_wait3A_1790 : memref<1x50x64xf32, #tpu.memory_space<hbm>> -> memref<50x64xf32, #tpu.memory_space<hbm>>
      %dma_wait3A_1792 = arith.constant 0 : i32
      %dma_wait3A_1793 = arith.constant 0 : i32
      %dma_wait3A_1794 = tpu.memref_slice %arg4[%add3A_1558, %dma_wait3A_1792, %dma_wait3A_1793] : memref<16384x56x128xf32, #tpu.memory_space<hbm>> -> memref<1x50x64xf32, #tpu.memory_space<hbm>>
      %dma_wait3A_1795 = tpu.memref_squeeze %dma_wait3A_1794 : memref<1x50x64xf32, #tpu.memory_space<hbm>> -> memref<50x64xf32, #tpu.memory_space<hbm>>
      %dma_wait3A_1796 = arith.constant 700 : i32
      %dma_wait3A_1797 = arith.constant 0 : i32
      %dma_wait3A_1798 = tpu.memref_slice %arg7[%dma_wait3A_1796, %dma_wait3A_1797] : memref<800x64xf32, #tpu.memory_space<vmem>> -> memref<50x64xf32, #tpu.memory_space<vmem>>
      tpu.wait_dma2 semaphore(%arg9 : memref<!tpu.dma_semaphore, #tpu.memory_space<semaphore_mem>>) src(%dma_wait3A_1798 : memref<50x64xf32, #tpu.memory_space<vmem>>) dst(%dma_wait3A_1795 : memref<50x64xf32, #tpu.memory_space<hbm>>)
      %dma_wait3A_1799 = arith.constant 750 : i32
      %dma_wait3A_1800 = arith.constant 0 : i32
      %dma_wait3A_1801 = tpu.memref_slice %arg7[%dma_wait3A_1799, %dma_wait3A_1800] : memref<800x64xf32, #tpu.memory_space<vmem>> -> memref<50x64xf32, #tpu.memory_space<vmem>>
      %dma_wait3A_1802 = arith.constant 0 : i32
      %dma_wait3A_1803 = arith.constant 0 : i32
      %dma_wait3A_1804 = tpu.memref_slice %arg4[%add3A_1574, %dma_wait3A_1802, %dma_wait3A_1803] : memref<16384x56x128xf32, #tpu.memory_space<hbm>> -> memref<1x50x64xf32, #tpu.memory_space<hbm>>
      %dma_wait3A_1805 = tpu.memref_squeeze %dma_wait3A_1804 : memref<1x50x64xf32, #tpu.memory_space<hbm>> -> memref<50x64xf32, #tpu.memory_space<hbm>>
      %dma_wait3A_1806 = arith.constant 0 : i32
      %dma_wait3A_1807 = arith.constant 0 : i32
      %dma_wait3A_1808 = tpu.memref_slice %arg4[%add3A_1574, %dma_wait3A_1806, %dma_wait3A_1807] : memref<16384x56x128xf32, #tpu.memory_space<hbm>> -> memref<1x50x64xf32, #tpu.memory_space<hbm>>
      %dma_wait3A_1809 = tpu.memref_squeeze %dma_wait3A_1808 : memref<1x50x64xf32, #tpu.memory_space<hbm>> -> memref<50x64xf32, #tpu.memory_space<hbm>>
      %dma_wait3A_1810 = arith.constant 750 : i32
      %dma_wait3A_1811 = arith.constant 0 : i32
      %dma_wait3A_1812 = tpu.memref_slice %arg7[%dma_wait3A_1810, %dma_wait3A_1811] : memref<800x64xf32, #tpu.memory_space<vmem>> -> memref<50x64xf32, #tpu.memory_space<vmem>>
      tpu.wait_dma2 semaphore(%arg9 : memref<!tpu.dma_semaphore, #tpu.memory_space<semaphore_mem>>) src(%dma_wait3A_1812 : memref<50x64xf32, #tpu.memory_space<vmem>>) dst(%dma_wait3A_1809 : memref<50x64xf32, #tpu.memory_space<hbm>>)
    }
    %scan3A_7 = arith.constant 32 : i32
    return
  }
}

module attributes {stable_mosaic.version = 14 : i64} {
  func.func @_table_mlp_body(%arg0: i32, %arg1: memref<64x4096xf32, #tpu.memory_space<vmem>>, %arg2: memref<64x64xf32, #tpu.memory_space<vmem>>, %arg3: memref<1x64xf32, #tpu.memory_space<vmem>>, %arg4: memref<64x64xf32, #tpu.memory_space<vmem>>, %arg5: memref<1x64xf32, #tpu.memory_space<vmem>>, %arg6: memref<2048x128xf32, #tpu.memory_space<vmem>>) attributes {dimension_semantics = [#tpu.dimension_semantics<arbitrary>], iteration_bounds = array<i64: 245>, scalar_prefetch = 0 : i64, scratch_operands = 0 : i64, tpu.core_type = #tpu.core_type<tc>, window_params = [{transform_indices = @transform_0, window_bounds = array<i64: 64, 4096>}, {pipeline_mode = #tpu.pipeline_mode<synchronous>, transform_indices = @transform_1, window_bounds = array<i64: 64, 64>}, {pipeline_mode = #tpu.pipeline_mode<synchronous>, transform_indices = @transform_2, window_bounds = array<i64: 1, 64>}, {pipeline_mode = #tpu.pipeline_mode<synchronous>, transform_indices = @transform_3, window_bounds = array<i64: 64, 64>}, {pipeline_mode = #tpu.pipeline_mode<synchronous>, transform_indices = @transform_4, window_bounds = array<i64: 1, 64>}, {transform_indices = @transform_5, window_bounds = array<i64: 2048, 128>}]} {
    %get3A = arith.constant 0 : index
    %get3A_0 = arith.constant 0 : index
    %get3A_1 = vector.load %arg1[%get3A, %get3A_0] : memref<64x4096xf32, #tpu.memory_space<vmem>>, vector<64x4096xf32>
    %get3A_2 = arith.constant 0 : index
    %get3A_3 = arith.constant 0 : index
    %get3A_4 = vector.load %arg2[%get3A_2, %get3A_3] : memref<64x64xf32, #tpu.memory_space<vmem>>, vector<64x64xf32>
    %dot_general3A = arith.constant dense<0.000000e+00> : vector<4096x64xf32>
    %dot_general3A_5 = tpu.matmul %get3A_1, %get3A_4, %dot_general3A {dimension_numbers = #tpu.dot_dimension_numbers<[0], [1], [1], [0], [0, 1, 1, 0], [], []>, transpose_lhs_hint = false} : vector<64x4096xf32>, vector<64x64xf32>, vector<4096x64xf32> -> vector<4096x64xf32>
    %get3A_6 = arith.constant 0 : index
    %get3A_7 = arith.constant 0 : index
    %get3A_8 = vector.load %arg3[%get3A_6, %get3A_7] : memref<1x64xf32, #tpu.memory_space<vmem>>, vector<1x64xf32>
    %add3A = vector.broadcast %get3A_8 : vector<1x64xf32> to vector<4096x64xf32>
    %add3A_9 = arith.addf %dot_general3A_5, %add3A : vector<4096x64xf32>
    %max3A = arith.constant 0.000000e+00 : f32
    %max3A_10 = vector.broadcast %max3A : f32 to vector<4096x64xf32>
    %max3A_11 = arith.maximumf %add3A_9, %max3A_10 : vector<4096x64xf32>
    %get3A_12 = arith.constant 0 : index
    %get3A_13 = arith.constant 0 : index
    %get3A_14 = vector.load %arg4[%get3A_12, %get3A_13] : memref<64x64xf32, #tpu.memory_space<vmem>>, vector<64x64xf32>
    %dot_general3A_15 = arith.constant dense<0.000000e+00> : vector<4096x64xf32>
    %dot_general3A_16 = tpu.matmul %max3A_11, %get3A_14, %dot_general3A_15 {dimension_numbers = #tpu.dot_dimension_numbers<[1], [1], [0], [0], [0, 0, 1, 0], [], []>, transpose_lhs_hint = false} : vector<4096x64xf32>, vector<64x64xf32>, vector<4096x64xf32> -> vector<4096x64xf32>
    %get3A_17 = arith.constant 0 : index
    %get3A_18 = arith.constant 0 : index
    %get3A_19 = vector.load %arg5[%get3A_17, %get3A_18] : memref<1x64xf32, #tpu.memory_space<vmem>>, vector<1x64xf32>
    %add3A_20 = vector.broadcast %get3A_19 : vector<1x64xf32> to vector<4096x64xf32>
    %add3A_21 = arith.addf %dot_general3A_16, %add3A_20 : vector<4096x64xf32>
    %slice3A = vector.extract_strided_slice %add3A_21 {offsets = [0, 0], sizes = [2048, 64], strides = [1, 1]} : vector<4096x64xf32> to vector<2048x64xf32>
    %slice3A_22 = vector.extract_strided_slice %add3A_21 {offsets = [2048, 0], sizes = [2048, 64], strides = [1, 1]} : vector<4096x64xf32> to vector<2048x64xf32>
    %concatenate3A = tpu.concatenate %slice3A, %slice3A_22 in 1 : vector<2048x64xf32>, vector<2048x64xf32> -> vector<2048x128xf32>
    %swap3A = arith.constant 0 : index
    %swap3A_23 = arith.constant 0 : index
    %swap3A_24 = vector.load %arg6[%swap3A, %swap3A_23] : memref<2048x128xf32, #tpu.memory_space<vmem>>, vector<2048x128xf32>
    tpu.vector_store %arg6[%swap3A, %swap3A_23], %concatenate3A {strides = array<i32>} : memref<2048x128xf32, #tpu.memory_space<vmem>>, vector<2048x128xf32>,
    return
  }
  func.func @transform_0(%arg0: i32) -> (i32, i32) {
    %c0_i32 = arith.constant 0 : i32
    %c0_i32_0 = arith.constant 0 : i32
    return %c0_i32, %arg0 : i32, i32
  }
  func.func @transform_1(%arg0: i32) -> (i32, i32) {
    %c0_i32 = arith.constant 0 : i32
    %c0_i32_0 = arith.constant 0 : i32
    %c0_i32_1 = arith.constant 0 : i32
    return %c0_i32, %c0_i32_0 : i32, i32
  }
  func.func @transform_2(%arg0: i32) -> (i32, i32) {
    %c0_i32 = arith.constant 0 : i32
    %c0_i32_0 = arith.constant 0 : i32
    %c0_i32_1 = arith.constant 0 : i32
    return %c0_i32, %c0_i32_0 : i32, i32
  }
  func.func @transform_3(%arg0: i32) -> (i32, i32) {
    %c0_i32 = arith.constant 0 : i32
    %c0_i32_0 = arith.constant 0 : i32
    %c0_i32_1 = arith.constant 0 : i32
    return %c0_i32, %c0_i32_0 : i32, i32
  }
  func.func @transform_4(%arg0: i32) -> (i32, i32) {
    %c0_i32 = arith.constant 0 : i32
    %c0_i32_0 = arith.constant 0 : i32
    %c0_i32_1 = arith.constant 0 : i32
    return %c0_i32, %c0_i32_0 : i32, i32
  }
  func.func @transform_5(%arg0: i32) -> (i32, i32) {
    %c0_i32 = arith.constant 0 : i32
    %c0_i32_0 = arith.constant 0 : i32
    return %arg0, %c0_i32 : i32, i32
  }
}

</mosaic_0001>

<sc_bundles>
// kernel: kernel.4.cloned.1.call-start
scs
__scs_entry_jumppad:
0x0: {  	(pc) =	sbr.rel $0x88, $3  }
0x1: {  	(tag) =	ssettag $0x0;
	lr =	simm.s32 $0x1  }
0x2: {  	[smem:$0x3F9B] =	sst lr;
	_ =	strace $0xD0000000  }
0x3: {  	_ = 	snop  }
0x4: {  	_ = 	snop  }
0x5: {  	_ = 	snop  }
0x6: {  	_ = 	snop  }
0x7: {  	_ = 	snop  }
__scs_overlays_trampoline_lowered:
0x8: {  	[smem:$0x3FAA] =	sst s0  }
0x9: {  	[smem:$0x3FAB] =	sst s1  }
0xa: {  	[smem:$0x3FAC] =	sst s2  }
0xb: {  	[smem:$0x3FAD] =	sst s3  }
0xc: {  	[smem:$0x3FAE] =	sst s4  }
0xd: {  	[smem:$0x3FAF] =	sst s5  }
0xe: {  	[smem:$0x3FB0] =	sst s6  }
0xf: {  	[smem:$0x3FB1] =	sst s7  }
0x10: {  	[smem:$0x3FB2] =	sst s8  }
0x11: {  	[smem:$0x3FB3] =	sst s9;
	s0 =	simm.s32 @!p0 $0x0  }
0x12: {  	s1 =	sld [smem:$0x3F99];
	s0 =	simm.s32 @p0 $0x1  }
0x13: {  	[smem:$0x3FB4] =	sst s0;
	s0 =	simm.s32 @!p1 $0x0  }
0x14: {  	s2 =	sld [smem:$0x3F98];
	s0 =	simm.s32 @p1 $0x1  }
0x15: {  	[smem:$0x3FB5] =	sst s0;
	s0 =	simm.s32 @!p2 $0x0  }
0x16: {  	s3 =	sld [smem:$0x3FDB];
	s0 =	simm.s32 @p2 $0x1  }
0x17: {  	s4 =	simm.s32 $0x1BF5;
	[smem:$0x3FB7] =	sst s0  }
0x18: {  	s0 =	sld [smem:$0x3F9A];
	_ =	swait.ge [sflag:s4], $0x0  }
0x19: {  	s7 =	sld [smem:$0x3F9B]  }
0x1a: {  	s8 =	sadd.s32 $0xFFFFE003, lr  }
0x1b: {  	s9 =	sadd.s32 $0xFFFFFEF7, lr;
	s5 =	simm.s32 $0xFFFFFFFF;
	p2 =	slt.u32 s8, $0xFFFFF086  }
0x1c: {  	p1 =	slt.u32 s9, $0xF7A;
	s5 =	simm.s32 @!p2 $0x0  }
0x1d: {  	s5 =	simm.s32 @p1 $0x1;
	p0 =	seq.s32 s7, s2  }
0x1e: {  	s7 =	smul.u32 @!p0 $0xF7A, s2;
	p2 =	seq.s32 @!p0 s5, $0x0  }
0x1f: {  	s9 =	smul.u32 $0xF7A, s1;
	s8 =	simm.s32 @!p0 $0x1BF5;
	p2 =	por !p2, p0  }
0x20: {  	[sflag:s8] =	ssyncset.s32 @!p0 $0xFFFFF086;
	s6 =	sadd.s32 @!p0 s3, s7;
	s7 =	simm.s32 @!p0 $0x108  }
0x21: {  	s3 =	sadd.s32 s3, s9;
	s6 =	sadd.s32 @!p0 $0x88, s6;
	s7 =	simm.s32 @p2 $0x1082  }
0x22: {  	[simem:s7], [sflag:s8] =	dma.local @!p0 [hbm:s6], $0xF7A  }
0x23: {  	s9 =	sor.u32 $0xD0000000, s2;
	s6 =	simm.s32 $0x108;
	_ =	swait.ge @!p0 [sflag:s8], $0x0  }
0x24: {  	s3 =	sadd.s32 $0x88, s3;
	s6 =	simm.s32 @!p1 $0x1082;
	[sflag:s4] =	ssyncset.s32 $0xFFFFF086  }
0x25: {  	[simem:s6], [sflag:s4] =	dma.local [hbm:s3], $0xF7A  }
0x26: {  	[smem:$0x3F9B] =	sst s1;
	(tag) =	ssettag s2;
	_ =	strace s9  }
0x27: {  	s1 =	sld [smem:$0x3FAB]  }
0x28: {  	s2 =	sld [smem:$0x3FAC]  }
0x29: {  	s4 =	sld [smem:$0x3FAE]  }
0x2a: {  	p0 =	seq.s32 s5, $0x0;
	s5 =	sld [smem:$0x3FAF]  }
0x2b: {  	s6 =	sld [smem:$0x3FB0]  }
0x2c: {  	s7 =	sld [smem:$0x3FB1]  }
0x2d: {  	s3 =	simm.s32 $0x108;
	s8 =	sld [smem:$0x3FB2]  }
0x2e: {  	s3 =	simm.s32 @!p0 $0x1082;
	s9 =	sld [smem:$0x3FB3]  }
0x2f: {  	lr =	sadd.s32 s0, s3;
	s0 =	sld [smem:$0x3FAA]  }
0x30: {  	s3 =	sld [smem:$0x3FAD]  }
0x31: {  	[smem:$0x3FB6] =	sst s10  }
0x32: {  	s10 =	sld [smem:$0x3FB4];
	_ =	sdelay $0x3  }
0x33: {  	p0 =	seq.s32 s10, $0x1;
	s10 =	sld [smem:$0x3FB6];
	_ =	sdelay $0x3  }
0x34: {  	[smem:$0x3FB6] =	sst s10  }
0x35: {  	s10 =	sld [smem:$0x3FB5];
	_ =	sdelay $0x3  }
0x36: {  	p1 =	seq.s32 s10, $0x1;
	s10 =	sld [smem:$0x3FB6];
	_ =	sdelay $0x3  }
0x37: {  	[smem:$0x3FB6] =	sst s10  }
0x38: {  	s10 =	sld [smem:$0x3FB7]  }
0x39: {  	_ = 	snop;
	(pc) =	sbr.ind lr, $3  }
0x3a: {  	_ = 	snop  }
0x3b: {  	_ = 	snop  }
0x3c: {  	p2 =	seq.s32 s10, $0x1;
	s10 =	sld [smem:$0x3FB6]  }
0x3d: {  	_ =	shalt  }
0x3e: {  	_ =	shalt  }
0x3f: {  	_ =	shalt  }
0x40: {  	_ =	shalt  }
0x41: {  	_ =	shalt  }
0x42: {  	_ =	shalt  }
0x43: {  	_ =	shalt  }
0x44: {  	_ =	shalt  }
0x45: {  	_ =	shalt  }
0x46: {  	_ =	shalt  }
0x47: {  	_ =	shalt  }
0x48: {  	_ =	shalt  }
0x49: {  	_ =	shalt  }
0x4a: {  	_ =	shalt  }
0x4b: {  	_ =	shalt  }
0x4c: {  	_ =	shalt  }
0x4d: {  	_ =	shalt  }
0x4e: {  	_ =	shalt  }
0x4f: {  	_ =	shalt  }
0x50: {  	_ =	shalt  }
0x51: {  	_ =	shalt  }
0x52: {  	_ =	shalt  }
0x53: {  	_ =	shalt  }
0x54: {  	_ =	shalt  }
0x55: {  	_ =	shalt  }
0x56: {  	_ =	shalt  }
0x57: {  	_ =	shalt  }
0x58: {  	_ =	shalt  }
0x59: {  	_ =	shalt  }
0x5a: {  	_ =	shalt  }
0x5b: {  	_ =	shalt  }
0x5c: {  	_ =	shalt  }
0x5d: {  	_ =	shalt  }
0x5e: {  	_ =	shalt  }
0x5f: {  	_ =	shalt  }
0x60: {  	_ =	shalt  }
0x61: {  	_ =	shalt  }
0x62: {  	_ =	shalt  }
0x63: {  	_ =	shalt  }
0x64: {  	_ =	shalt  }
0x65: {  	_ =	shalt  }
0x66: {  	_ =	shalt  }
0x67: {  	_ =	shalt  }
0x68: {  	_ =	shalt  }
0x69: {  	_ =	shalt  }
0x6a: {  	_ =	shalt  }
0x6b: {  	_ =	shalt  }
0x6c: {  	_ =	shalt  }
0x6d: {  	_ =	shalt  }
0x6e: {  	_ =	shalt  }
0x6f: {  	_ =	shalt  }
0x70: {  	_ =	shalt  }
0x71: {  	_ =	shalt  }
0x72: {  	_ =	shalt  }
0x73: {  	_ =	shalt  }
0x74: {  	_ =	shalt  }
0x75: {  	_ =	shalt  }
0x76: {  	_ =	shalt  }
0x77: {  	_ =	shalt  }
0x78: {  	_ =	shalt  }
0x79: {  	_ =	shalt  }
0x7a: {  	_ =	shalt  }
0x7b: {  	_ =	shalt  }
0x7c: {  	_ =	shalt  }
0x7d: {  	_ =	shalt  }
0x7e: {  	_ =	shalt  }
0x7f: {  	_ =	shalt  }
0x80: {  	_ =	shalt  }
0x81: {  	_ =	shalt  }
0x82: {  	_ =	shalt  }
0x83: {  	_ =	shalt  }
0x84: {  	_ =	shalt  }
0x85: {  	_ =	shalt  }
0x86: {  	_ =	shalt  }
0x87: {  	_ =	shalt  }
.Lfunc_end0:
.L_simem_size_0:
called_computation.1_lowered:
.L_overlay_start_0:
0x88: {  	s2 =	sld [smem:$0x3FD9]  }
0x89: {  	s3 =	sld [smem:$0x3FFE];
	_ =	sdelay $0x1  }
0x8a: {  	s1 =	srdreg.scid  }
0x8b: {  	s0 =	sand.u32 $0x1, s1  }
0x8c: {  	s17 =	sshll.u32 s0, $0xA;
	s2 =	sadd.s32 s3, s2  }
0x8d: {  	s2 =	sadd.s32 s2, s17  }
0x8e: {  	[smem:$0x3FC2] =	sst s2  }
0x8f: {  	_ = 	snop  }
0x90: {  	s2 =	sld [smem:$0x3FD0];
	(tm) =	ssettm $0x1  }
0x91: {  	s18 =	sld [smem:$0x3FFB];
	_ =	sdelay $0x3  }
0x92: {  	_ =	strace s18  }
0x93: {  	s3 =	sld [smem:$0x3FFC];
	_ =	sdelay $0x3  }
0x94: {  	_ =	strace s3  }
0x95: {  	s3 =	sld [smem:$0x3FFD];
	_ =	sdelay $0x3  }
0x96: {  	_ =	strace s3  }
0x97: {  	_ =	strace $0x8FFFFFFF  }
0x98: {  	s19 =	sld [smem:$0x3FDB];
	_ =	sdelay $0x1  }
0x99: {  	s4 =	simm.s32 $_scs_section_size  }
0x9a: {  	s5 =	simm.s32 $_size__tile_overlayer_lowered;
	s6 =	simm.s32 $_tile_overlayer_lowered  }
0x9b: {  	s22 =	simm.s32 $0x1BFF;
	s21 =	sshll.u32 s6, $0x1;
	s3 =	sadd.s32 s4, s19  }
0x9c: {  	s7 =	simm.s32 $0x0;
	s20 =	sshll.u32 s5, $0x1;
	s5 =	sadd.s32 s21, s3  }
0x9d: {  	[timem:s7], [sflag:s22] =	dma.local [hbm:s5], s20  }
0x9e: {  	_ =	swait.ge [sflag:s22], s20  }
0x9f: {  	s4 =	ssub.s32 $0x0, s20;
	[sflag:s22] =	ssyncset.done $0x0  }
0xa0: {  	[sflag:s22] =	ssyncadd.s32 s4;
	_ =	sdelay $0x1  }
0xa1: {  	s23 =	simm.s32 $0x1B8B  }
0xa2: {  	_ =	swait.ge [sflag:s23], $0x1  }
0xa3: {  	[sflag:s23] =	ssyncset.done $0x0  }
0xa4: {  	s25 =	simm.s32 $0x1B8E;
	s24 =	sld [smem:$0x3FFE];
	[sflag:s23] =	ssyncadd.s32 $0xFFFFFFFF  }
0xa5: {  	s26 =	simm.s32 $execute0_lowered;
	[smem:$0x3FD2] =	sst s25  }
0xa6: {  	s5 =	sshll.u32 s26, $0x1;
	_ =	strace $0x80000046;
	[dreg:$0x1] =	wrdreg $0xFFFFFFFF  }
0xa7: {  	s28 =	simm.s32 $_size_execute0_lowered;
	s3 =	sadd.s32 s3, s5;
	[dreg:$0x0] =	wrdreg $0x0  }
0xa8: {  	s5 =	sshll.u32 s28, $0x1;
	[dreg:$0x2] =	wrdreg s3  }
0xa9: {  	[dreg:$0x3] =	wrdreg s5  }
0xaa: {  	[dreg:$0x4] =	wrdreg $0xC0  }
0xab: {  	_ =	task [dreg:s7], $0x5FFFF  }
0xac: {  	[dreg:$0x1] =	wrdreg $0xFFFFFFFF  }
0xad: {  	[dreg:$0x0] =	wrdreg $0x60  }
0xae: {  	[dreg:$0x2] =	wrdreg s24  }
0xaf: {  	[dreg:$0x3] =	wrdreg s2  }
0xb0: {  	[dreg:$0x4] =	wrdreg $0x9  }
0xb1: {  	_ =	task.clear_ibuf [dreg:s7], $0x5FFFF;
	_ =	strace $0x90000046  }
0xb2: {  	s29 =	simm.s32 $0x9;
	_ =	strace $0x80000048  }
0xb3: {  	_ =	swait.ge [sflag:s29], $0x1  }
0xb4: {  	[sflag:s29] =	ssyncadd.s32 $0xFFFFFFFF  }
0xb5: {  	_ =	strace $0x90000048  }
0xb6: {  	_ =	sfence  }
0xb7: {  	s30 =	sld [smem:$0x0];
	_ =	sdelay $0x2  }
0xb8: {  	s31 =	sshll.u32 s1, $0xD;
	s1 =	sshrl.u32 s1, $0x2  }
0xb9: {  	s3 =	sand.u32 $0x4000, s31;
	s1 =	sadd.s32 s1, s30  }
0xba: {  	s0 =	sor.u32 s3, s0;
	s1 =	sshll.u32 s1, $0x11  }
0xbb: {  	s0 =	sor.u32 s1, s0  }
0xbc: {  	s0 =	sadd.s32 $0x8F2B, s0  }
0xbd: {  	[sflag:s0] =	ssyncadd.remote.s32 $0x1  }
0xbe: {  	_ =	sfence.sel $0xFFFF  }
0xbf: {  	[dreg:$0x0] =	wrdreg $0xFFFFFFFF;
	(pc) =	sbr.abs _section_cstart, $3  }
0xc0: {  	[dreg:$0x1] =	wrdreg $0xFFFFFFFF  }
0xc1: {  	_ =	task.clear_ibuf [dreg:s7], $0x2FFFF;
	_ =	strace $0x9FFFFFFF  }
0xc2: {  	(tm) =	ssettm $0x7FFFFFFF  }
0xc3: {  	_ =	shalt  }
tec
execute0_lowered:
.L_overlay_start_1:
0x0: {  	(tag) =	ssettag $0x1  }
0x1: {  	s1 =	srdreg.scid;
	s0 =	stileid.u32  }
0x2: {  	s4 =	sand.u32 $0x1, s1;
	s10 =	smul.u32 $0xC800, s0  }
0x3: {  	s2 =	smul.u32 $0x6400, s4;
	_ =	sdelay $0x1  }
0x4: {  	s3 =	rddreg [dreg:$0x0];
	s5 =	sadd.s32 s2, s10  }
0x5: {  	s6 =	rddreg [dreg:$0x1];
	s2 =	simm.s32 $0x0;
	s1 =	smulhi.u32 $0x51EB852, s5  }
0x6: {  	[smem:$0x7FF] =	sst s2  }
0x7: {  	s11 =	simm.s32 $0x320;
	s7 =	smul.u32 $0x380, s1;
	s1 =	rddreg [dreg:$0x2]  }
0x8: {  	s12 =	simm.s32 $0x3A0;
	_ =	strace $0x80000047;
	[dreg:$0x4] =	wrdreg s11  }
0x9: {  	s13 =	simm.s32 $0x2640;
	[dreg:$0x5] =	wrdreg s12  }
0xa: {  	s14 =	simm.s32 $0x420;
	[dreg:$0x6] =	wrdreg s13  }
0xb: {  	s15 =	simm.s32 $0x4640;
	[dreg:$0x7] =	wrdreg s14  }
0xc: {  	s16 =	simm.s32 $0x4A0;
	[dreg:$0x8] =	wrdreg s15  }
0xd: {  	s17 =	simm.s32 $0x6640;
	[dreg:$0x9] =	wrdreg s16  }
0xe: {  	s18 =	simm.s32 $0x520;
	[dreg:$0xa] =	wrdreg s17  }
0xf: {  	s19 =	simm.s32 $0x8640;
	[dreg:$0xb] =	wrdreg s18  }
0x10: {  	s20 =	simm.s32 $0x5A0;
	[dreg:$0xc] =	wrdreg s19  }
0x11: {  	s21 =	simm.s32 $0xA640;
	[dreg:$0xd] =	wrdreg s20  }
0x12: {  	s22 =	simm.s32 $0x20;
	s23 =	simm.s32 $0x620;
	[dreg:$0xe] =	wrdreg s21  }
0x13: {  	s24 =	simm.s32 $0xC640;
	s25 =	simm.s32 $0x12C0;
	[dreg:$0xf] =	wrdreg s22  }
0x14: {  	s26 =	simm.s32 $0x1F40;
	s28 =	simm.s32 $0x2BC0;
	[dreg:$0x10] =	wrdreg s23  }
0x15: {  	s29 =	simm.s32 $0x3840;
	s30 =	simm.s32 $0x44C0;
	[dreg:$0x11] =	wrdreg s24  }
0x16: {  	s9 =	simm.s32 $0x5140;
	s4 =	ssub.s32 $0x2, s4;
	[dreg:$0x12] =	wrdreg s25  }
0x17: {  	s31 =	simm.s32 $0x76C0;
	s8 =	sshrl.u32 s4, $0x1;
	[dreg:$0x13] =	wrdreg s26  }
0x18: {  	s4 =	ssub.s32 s4, s8;
	s8 =	simm.s32 $0x640;
	[dreg:$0x14] =	wrdreg s28  }
0x19: {  	s10 =	simm.s32 $0x5DC0;
	s5 =	sshrl.u32 s5, $0x3;
	[dreg:$0x15] =	wrdreg s29  }
0x1a: {  	s4 =	smax.u32 s4, $0x1;
	s5 =	sadd.s32 s5, s6;
	[dreg:$0x16] =	wrdreg s30  }
0x1b: {  	s6 =	simm.s32 $0x3;
	[dreg:$0x17] =	wrdreg s9;
	s9 =	simm.s32 $0x1  }
0x1c: {  	[dreg:$0x18] =	wrdreg s10;
	s11 =	simm.s32 $0x6A40;
	s10 =	simm.s32 $0x40  }
0x1d: {  	[dreg:$0x1a] =	wrdreg s31;
	s12 =	simm.s32 $0x8FC0;
	s13 =	simm.s32 $0x9C40  }
0x1e: {  	s14 =	simm.s32 $0xA8C0;
	s15 =	simm.s32 $0xB540;
	s16 =	simm.s32 $0xC1C0  }
0x1f: {  	s17 =	simm.s32 $0x2;
	s18 =	simm.s32 $0x0;
	s7 =	sadd.s32 s7, s3  }
0x20: {  	[dreg:$0x19] =	wrdreg s11;
	s11 =	simm.s32 $0x8340;
	s7 =	sadd.s32 $0x7A9000, s7  }
0x21: {  	s3 =	sadd.s32 $0x1000, s3;
	[dreg:$0x3] =	wrdreg s7;
	s7 =	simm.s32 $0x80  }
.LBB2_1:
0x22: {  	s19 =	smov.u32 s5;
	s20 =	simm.s32 $0x0  }
.LBB2_2:
0x23: {  	[tilespmem:s2], [sflag:$0x3] =	stream.linear.gather [hbm4b:s19+s2], $0x320, $0x38;
	[tilespmem:$0xCE40] =	vst v63  }
0x24: {  	_ =	swait.ge [sflag:s6], $0x320  }
0x25: {  	[sflag:s6] =	ssyncset.done $0x0  }
0x26: {  	[sflag:s6] =	ssyncadd.s32 $0xFFFFFCE0  }
0x27: {  	v0 =	vld [tilespmem:$0x0]  }
0x28: {  	v1 =	vld [tilespmem:$0x10]  }
0x29: {  	v2 =	vld [tilespmem:$0x20]  }
0x2a: {  	v5 =	vld [tilespmem:$0x30]  }
0x2b: {  	v6 =	vld [tilespmem:$0x40]  }
0x2c: {  	v8 =	vld [tilespmem:$0x50]  }
0x2d: {  	v12 =	vld [tilespmem:$0x60]  }
0x2e: {  	v16 =	vld [tilespmem:$0x80]  }
0x2f: {  	v23 =	vld [tilespmem:$0xB0];
	v3 =	vshll.u32 v0, $0x1  }
0x30: {  	v31 =	vld [tilespmem:$0xE0];
	v4 =	vand.u32 $0xFFFFF000, v0;
	v0 =	vshrl.u32 v0, $0xB;
	v59 =	vshll.u32 v1, $0x1  }
0x31: {  	v39 =	vld [tilespmem:$0x110];
	v60 =	vand.u32 $0xFFFFF000, v1;
	v1 =	vshrl.u32 v1, $0xB;
	v61 =	vshll.u32 v2, $0x1  }
0x32: {  	v47 =	vld [tilespmem:$0x140];
	v7 =	vand.u32 $0xFFFFF000, v2;
	v2 =	vshrl.u32 v2, $0xB;
	v63 =	vshll.u32 v5, $0x1  }
0x33: {  	v9 =	vand.u32 $0xFFFFF000, v5;
	v5 =	vshrl.u32 v5, $0xB;
	v11 =	vshll.u32 v6, $0x1  }
0x34: {  	v13 =	vand.u32 $0xFFFFF000, v6;
	v14 =	vshrl.u32 v6, $0xB;
	v15 =	vshll.u32 v8, $0x1  }
0x35: {  	v17 =	vshll.u32 v12, $0x1;
	v18 =	vand.u32 $0xFFFFF000, v12;
	v22 =	vshll.u32 v16, $0x1  }
0x36: {  	v30 =	vshll.u32 v23, $0x1;
	v38 =	vshll.u32 v31, $0x1;
	v46 =	vshll.u32 v39, $0x1  }
0x37: {  	v54 =	vshll.u32 v47, $0x1;
	v3 =	vand.u32 $0xFFE, v3;
	v0 =	vand.u32 $0x1, v0  }
0x38: {  	v1 =	vand.u32 $0x1, v1;
	v62 =	vand.u32 $0x1, v2;
	v10 =	vand.u32 $0x1, v5  }
0x39: {  	v55 =	vld [tilespmem:$0x170];
	v5 =	vand.u32 $0xFFE, v11;
	v3 =	vor.u32 v4, v3;
	v4 =	vand.u32 $0xFFE, v59  }
0x3a: {  	v0 =	vor.u32 v0, v3;
	v3 =	vor.u32 v60, v4;
	v4 =	vand.u32 $0xFFE, v61  }
0x3b: {  	v6 =	vand.u32 $0xFFE, v15;
	v11 =	vld [tilespmem:$0x90];
	v4 =	vor.u32 v7, v4;
	v2 =	vor.u32 v1, v3  }
0x3c: {  	v15 =	vld [tilespmem:$0xD0];
	v3 =	vand.u32 $0xFFE, v63;
	v7 =	vshrl.u32 v12, $0xB;
	v1 =	vor.u32 v62, v4  }
0x3d: {  	v3 =	vor.u32 v9, v3;
	v4 =	vor.u32 v13, v5;
	v5 =	vand.u32 $0x1, v14  }
0x3e: {  	v7 =	vand.u32 $0x1, v7;
	v13 =	vand.u32 $0xFFFFF000, v16;
	v62 =	vshll.u32 v55, $0x1  }
0x3f: {  	v3 =	vor.u32 v10, v3;
	v10 =	vand.u32 $0xFFFFF000, v8;
	v8 =	vshrl.u32 v8, $0xB  }
0x40: {  	v12 =	vld [tilespmem:$0xA0];
	v5 =	vor.u32 v5, v4;
	v24 =	vshll.u32 v11, $0x1;
	v25 =	vand.u32 $0xFFFFF000, v11  }
0x41: {  	v11 =	vshrl.u32 v11, $0xB;
	v35 =	vshll.u32 v15, $0x1;
	v36 =	vand.u32 $0xFFFFF000, v15  }
0x42: {  	v9 =	vld [tilespmem:$0x70];
	v37 =	vshrl.u32 v15, $0xB;
	v15 =	vand.u32 $0xFFE, v38;
	v6 =	vor.u32 v10, v6  }
0x43: {  	v8 =	vand.u32 $0x1, v8;
	v10 =	vshrl.u32 v16, $0xB;
	v26 =	vand.u32 $0x1, v11  }
0x44: {  	v14 =	vld [tilespmem:$0xC0];
	v16 =	vand.u32 $0xFFFFF000, v23;
	v4 =	vor.u32 v8, v6;
	v6 =	vand.u32 $0xFFE, v17  }
0x45: {  	v10 =	vand.u32 $0x1, v10;
	v6 =	vor.u32 v18, v6;
	v27 =	vshll.u32 v12, $0x1  }
0x46: {  	v28 =	vand.u32 $0xFFFFF000, v12;
	v29 =	vshrl.u32 v12, $0xB;
	v12 =	vand.u32 $0xFFE, v30  }
0x47: {  	v19 =	vshll.u32 v9, $0x1;
	v6 =	vor.u32 v7, v6;
	v20 =	vand.u32 $0xFFFFF000, v9  }
0x48: {  	v21 =	vshrl.u32 v9, $0xB;
	v9 =	vand.u32 $0xFFE, v22;
	v11 =	vand.u32 $0xFFE, v27  }
0x49: {  	v12 =	vor.u32 v16, v12;
	v32 =	vshll.u32 v14, $0x1;
	v33 =	vand.u32 $0xFFFFF000, v14  }
0x4a: {  	v14 =	vshrl.u32 v14, $0xB;
	v16 =	vshrl.u32 v31, $0xB;
	v22 =	vand.u32 $0xFFFFF000, v39  }
0x4b: {  	v17 =	vld [tilespmem:$0xF0];
	v8 =	vand.u32 $0xFFE, v19;
	v9 =	vor.u32 v13, v9;
	v13 =	vshrl.u32 v23, $0xB  }
0x4c: {  	v34 =	vand.u32 $0x1, v14;
	v14 =	vand.u32 $0xFFE, v35;
	v19 =	vand.u32 $0xFFFFF000, v31  }
0x4d: {  	v16 =	vand.u32 $0x1, v16;
	v7 =	vor.u32 v20, v8;
	v8 =	vand.u32 $0x1, v21  }
0x4e: {  	v13 =	vand.u32 $0x1, v13;
	v15 =	vor.u32 v19, v15;
	v19 =	vshrl.u32 v39, $0xB  }
0x4f: {  	v18 =	vld [tilespmem:$0x100];
	v8 =	vor.u32 v8, v7;
	v7 =	vor.u32 v10, v9;
	v9 =	vand.u32 $0xFFE, v24  }
0x50: {  	v10 =	vor.u32 v28, v11;
	v11 =	vand.u32 $0x1, v29;
	v40 =	vshll.u32 v17, $0x1  }
0x51: {  	v63 =	vld [tilespmem:$0x1A0];
	v41 =	vand.u32 $0xFFFFF000, v17;
	v17 =	vshrl.u32 v17, $0xB;
	v19 =	vand.u32 $0x1, v19  }
0x52: {  	v28 =	vand.u32 $0xFFFFF000, v55;
	v9 =	vor.u32 v25, v9;
	v11 =	vor.u32 v11, v10  }
0x53: {  	v10 =	vor.u32 v13, v12;
	v12 =	vand.u32 $0xFFE, v32;
	v13 =	vor.u32 v36, v14  }
0x54: {  	v27 =	vld [tilespmem:$0x190];
	v14 =	vand.u32 $0x1, v37;
	v42 =	vand.u32 $0x1, v17;
	v43 =	vshll.u32 v18, $0x1  }
0x55: {  	v44 =	vand.u32 $0xFFFFF000, v18;
	v45 =	vshrl.u32 v18, $0xB;
	v18 =	vand.u32 $0xFFE, v46  }
0x56: {  	v23 =	vld [tilespmem:$0x150];
	v25 =	vand.u32 $0xFFFFF000, v47;
	v36 =	vshll.u32 v63, $0x1;
	v9 =	vor.u32 v26, v9  }
0x57: {  	v12 =	vor.u32 v33, v12;
	v14 =	vor.u32 v14, v13;
	v13 =	vor.u32 v16, v15  }
0x58: {  	v15 =	vand.u32 $0xFFE, v40;
	v17 =	vand.u32 $0xFFE, v43;
	v18 =	vor.u32 v22, v18  }
0x59: {  	v20 =	vld [tilespmem:$0x120];
	v22 =	vshrl.u32 v47, $0xB;
	v33 =	vshll.u32 v27, $0x1;
	v35 =	vshrl.u32 v27, $0xB  }
0x5a: {  	v21 =	vld [tilespmem:$0x130];
	v12 =	vor.u32 v34, v12;
	v15 =	vor.u32 v41, v15;
	v16 =	vor.u32 v44, v17  }
0x5b: {  	v17 =	vand.u32 $0x1, v45;
	v22 =	vand.u32 $0x1, v22;
	v56 =	vshll.u32 v23, $0x1  }
0x5c: {  	v57 =	vand.u32 $0xFFFFF000, v23;
	v23 =	vshrl.u32 v23, $0xB;
	v34 =	vand.u32 $0xFFFFF000, v27  }
0x5d: {  	v24 =	vld [tilespmem:$0x160];
	v27 =	vand.u32 $0xFFE, v36;
	v15 =	vor.u32 v42, v15;
	v17 =	vor.u32 v17, v16  }
0x5e: {  	v16 =	vor.u32 v19, v18;
	v48 =	vshll.u32 v20, $0x1;
	v49 =	vand.u32 $0xFFFFF000, v20  }
0x5f: {  	v29 =	vld [tilespmem:$0x1B0];
	v20 =	vshrl.u32 v20, $0xB;
	v51 =	vshll.u32 v21, $0x1;
	v52 =	vand.u32 $0xFFFFF000, v21  }
0x60: {  	v53 =	vshrl.u32 v21, $0xB;
	v21 =	vand.u32 $0xFFE, v54;
	v58 =	vand.u32 $0x1, v23  }
0x61: {  	v18 =	vand.u32 $0xFFE, v48;
	v50 =	vand.u32 $0x1, v20;
	v20 =	vand.u32 $0xFFE, v51  }
0x62: {  	v37 =	vld [tilespmem:$0x1D0];
	v21 =	vor.u32 v25, v21;
	v59 =	vshll.u32 v24, $0x1;
	v60 =	vand.u32 $0xFFFFF000, v24  }
0x63: {  	v61 =	vshrl.u32 v24, $0xB;
	v24 =	vand.u32 $0xFFE, v62;
	v25 =	vshrl.u32 v55, $0xB  }
0x64: {  	v38 =	vshll.u32 v29, $0x1;
	v39 =	vand.u32 $0xFFFFF000, v29;
	v29 =	vshrl.u32 v29, $0xB  }
0x65: {  	v26 =	vld [tilespmem:$0x180];
	v18 =	vor.u32 v49, v18;
	v19 =	vor.u32 v52, v20;
	v20 =	vand.u32 $0x1, v53  }
0x66: {  	v23 =	vand.u32 $0xFFE, v59;
	v24 =	vor.u32 v28, v24;
	v25 =	vand.u32 $0x1, v25  }
0x67: {  	v28 =	vshrl.u32 v63, $0xB;
	v40 =	vand.u32 $0x1, v29;
	v44 =	vshll.u32 v37, $0x1  }
0x68: {  	v18 =	vor.u32 v50, v18;
	v20 =	vor.u32 v20, v19;
	v19 =	vor.u32 v22, v21  }
0x69: {  	v21 =	vand.u32 $0xFFE, v56;
	v22 =	vor.u32 v60, v23;
	v23 =	vand.u32 $0x1, v61  }
0x6a: {  	v30 =	vshll.u32 v26, $0x1;
	v31 =	vand.u32 $0xFFFFF000, v26;
	v26 =	vshrl.u32 v26, $0xB  }
0x6b: {  	v48 =	vld [tilespmem:$0x200];
	v28 =	vand.u32 $0x1, v28;
	v21 =	vor.u32 v57, v21;
	v23 =	vor.u32 v23, v22  }
0x6c: {  	v22 =	vor.u32 v25, v24;
	v24 =	vand.u32 $0xFFE, v30;
	v32 =	vand.u32 $0x1, v26  }
0x6d: {  	v54 =	vld [tilespmem:$0x210];
	v26 =	vand.u32 $0xFFE, v33;
	v21 =	vor.u32 v58, v21;
	v24 =	vor.u32 v31, v24  }
0x6e: {  	v59 =	vld [tilespmem:$0x220];
	v25 =	vor.u32 v34, v26;
	v31 =	vand.u32 $0xFFFFF000, v63;
	v26 =	vand.u32 $0x1, v35  }
0x6f: {  	v34 =	vand.u32 $0xFFFFF000, v37;
	v24 =	vor.u32 v32, v24;
	v27 =	vor.u32 v31, v27  }
0x70: {  	v30 =	vld [tilespmem:$0x1C0];
	v26 =	vor.u32 v26, v25;
	v31 =	vshrl.u32 v37, $0xB;
	v58 =	vshll.u32 v48, $0x1  }
0x71: {  	v33 =	vld [tilespmem:$0x1F0];
	v60 =	vand.u32 $0xFFFFF000, v48;
	v61 =	vshrl.u32 v48, $0xB;
	v25 =	vor.u32 v28, v27  }
0x72: {  	[tilespmem:$0x360] =	vst v5;
	v27 =	vand.u32 $0xFFE, v38;
	v47 =	vand.u32 $0x1, v31;
	v5 =	vand.u32 $0xFFE, v58  }
0x73: {  	v62 =	vand.u32 $0x1, v61;
	v31 =	vand.u32 $0xFFFFF000, v54;
	v36 =	vand.u32 $0xFFFFF000, v59  }
0x74: {  	v37 =	vshrl.u32 v59, $0xB;
	v27 =	vor.u32 v39, v27;
	v5 =	vor.u32 v60, v5  }
0x75: {  	[tilespmem:$0x320] =	vst v0;
	v63 =	vld [tilespmem:$0x230];
	v41 =	vshll.u32 v30, $0x1;
	v27 =	vor.u32 v40, v27;
	v42 =	vand.u32 $0xFFFFF000, v30  }
0x76: {  	[tilespmem:$0x330] =	vst v2;
	v35 =	vld [tilespmem:$0x240];
	v43 =	vshrl.u32 v30, $0xB;
	v30 =	vand.u32 $0xFFE, v44;
	v53 =	vshll.u32 v33, $0x1  }
0x77: {  	[tilespmem:$0x490] =	vst v22;
	v22 =	vld [tilespmem:$0x2C0];
	v55 =	vand.u32 $0xFFFFF000, v33;
	v57 =	vshrl.u32 v33, $0xB;
	v29 =	vand.u32 $0xFFE, v41  }
0x78: {  	[tilespmem:$0x340] =	vst v1;
	v32 =	vld [tilespmem:$0x1E0];
	v45 =	vand.u32 $0x1, v43;
	v46 =	vor.u32 v34, v30;
	v56 =	vand.u32 $0xFFE, v53  }
0x79: {  	[tilespmem:$0x370] =	vst v4;
	v4 =	vand.u32 $0x1, v57;
	v30 =	vshll.u32 v54, $0x1;
	v34 =	vshll.u32 v59, $0x1  }
0x7a: {  	[tilespmem:$0x390] =	vst v8;
	v38 =	vshll.u32 v63, $0x1;
	v40 =	vand.u32 $0xFFFFF000, v63;
	v8 =	vshrl.u32 v63, $0xB  }
0x7b: {  	[tilespmem:$0x3B0] =	vst v9;
	v43 =	vshll.u32 v35, $0x1;
	v44 =	vand.u32 $0xFFFFF000, v35;
	v9 =	vshrl.u32 v35, $0xB  }
0x7c: {  	[tilespmem:$0x350] =	vst v3;
	v35 =	vand.u32 $0xFFFFF000, v22;
	v28 =	vor.u32 v42, v29;
	v2 =	vor.u32 v47, v46  }
0x7d: {  	[tilespmem:$0x380] =	vst v6;
	v49 =	vshll.u32 v32, $0x1;
	v50 =	vand.u32 $0xFFFFF000, v32;
	v51 =	vshrl.u32 v32, $0xB  }
0x7e: {  	[tilespmem:$0x3A0] =	vst v7;
	v58 =	vld [tilespmem:$0x2A0];
	v3 =	vor.u32 v55, v56;
	v32 =	vshrl.u32 v54, $0xB;
	v7 =	vand.u32 $0xFFE, v34  }
0x7f: {  	[tilespmem:$0x3D0] =	vst v10;
	v10 =	vand.u32 $0xFFE, v38;
	v8 =	vand.u32 $0x1, v8;
	v9 =	vand.u32 $0x1, v9  }
0x80: {  	[tilespmem:$0x3C0] =	vst v11;
	v0 =	vor.u32 v45, v28;
	v28 =	vand.u32 $0xFFE, v49;
	v52 =	vand.u32 $0x1, v51  }
0x81: {  	[tilespmem:$0x3F0] =	vst v14;
	v39 =	vld [tilespmem:$0x250];
	v3 =	vor.u32 v4, v3;
	v4 =	vor.u32 v62, v5;
	v5 =	vand.u32 $0xFFE, v30  }
0x82: {  	[tilespmem:$0x4A0] =	vst v24;
	v33 =	vand.u32 $0x1, v32;
	v6 =	vor.u32 v36, v7;
	v7 =	vand.u32 $0x1, v37  }
0x83: {  	[tilespmem:$0x4C0] =	vst v25;
	v10 =	vor.u32 v40, v10;
	v24 =	vshll.u32 v58, $0x1;
	v25 =	vand.u32 $0xFFFFF000, v58  }
0x84: {  	[tilespmem:$0x4B0] =	vst v26;
	v26 =	vshrl.u32 v58, $0xB;
	v36 =	vshrl.u32 v22, $0xB;
	v1 =	vor.u32 v50, v28  }
0x85: {  	[tilespmem:$0x400] =	vst v13;
	v41 =	vld [tilespmem:$0x260];
	v5 =	vor.u32 v31, v5;
	v6 =	vor.u32 v7, v6;
	v42 =	vor.u32 v8, v10  }
0x86: {  	[tilespmem:$0x3E0] =	vst v12;
	v8 =	vand.u32 $0xFFE, v43;
	v45 =	vshll.u32 v39, $0x1;
	v47 =	vand.u32 $0xFFFFF000, v39  }
0x87: {  	[tilespmem:$0x4D0] =	vst v27;
	v48 =	vshrl.u32 v39, $0xB;
	v27 =	vand.u32 $0x1, v26;
	v37 =	vand.u32 $0x1, v36  }
0x88: {  	[tilespmem:$0x410] =	vst v15;
	v46 =	vld [tilespmem:$0x270];
	v1 =	vor.u32 v52, v1;
	v5 =	vor.u32 v33, v5;
	v8 =	vor.u32 v44, v8  }
0x89: {  	[tilespmem:$0x420] =	vst v17;
	v29 =	vld [tilespmem:$0x2D0];
	v10 =	vand.u32 $0xFFE, v45;
	v33 =	vshll.u32 v22, $0x1;
	v8 =	vor.u32 v9, v8  }
0x8a: {  	[tilespmem:$0x430] =	vst v16;
	v34 =	vld [tilespmem:$0x2E0];
	v9 =	vor.u32 v47, v10;
	v49 =	vshll.u32 v41, $0x1;
	v51 =	vand.u32 $0xFFFFF000, v41  }
0x8b: {  	v38 =	vld [tilespmem:$0x2F0];
	v12 =	vshrl.u32 v41, $0xB;
	v10 =	vand.u32 $0x1, v48;
	[tilespmem:$0x530] =	vst v5;
	v5 =	vand.u32 $0xFFE, v33  }
0x8c: {  	[tilespmem:$0x440] =	vst v18;
	v62 =	vld [tilespmem:$0x2B0];
	v11 =	vand.u32 $0xFFE, v49;
	v12 =	vand.u32 $0x1, v12;
	v9 =	vor.u32 v10, v9  }
0x8d: {  	[tilespmem:$0x450] =	vst v20;
	v54 =	vshll.u32 v46, $0x1;
	v55 =	vand.u32 $0xFFFFF000, v46;
	v13 =	vshrl.u32 v46, $0xB  }
0x8e: {  	[tilespmem:$0x460] =	vst v19;
	v5 =	vor.u32 v35, v5;
	v40 =	vshll.u32 v29, $0x1;
	v41 =	vand.u32 $0xFFFFF000, v29  }
0x8f: {  	[tilespmem:$0x550] =	vst v42;
	v42 =	vshrl.u32 v29, $0xB;
	v44 =	vshll.u32 v34, $0x1;
	v46 =	vand.u32 $0xFFFFF000, v34  }
0x90: {  	[tilespmem:$0x480] =	vst v23;
	v50 =	vld [tilespmem:$0x280];
	v48 =	vshrl.u32 v34, $0xB;
	v49 =	vshll.u32 v38, $0x1;
	v7 =	vshrl.u32 v38, $0xB  }
0x91: {  	[tilespmem:$0x470] =	vst v21;
	v11 =	vor.u32 v51, v11;
	v56 =	vand.u32 $0x1, v13;
	v28 =	vshll.u32 v62, $0x1  }
0x92: {  	[tilespmem:$0x4F0] =	vst v2;
	v30 =	vand.u32 $0xFFFFF000, v62;
	v32 =	vshrl.u32 v62, $0xB;
	v39 =	vor.u32 v37, v5  }
0x93: {  	v52 =	vld [tilespmem:$0x290];
	[tilespmem:$0x560] =	vst v8;
	v5 =	vand.u32 $0xFFE, v40;
	v43 =	vand.u32 $0x1, v42;
	v8 =	vand.u32 $0xFFE, v44  }
0x94: {  	[tilespmem:$0x4E0] =	vst v0;
	v51 =	vand.u32 $0xFFFFF000, v38;
	v53 =	vor.u32 v12, v11;
	v11 =	vand.u32 $0xFFE, v54  }
0x95: {  	[tilespmem:$0x510] =	vst v3;
	v57 =	vshll.u32 v50, $0x1;
	v59 =	vand.u32 $0xFFFFF000, v50;
	v60 =	vshrl.u32 v50, $0xB  }
0x96: {  	[tilespmem:$0x520] =	vst v4;
	v45 =	vld [tilespmem:$0x300];
	v31 =	vand.u32 $0xFFE, v28;
	v4 =	vand.u32 $0x1, v32;
	v5 =	vor.u32 v41, v5  }
0x97: {  	[tilespmem:$0x540] =	vst v6;
	v47 =	vor.u32 v46, v8;
	v8 =	vand.u32 $0xFFE, v49;
	v54 =	vand.u32 $0x1, v7  }
0x98: {  	[tilespmem:$0x500] =	vst v1;
	v11 =	vor.u32 v55, v11;
	v13 =	vand.u32 $0xFFE, v57;
	v61 =	vshll.u32 v52, $0x1  }
0x99: {  	[tilespmem:$0x570] =	vst v9;
	v63 =	vand.u32 $0xFFFFF000, v52;
	v15 =	vshrl.u32 v52, $0xB;
	v19 =	vand.u32 $0x1, v60  }
0x9a: {  	[tilespmem:$0x5E0] =	vst v39;
	v3 =	vor.u32 v30, v31;
	v5 =	vor.u32 v43, v5;
	v52 =	vor.u32 v51, v8  }
0x9b: {  	[tilespmem:$0x580] =	vst v53;
	v53 =	vand.u32 $0x1, v48;
	v55 =	vshll.u32 v45, $0x1;
	v57 =	vshrl.u32 v45, $0xB  }
0x9c: {  	v50 =	vld [tilespmem:$0x310];
	v11 =	vor.u32 v56, v11;
	v12 =	vor.u32 v59, v13;
	v14 =	vand.u32 $0xFFE, v61;
	[tilespmem:$0x5F0] =	vst v5  }
0x9d: {  	v21 =	vand.u32 $0x1, v15;
	v3 =	vor.u32 v4, v3;
	v56 =	vand.u32 $0xFFFFF000, v45;
	[tilespmem:$0x590] =	vst v11  }
0x9e: {  	v2 =	vand.u32 $0xFFE, v55;
	v20 =	vor.u32 v63, v14;
	v0 =	vor.u32 v19, v12;
	[tilespmem:$0x5D0] =	vst v3  }
0x9f: {  	s21 =	rddreg [dreg:$0x4];
	v58 =	vand.u32 $0x1, v57;
	v12 =	vand.u32 $0xFFE, v24;
	v23 =	vor.u32 v21, v20;
	[tilespmem:$0x5A0] =	vst v0  }
0xa0: {  	s31 =	rddreg [dreg:$0x5];
	v2 =	vor.u32 v56, v2;
	v1 =	vor.u32 v25, v12;
	v0 =	vor.u32 v53, v47;
	[tilespmem:$0x5B0] =	vst v23  }
0xa1: {  	s22 =	rddreg [dreg:$0x6];
	v62 =	vor.u32 v58, v2;
	v1 =	vor.u32 v27, v1;
	v59 =	vshll.u32 v50, $0x1;
	[tilespmem:$0x600] =	vst v0  }
0xa2: {  	s23 =	rddreg [dreg:$0x7];
	v60 =	vand.u32 $0xFFFFF000, v50;
	v61 =	vshrl.u32 v50, $0xB;
	[tilespmem:$0x620] =	vst v62;
	v4 =	vand.u32 $0xFFE, v59  }
0xa3: {  	s24 =	rddreg [dreg:$0x8];
	[tilespmem:$0x5C0] =	vst v1;
	v1 =	vor.u32 v54, v52;
	v63 =	vand.u32 $0x1, v61;
	v0 =	vor.u32 v60, v4  }
0xa4: {  	s25 =	rddreg [dreg:$0xb];
	[tilespmem:$0x610] =	vst v1;
	v0 =	vor.u32 v63, v0  }
0xa5: {  	s26 =	rddreg [dreg:$0xc];
	[tilespmem:$0x630] =	vst v0  }
0xa6: {  	[tilespmem:s8], [sflag:$0x1] =	stream.indirect.gather [hbm4b:s3+s7], $0x40, s21, s7, $0xb8;
	[tilespmem:$0xCE40] =	vst v63  }
0xa7: {  	s28 =	rddreg [dreg:$0xd]  }
0xa8: {  	[tilespmem:s22], [sflag:$0x1] =	stream.indirect.gather [hbm4b:s3+s7], $0x40, s31, s7, $0xb8;
	[tilespmem:$0xCE40] =	vst v63  }
0xa9: {  	s29 =	rddreg [dreg:$0xe]  }
0xaa: {  	[tilespmem:s24], [sflag:$0x1] =	stream.indirect.gather [hbm4b:s3+s7], $0x40, s23, s7, $0xb8;
	[tilespmem:$0xCE40] =	vst v63  }
0xab: {  	s23 =	rddreg [dreg:$0x9]  }
0xac: {  	s24 =	rddreg [dreg:$0xa]  }
0xad: {  	[tilespmem:s24], [sflag:$0x1] =	stream.indirect.gather [hbm4b:s3+s7], $0x40, s23, s7, $0xb8;
	[tilespmem:$0xCE40] =	vst v63  }
0xae: {  	s30 =	rddreg [dreg:$0xf]  }
0xaf: {  	[tilespmem:s26], [sflag:$0x1] =	stream.indirect.gather [hbm4b:s3+s7], $0x40, s25, s7, $0xb8;
	[tilespmem:$0xCE40] =	vst v63  }
0xb0: {  	s31 =	rddreg [dreg:$0x10]  }
0xb1: {  	[tilespmem:s29], [sflag:$0x1] =	stream.indirect.gather [hbm4b:s3+s7], $0x40, s28, s7, $0xb8;
	[tilespmem:$0xCE40] =	vst v63  }
0xb2: {  	s25 =	rddreg [dreg:$0x11]  }
0xb3: {  	[tilespmem:s25], [sflag:$0x1] =	stream.indirect.gather [hbm4b:s3+s30], $0x40, s31, s30, $0xb8;
	[tilespmem:$0xCE40] =	vst v63  }
0xb4: {  	_ =	swait.ge [sflag:s9], $0x2000  }
0xb5: {  	[sflag:s9] =	ssyncset.done $0x0  }
0xb6: {  	[sflag:s9] =	ssyncadd.s32 $0xFFFFE000  }
0xb7: {  	_ =	swait.ge [sflag:s9], $0x2000  }
0xb8: {  	[sflag:s9] =	ssyncset.done $0x0  }
0xb9: {  	[sflag:s9] =	ssyncadd.s32 $0xFFFFE000  }
0xba: {  	_ =	swait.ge [sflag:s9], $0x2000  }
0xbb: {  	[sflag:s9] =	ssyncset.done $0x0  }
0xbc: {  	[sflag:s9] =	ssyncadd.s32 $0xFFFFE000  }
0xbd: {  	_ =	swait.ge [sflag:s9], $0x2000  }
0xbe: {  	[sflag:s9] =	ssyncset.done $0x0  }
0xbf: {  	[sflag:s9] =	ssyncadd.s32 $0xFFFFE000  }
0xc0: {  	_ =	swait.ge [sflag:s9], $0x2000  }
0xc1: {  	[sflag:s9] =	ssyncset.done $0x0  }
0xc2: {  	[sflag:s9] =	ssyncadd.s32 $0xFFFFE000  }
0xc3: {  	_ =	swait.ge [sflag:s9], $0x2000  }
0xc4: {  	[sflag:s9] =	ssyncset.done $0x0  }
0xc5: {  	[sflag:s9] =	ssyncadd.s32 $0xFFFFE000  }
0xc6: {  	_ =	swait.ge [sflag:s9], $0x800  }
0xc7: {  	s25 =	rddreg [dreg:$0x3];
	[sflag:s9] =	ssyncset.done $0x0  }
0xc8: {  	[sflag:s9] =	ssyncadd.s32 $0xFFFFF800;
	s21 =	sadd.s32 s20, s25  }
0xc9: {  	[hbm4b:s21+s10] =	stream.strided.scatter [tilespmem:s8], [sflag:$0x2], $0xC80, s7, s10, $0x38;
	[tilespmem:$0xCE40] =	vst v63  }
0xca: {  	s26 =	rddreg [dreg:$0x12];
	s28 =	sadd.s32 $0x380, s21  }
0xcb: {  	[hbm4b:s28+s10] =	stream.strided.scatter [tilespmem:s26], [sflag:$0x2], $0xC80, s7, s10, $0x38;
	[tilespmem:$0xCE40] =	vst v63  }
0xcc: {  	s29 =	rddreg [dreg:$0x13];
	s30 =	sadd.s32 $0x700, s21  }
0xcd: {  	[hbm4b:s30+s10] =	stream.strided.scatter [tilespmem:s29], [sflag:$0x2], $0xC80, s7, s10, $0x38;
	[tilespmem:$0xCE40] =	vst v63  }
0xce: {  	s31 =	rddreg [dreg:$0x14];
	s25 =	sadd.s32 $0xA80, s21  }
0xcf: {  	[hbm4b:s25+s10] =	stream.strided.scatter [tilespmem:s31], [sflag:$0x2], $0xC80, s7, s10, $0x38;
	[tilespmem:$0xCE40] =	vst v63  }
0xd0: {  	s26 =	rddreg [dreg:$0x15];
	s28 =	sadd.s32 $0xE00, s21  }
0xd1: {  	[hbm4b:s28+s10] =	stream.strided.scatter [tilespmem:s26], [sflag:$0x2], $0xC80, s7, s10, $0x38;
	[tilespmem:$0xCE40] =	vst v63  }
0xd2: {  	s29 =	rddreg [dreg:$0x16];
	s30 =	sadd.s32 $0x1180, s21  }
0xd3: {  	[hbm4b:s30+s10] =	stream.strided.scatter [tilespmem:s29], [sflag:$0x2], $0xC80, s7, s10, $0x38;
	[tilespmem:$0xCE40] =	vst v63  }
0xd4: {  	s31 =	rddreg [dreg:$0x17];
	s25 =	sadd.s32 $0x1500, s21  }
0xd5: {  	[hbm4b:s25+s10] =	stream.strided.scatter [tilespmem:s31], [sflag:$0x2], $0xC80, s7, s10, $0x38;
	[tilespmem:$0xCE40] =	vst v63  }
0xd6: {  	s26 =	rddreg [dreg:$0x18];
	s28 =	sadd.s32 $0x1880, s21  }
0xd7: {  	[hbm4b:s28+s10] =	stream.strided.scatter [tilespmem:s26], [sflag:$0x2], $0xC80, s7, s10, $0x38;
	[tilespmem:$0xCE40] =	vst v63  }
0xd8: {  	s29 =	rddreg [dreg:$0x19];
	s30 =	sadd.s32 $0x1C00, s21  }
0xd9: {  	[hbm4b:s30+s10] =	stream.strided.scatter [tilespmem:s29], [sflag:$0x2], $0xC80, s7, s10, $0x38;
	[tilespmem:$0xCE40] =	vst v63  }
0xda: {  	s31 =	rddreg [dreg:$0x1a];
	s25 =	sadd.s32 $0x1F80, s21  }
0xdb: {  	[hbm4b:s25+s10] =	stream.strided.scatter [tilespmem:s31], [sflag:$0x2], $0xC80, s7, s10, $0x38;
	[tilespmem:$0xCE40] =	vst v63  }
0xdc: {  	s26 =	sadd.s32 $0x2300, s21  }
0xdd: {  	[hbm4b:s26+s10] =	stream.strided.scatter [tilespmem:s11], [sflag:$0x2], $0xC80, s7, s10, $0x38;
	[tilespmem:$0xCE40] =	vst v63  }
0xde: {  	s28 =	sadd.s32 $0x2680, s21  }
0xdf: {  	[hbm4b:s28+s10] =	stream.strided.scatter [tilespmem:s12], [sflag:$0x2], $0xC80, s7, s10, $0x38;
	[tilespmem:$0xCE40] =	vst v63  }
0xe0: {  	s29 =	sadd.s32 $0x2A00, s21  }
0xe1: {  	[hbm4b:s29+s10] =	stream.strided.scatter [tilespmem:s13], [sflag:$0x2], $0xC80, s7, s10, $0x38;
	[tilespmem:$0xCE40] =	vst v63  }
0xe2: {  	s30 =	sadd.s32 $0x2D80, s21  }
0xe3: {  	[hbm4b:s30+s10] =	stream.strided.scatter [tilespmem:s14], [sflag:$0x2], $0xC80, s7, s10, $0x38;
	[tilespmem:$0xCE40] =	vst v63  }
0xe4: {  	s31 =	sadd.s32 $0x3100, s21  }
0xe5: {  	[hbm4b:s31+s10] =	stream.strided.scatter [tilespmem:s15], [sflag:$0x2], $0xC80, s7, s10, $0x38;
	[tilespmem:$0xCE40] =	vst v63  }
0xe6: {  	s21 =	sadd.s32 $0x3480, s21  }
0xe7: {  	[hbm4b:s21+s10] =	stream.strided.scatter [tilespmem:s16], [sflag:$0x2], $0xC80, s7, s10, $0x38;
	[tilespmem:$0xCE40] =	vst v63  }
0xe8: {  	_ =	swait.ge [sflag:s17], $0xC80  }
0xe9: {  	[sflag:s17] =	ssyncset.done $0x0  }
0xea: {  	[sflag:s17] =	ssyncadd.s32 $0xFFFFF380  }
0xeb: {  	_ =	swait.ge [sflag:s17], $0xC80  }
0xec: {  	[sflag:s17] =	ssyncset.done $0x0  }
0xed: {  	[sflag:s17] =	ssyncadd.s32 $0xFFFFF380  }
0xee: {  	_ =	swait.ge [sflag:s17], $0xC80  }
0xef: {  	[sflag:s17] =	ssyncset.done $0x0  }
0xf0: {  	[sflag:s17] =	ssyncadd.s32 $0xFFFFF380  }
0xf1: {  	_ =	swait.ge [sflag:s17], $0xC80  }
0xf2: {  	[sflag:s17] =	ssyncset.done $0x0  }
0xf3: {  	[sflag:s17] =	ssyncadd.s32 $0xFFFFF380  }
0xf4: {  	_ =	swait.ge [sflag:s17], $0xC80  }
0xf5: {  	[sflag:s17] =	ssyncset.done $0x0  }
0xf6: {  	[sflag:s17] =	ssyncadd.s32 $0xFFFFF380  }
0xf7: {  	_ =	swait.ge [sflag:s17], $0xC80  }
0xf8: {  	[sflag:s17] =	ssyncset.done $0x0  }
0xf9: {  	[sflag:s17] =	ssyncadd.s32 $0xFFFFF380  }
0xfa: {  	_ =	swait.ge [sflag:s17], $0xC80  }
0xfb: {  	[sflag:s17] =	ssyncset.done $0x0  }
0xfc: {  	[sflag:s17] =	ssyncadd.s32 $0xFFFFF380  }
0xfd: {  	_ =	swait.ge [sflag:s17], $0xC80  }
0xfe: {  	[sflag:s17] =	ssyncset.done $0x0  }
0xff: {  	[sflag:s17] =	ssyncadd.s32 $0xFFFFF380  }
0x100: {  	_ =	swait.ge [sflag:s17], $0xC80  }
0x101: {  	[sflag:s17] =	ssyncset.done $0x0  }
0x102: {  	[sflag:s17] =	ssyncadd.s32 $0xFFFFF380  }
0x103: {  	_ =	swait.ge [sflag:s17], $0xC80  }
0x104: {  	[sflag:s17] =	ssyncset.done $0x0  }
0x105: {  	[sflag:s17] =	ssyncadd.s32 $0xFFFFF380  }
0x106: {  	_ =	swait.ge [sflag:s17], $0xC80  }
0x107: {  	[sflag:s17] =	ssyncset.done $0x0  }
0x108: {  	[sflag:s17] =	ssyncadd.s32 $0xFFFFF380  }
0x109: {  	_ =	swait.ge [sflag:s17], $0xC80  }
0x10a: {  	[sflag:s17] =	ssyncset.done $0x0  }
0x10b: {  	[sflag:s17] =	ssyncadd.s32 $0xFFFFF380  }
0x10c: {  	_ =	swait.ge [sflag:s17], $0xC80  }
0x10d: {  	[sflag:s17] =	ssyncset.done $0x0  }
0x10e: {  	[sflag:s17] =	ssyncadd.s32 $0xFFFFF380  }
0x10f: {  	_ =	swait.ge [sflag:s17], $0xC80  }
0x110: {  	[sflag:s17] =	ssyncset.done $0x0  }
0x111: {  	[sflag:s17] =	ssyncadd.s32 $0xFFFFF380  }
0x112: {  	p0 =	sne.s32 s20, $0x6C800;
	_ =	swait.ge [sflag:s17], $0xC80  }
.Ltmp0:
0x113: {  	[sflag:s17] =	ssyncset.done $0x0;
	(pc) =	sbr.rel @p0 .LBB2_2-.Ltmp0, $4  }
0x114: {  	[sflag:s17] =	ssyncadd.s32 $0xFFFFF380  }
0x115: {  	_ =	swait.ge [sflag:s17], $0xC80  }
0x116: {  	[sflag:s17] =	ssyncset.done $0x0  }
0x117: {  	s19 =	sadd.s32 $0x64, s19;
	s20 =	sadd.s32 $0x3800, s20;
	[sflag:s17] =	ssyncadd.s32 $0xFFFFF380  }
0x118: {  	s18 =	sadd.s32 $0x1, s18  }
0x119: {  	p0 =	sne.s32 s18, s4  }
.Ltmp1:
0x11a: {  	_ = 	snop;
	(pc) =	sbr.rel @p0 .LBB2_1-.Ltmp1, $1  }
0x11b: {  	_ =	sdelay $0x3  }
0x11c: {  	_ =	sfence.sel $0x180000  }
0x11d: {  	[bflag:$0x0] =	sbarrier.arrive $0xFFFF  }
0x11e: {  	p0 =	sne.s32 s0, $0x0;
	_ =	strace $0x90000047  }
0x11f: {  	s0 =	sadd.s32 @!p0 $0x100000, s1;
	[bflag:$0x2] =	sbarrier.arrive $0xFFFF  }
0x120: {  	[sflag:s0] =	ssyncadd.tile.s32 @!p0 $0x1;
	_ =	shalt  }
.Lfunc_end2:
_tile_overlayer_lowered:
.L_overlay_start_2:
0x121: {  	(tag) =	ssettag $0x2  }
0x122: {  	s0 =	rddreg [dreg:$0x0];
	s2 =	stileid.u32  }
0x123: {  	s1 =	rddreg [dreg:$0x1];
	p0 =	sne.s32 s2, $0x0  }
0x124: {  	s3 =	rddreg [dreg:$0x2];
	[bflag:$0x3] =	sbarrier.arrive $0xFFFF;
	s2 =	simm.s32 @!p0 $0x1C03  }
0x125: {  	[timem:s3], [sflag:s2] =	dma.local @!p0 [hbm:s0], s1  }
0x126: {  	s0 =	simm.s32 @!p0 $0x3  }
0x127: {  	_ =	swait.ge @!p0 [sflag:s0], s1  }
0x128: {  	s1 =	ssub.s32 @!p0 $0x0, s1;
	[sflag:s0] =	ssyncset.done @!p0 $0x0  }
0x129: {  	[sflag:s0] =	ssyncadd.s32 @!p0 s1  }
0x12a: {  	[bflag:$0x3] =	sbarrier.arrive $0xFFFF  }
0x12b: {  	_ =	shalt  }

// kernel: sparse-core-data-format-call.cloned.1.call-start
scs
called_computation_lowered:
.L_overlay_start_0:
0x0: {  	s2 =	sld [smem:$0x3FD9]  }
0x1: {  	s3 =	sld [smem:$0x3FFE];
	_ =	sdelay $0x1  }
0x2: {  	s1 =	srdreg.scid  }
0x3: {  	s0 =	sand.u32 $0x1, s1  }
0x4: {  	s18 =	sshll.u32 s0, $0xA;
	s2 =	sadd.s32 s3, s2  }
0x5: {  	s2 =	sadd.s32 s2, s18  }
0x6: {  	[smem:$0x3FC2] =	sst s2  }
0x7: {  	_ = 	snop  }
0x8: {  	s2 =	sld [smem:$0x3FD0];
	(tm) =	ssettm $0x1  }
0x9: {  	s19 =	sld [smem:$0x3FFB];
	_ =	sdelay $0x3  }
0xa: {  	_ =	strace s19  }
0xb: {  	s3 =	sld [smem:$0x3FFC];
	_ =	sdelay $0x3  }
0xc: {  	_ =	strace s3  }
0xd: {  	s3 =	sld [smem:$0x3FFD];
	_ =	sdelay $0x3  }
0xe: {  	_ =	strace s3  }
0xf: {  	_ =	strace $0x8FFFFFFF  }
0x10: {  	s20 =	sld [smem:$0x3FDB];
	_ =	sdelay $0x1  }
0x11: {  	s4 =	simm.s32 $_scs_section_size  }
0x12: {  	s5 =	simm.s32 $_size__tile_overlayer_lowered;
	s6 =	simm.s32 $_tile_overlayer_lowered  }
0x13: {  	s23 =	simm.s32 $0x1BFF;
	s22 =	sshll.u32 s6, $0x1;
	s3 =	sadd.s32 s4, s20  }
0x14: {  	s7 =	simm.s32 $0x0;
	s21 =	sshll.u32 s5, $0x1;
	s5 =	sadd.s32 s22, s3  }
0x15: {  	[timem:s7], [sflag:s23] =	dma.local [hbm:s5], s21  }
0x16: {  	_ =	swait.ge [sflag:s23], s21  }
0x17: {  	s4 =	ssub.s32 $0x0, s21;
	[sflag:s23] =	ssyncset.done $0x0  }
0x18: {  	[sflag:s23] =	ssyncadd.s32 s4;
	_ =	sdelay $0x1  }
0x19: {  	s24 =	simm.s32 $0x1B8B  }
0x1a: {  	_ =	swait.ge [sflag:s24], $0x1  }
0x1b: {  	[sflag:s24] =	ssyncset.done $0x0  }
0x1c: {  	s26 =	simm.s32 $0x1B8E;
	s25 =	sld [smem:$0x3FFE];
	[sflag:s24] =	ssyncadd.s32 $0xFFFFFFFF  }
0x1d: {  	s27 =	simm.s32 $execute0_lowered;
	[smem:$0x3FD2] =	sst s26  }
0x1e: {  	s5 =	sshll.u32 s27, $0x1;
	_ =	strace $0x80000049;
	[dreg:$0x1] =	wrdreg $0xFFFFFFFF  }
0x1f: {  	s28 =	simm.s32 $_size_execute0_lowered;
	s3 =	sadd.s32 s3, s5;
	[dreg:$0x0] =	wrdreg $0x0  }
0x20: {  	s5 =	sshll.u32 s28, $0x1;
	[dreg:$0x2] =	wrdreg s3  }
0x21: {  	[dreg:$0x3] =	wrdreg s5  }
0x22: {  	[dreg:$0x4] =	wrdreg $0xC0  }
0x23: {  	_ =	task [dreg:s7], $0x5FFFF  }
0x24: {  	[dreg:$0x1] =	wrdreg $0xFFFFFFFF  }
0x25: {  	[dreg:$0x0] =	wrdreg $0x60  }
0x26: {  	[dreg:$0x2] =	wrdreg s25  }
0x27: {  	[dreg:$0x3] =	wrdreg s2  }
0x28: {  	[dreg:$0x4] =	wrdreg $0x9  }
0x29: {  	_ =	task.clear_ibuf [dreg:s7], $0x5FFFF;
	_ =	strace $0x90000049  }
0x2a: {  	s29 =	simm.s32 $0x9;
	_ =	strace $0x8000004B  }
0x2b: {  	_ =	swait.ge [sflag:s29], $0x1  }
0x2c: {  	[sflag:s29] =	ssyncadd.s32 $0xFFFFFFFF  }
0x2d: {  	_ =	strace $0x9000004B  }
0x2e: {  	_ =	sfence  }
0x2f: {  	s30 =	sld [smem:$0x0];
	_ =	sdelay $0x2  }
0x30: {  	s31 =	sshll.u32 s1, $0xD;
	s1 =	sshrl.u32 s1, $0x2  }
0x31: {  	s3 =	sand.u32 $0x4000, s31;
	s1 =	sadd.s32 s1, s30  }
0x32: {  	s0 =	sor.u32 s3, s0;
	s1 =	sshll.u32 s1, $0x11  }
0x33: {  	s0 =	sor.u32 s1, s0  }
0x34: {  	s0 =	sadd.s32 $0x8F2B, s0  }
0x35: {  	[sflag:s0] =	ssyncadd.remote.s32 $0x1  }
0x36: {  	_ =	sfence.sel $0xFFFF  }
0x37: {  	[dreg:$0x0] =	wrdreg $0xFFFFFFFF;
	(pc) =	sbr.abs _section_cstart, $3  }
0x38: {  	[dreg:$0x1] =	wrdreg $0xFFFFFFFF  }
0x39: {  	_ =	task.clear_ibuf [dreg:s7], $0x2FFFF;
	_ =	strace $0x9FFFFFFF  }
0x3a: {  	(tm) =	ssettm $0x7FFFFFFF  }
0x3b: {  	_ =	shalt  }
tec
execute0_lowered:
.L_overlay_start_1:
0x0: {  	(tag) =	ssettag $0x1  }
0x1: {  	s0 =	srdreg.scid  }
0x2: {  	s1 =	sshll.u32 s0, $0x4  }
0x3: {  	s0 =	stileid.u32;
	s1 =	sand.u32 $0x10, s1  }
0x4: {  	s1 =	sor.u32 s0, s1  }
0x5: {  	s6 =	rddreg [dreg:$0x0];
	s4 =	simm.s32 $0x1;
	s2 =	sshll.u32 s1, $0x7  }
0x6: {  	s7 =	simm.s32 $0x2;
	s12 =	simm.s32 $0x0;
	s1 =	ssub.s32 $0x4000, s2  }
0x7: {  	s8 =	simm.s32 $0x20000;
	s13 =	simm.s32 $0x0;
	s3 =	sand.u32 $0xF80, s1  }
0x8: {  	s9 =	simm.s32 $0x0;
	s5 =	sshrl.u32 s1, $0xC;
	p0 =	sne.s32 s3, $0x0  }
.Ltmp0:
0x9: {  	s1 =	rddreg [dreg:$0x2];
	s4 =	simm.s32 @!p0 $0x0;
	(pc) =	sbr.rel .LBB1_1-.Ltmp0, $4  }
0xa: {  	s11 =	simm.s32 $0x0;
	s3 =	rddreg [dreg:$0x1];
	s5 =	sadd.s32 s4, s5  }
0xb: {  	_ =	strace $0x8000004A;
	s4 =	simm.s32 $0x1;
	s5 =	smul.u32 $0x32, s5  }
0xc: {  	s6 =	sadd.s32 $0x7A9000, s6;
	s10 =	smov.u32 s2;
	[sflag:s4] =	ssyncpa.u1 $0x0  }
0xd: {  	p0 =	por $0x0, $0x0;
	[sflag:s7] =	ssyncpa.u1 $0x0;
	s7 =	sor.u32 $0x1, s5  }
.LBB1_4:
0xe: {  	s16 =	sshll.u32 s13, $0x3;
	s17 =	sand.u32 $0x78, s13  }
0xf: {  	s30 =	sand.u32 $0x1F800, s13;
	s12 =	sshll.u32 s12, $0x11;
	s16 =	sand.u32 $0x3C00, s16  }
0x10: {  	[tilespmem:s15+$0x810 ss:$0x81] =	vst.msk $0xffff, v2;
	s31 =	sand.u32 $0x7, s13;
	s16 =	sor.u32 s17, s16;
	s17 =	sadd.s32 s3, s30  }
0x11: {  	[tilespmem:s15+$0x1020 ss:$0x81] =	vst.msk $0xffff, v0;
	s13 =	sshll.u32 s31, $0x12;
	s12 =	sadd.s32 s12, s17;
	s16 =	sshrl.u32 s16, $0x3  }
0x12: {  	[tilespmem:s15+$0x0 ss:$0x81] =	vst.msk $0xffff, v1;
	s13 =	sor.u32 $0x400, s13;
	s12 =	sadd.s32 s16, s12  }
0x13: {  	[hbm4b:s12+s13] =	stream.strided.scatter [tilespmem:s14], [sflag:$0x2], $0x2000, s8, s13, $0x20;
	[tilespmem:$0x8080] =	vst v63  }
.LBB1_5:
0x14: {  	s14 =	sadd.s32 $0x1, s9  }
0x15: {  	s12 =	sadd.s32 $0x1000, s10;
	s16 =	smov.u32 s10;
	p2 =	sgt.s32 s14, $0x31  }
0x16: {  	s16 =	smov.u32 @p2 s12  }
0x17: {  	s14 =	simm.s32 @p2 $0x0;
	p2 =	sgt.s32 s16, $0x3FFF  }
0x18: {  	s16 =	smov.u32 @p2 s2;
	p2 =	sne.s32 s11, s7  }
.Ltmp1:
0x19: {  	p1 =	slt.u32 s11, $0x2;
	(pc) =	sbr.rel @!p2 .LBB1_6-.Ltmp1, $4  }
0x1a: {  	s15 =	simm.s32 @!p1 $0x2  }
0x1b: {  	s13 =	smov.u32 s10;
	p0 =	por !p0, !p0;
	_ =	swait.ge @!p1 [sflag:s15], $0x2000  }
0x1c: {  	s12 =	smov.u32 s9;
	[sflag:s15] =	ssyncset.done @!p1 $0x0;
	s9 =	smov.u32 s14  }
0x1d: {  	s11 =	sadd.s32 $0x1, s11;
	[sflag:s15] =	ssyncadd.s32 @!p1 $0xFFFFE000;
	s10 =	smov.u32 s16  }
.LBB1_1:
0x1e: {  	p1 =	sge.u32 s11, s5  }
0x1f: {  	s14 =	sand.u32 @!p1 $0x1FFFFFF, s9  }
0x20: {  	s15 =	smulhi.u32 @!p1 $0x4924925, s14;
	_ =	sdelay $0x1  }
0x21: {  	s15 =	smul.u32 @!p1 $0x38, s15  }
0x22: {  	s16 =	sxor.u32 @!p1 $0xFFFFFFFF, s11;
	s17 =	smul.u32 @!p1 $0x380, s10  }
0x23: {  	s31 =	sadd.s32 $0xFFFFFFFF, s11;
	s16 =	sshll.u32 @!p1 s16, $0xD;
	s14 =	ssub.s32 @!p1 s14, s15  }
0x24: {  	s15 =	sand.u32 @!p1 $0x2000, s16;
	s16 =	sadd.s32 @!p1 s6, s17;
	s14 =	sshll.u32 @!p1 s14, $0x4  }
0x25: {  	s17 =	simm.s32 @!p1 $0x1C00;
	s14 =	sadd.s32 @!p1 s14, s16;
	s16 =	simm.s32 @!p1 $0x40  }
0x26: {  	[tilespmem:s15], [sflag:$0x1] =	stream.strided.gather @!p1 [hbm4b:s14+s16], $0x2000, s17, s16, $0x38;
	[tilespmem:$0x8080] =	vst v63  }
0x27: {  	p1 =	sge.u32 s31, s5  }
.Ltmp2:
0x28: {  	_ = 	snop;
	(pc) =	sbr.rel @p1 .LBB1_5-.Ltmp2, $1  }
0x29: {  	_ =	sdelay $0x3  }
0x2a: {  	s14 =	simm.s32 $0x1  }
0x2b: {  	_ =	swait.ge [sflag:s4], $0x2000;
	s14 =	simm.s32 @!p0 $0x0  }
0x2c: {  	[sflag:s4] =	ssyncset.done $0x0;
	s15 =	sshll.u32 s14, $0xD  }
0x2d: {  	[sflag:s4] =	ssyncadd.s32 $0xFFFFE000;
	s18 =	sor.u32 $0x20, s15  }
0x2e: {  	s14 =	smul.u32 $0x8100, s14;
	v3 =	vld [tilespmem:s18+$0x10]  }
0x2f: {  	s30 =	sand.u32 $0x1, s11;
	v2 =	vld [tilespmem:s18+$0xFFFFFFF0]  }
0x30: {  	s15 =	smul.u32 $0x8100, s30;
	s14 =	sshrl.u32 s14, $0x2;
	v0 =	vld [tilespmem:s18+$0x0]  }
0x31: {  	v1 =	vld [tilespmem:s18+$0xFFFFFFE0];
	s16 =	sor.u32 $0x4000, s14  }
0x32: {  	s31 =	sshrl.u32 s15, $0x2;
	s15 =	sadd.s32 $0x0, s16  }
0x33: {  	s17 =	simm.s32 $0x4;
	s18 =	sadd.s32 $0x40, s18;
	s14 =	sor.u32 $0x4000, s31;
	[tilespmem:s15+$0x1830 ss:$0x81] =	vst.msk $0xffff, v3  }
.LBB1_3:
0x34: {  	v3 =	vld [tilespmem:s18+$0x10];
	p1 =	sne.s32 s17, $0x1FC;
	[tilespmem:s15+$0x810 ss:$0x81] =	vst.msk $0xffff, v2;
	s19 =	smov.u32 s17;
	s17 =	sadd.s32 $0x4, s17  }
.Ltmp3:
0x35: {  	v2 =	vld [tilespmem:s18+$0xFFFFFFF0];
	[tilespmem:s15+$0x1020 ss:$0x81] =	vst.msk $0xffff, v0;
	(pc) =	sbr.rel @p1 .LBB1_3-.Ltmp3, $4  }
0x36: {  	v0 =	vld [tilespmem:s18+$0x0];
	[tilespmem:s15+$0x0 ss:$0x81] =	vst.msk $0xffff, v1  }
0x37: {  	s15 =	sshra.s32 s19, $0x2;
	v1 =	vld [tilespmem:s18+$0xFFFFFFE0]  }
0x38: {  	s15 =	sadd.s32 s15, s16  }
0x39: {  	s18 =	sadd.s32 $0x40, s18;
	[tilespmem:s15+$0x1830 ss:$0x81] =	vst.msk $0xffff, v3  }
.Ltmp4:
0x3a: {  	_ = 	snop;
	(pc) =	sbr.rel .LBB1_4-.Ltmp4, $1  }
0x3b: {  	_ =	sdelay $0x3  }
.LBB1_6:
0x3c: {  	_ =	sfence.sel $0x180000  }
0x3d: {  	s2 =	simm.s32 $0x1;
	[bflag:$0x0] =	sbarrier.arrive $0xFFFF  }
0x3e: {  	s31 =	simm.s32 $0x2;
	[sflag:s2] =	ssyncpa.u1 $0x1  }
0x3f: {  	[sflag:s31] =	ssyncpa.u1 $0x1  }
0x40: {  	p0 =	sne.s32 s0, $0x0;
	_ =	strace $0x9000004A  }
0x41: {  	s0 =	sadd.s32 @!p0 $0x100000, s1;
	[bflag:$0x2] =	sbarrier.arrive $0xFFFF  }
0x42: {  	[sflag:s0] =	ssyncadd.tile.s32 @!p0 $0x1;
	_ =	shalt  }
.Lfunc_end1:
_tile_overlayer_lowered:
.L_overlay_start_2:
0x43: {  	(tag) =	ssettag $0x2  }
0x44: {  	s0 =	rddreg [dreg:$0x0];
	s2 =	stileid.u32  }
0x45: {  	s1 =	rddreg [dreg:$0x1];
	p0 =	sne.s32 s2, $0x0  }
0x46: {  	s3 =	rddreg [dreg:$0x2];
	[bflag:$0x3] =	sbarrier.arrive $0xFFFF;
	s2 =	simm.s32 @!p0 $0x1C01  }
0x47: {  	[timem:s3], [sflag:s2] =	dma.local @!p0 [hbm:s0], s1  }
0x48: {  	s0 =	simm.s32 @!p0 $0x1  }
0x49: {  	_ =	swait.ge @!p0 [sflag:s0], s1  }
0x4a: {  	s1 =	ssub.s32 @!p0 $0x0, s1;
	[sflag:s0] =	ssyncset.done @!p0 $0x0  }
0x4b: {  	[sflag:s0] =	ssyncadd.s32 @!p0 s1  }
0x4c: {  	[bflag:$0x3] =	sbarrier.arrive $0xFFFF  }
0x4d: {  	_ =	shalt  }

</sc_bundles>
